<compile_context>
chip_gen: v7x
topology: tpu7x:2x2x1
jax: 0.10.2.dev20260603
libtpu: 0.0.44.dev20260713+nightly
codegen_flags: <defaults>
</compile_context>

<pallas_src>
import functools

import jax
import jax.numpy as jnp
from jax import lax
from jax.experimental import pallas as pl
from jax.experimental.pallas import tpu as pltpu
from jax.experimental.pallas import tpu_sc as plsc

N = 10000
D = 128
H1 = 64
H2 = 32
E = 320000

NPAD = 10240
ROWS_PER_TILE = NPAD // 16
EPW = E // 32
CHUNK = 128
CPT = 78
TAIL = EPW - CPT * CHUNK
DEGW = 8


def _sc_mesh():
    return plsc.VectorSubcoreMesh(core_axis_name="c", subcore_axis_name="s")


def _idx(ref, j):
    return ref.at[pl.ds(j * CHUNK, CHUNK)]


def _zero_rows(buf, nrows, ncols):
    zv = jnp.zeros((16,), jnp.float32)

    def body(i, _):
        for j in range(ncols // 16):
            buf[i, pl.ds(j * 16, 16)] = zv
        return 0

    lax.fori_loop(0, nrows, body, 0)


def _deg_kernel(dst1d, zeros8, ones8, out, dst_v, ones_v, acc, *ss):
    c = lax.axis_index("c")
    s = lax.axis_index("s")
    wid = c * 16 + s

    pltpu.sync_copy(ones8, ones_v)
    pltpu.sync_copy(zeros8, acc.at[pl.ds(s * ROWS_PER_TILE, ROWS_PER_TILE)])
    pltpu.sync_copy(dst1d.at[pl.ds(wid * EPW, EPW)], dst_v)
    plsc.subcore_barrier()

    @pl.loop(0, CPT, step=6)
    def _(j0):
        for k in range(6):
            j = j0 + k

            @pl.when(j >= 6)
            def _():
                pltpu.make_async_copy(
                    ones_v, acc.at[_idx(dst_v, j - 6)], ss[k]).wait()

            pltpu.async_copy(ones_v, acc.at[_idx(dst_v, j)], ss[k], add=True)

    pltpu.sync_copy(ones_v.at[pl.ds(0, TAIL)],
                    acc.at[dst_v.at[pl.ds(CPT * CHUNK, TAIL)]], add=True)

    for j in range(CPT - 6, CPT):
        pltpu.make_async_copy(
            ones_v, acc.at[_idx(dst_v, j)], ss[j % 6]).wait()

    plsc.subcore_barrier()
    pltpu.sync_copy(
        acc.at[pl.ds(s * ROWS_PER_TILE, ROWS_PER_TILE)],
        out.at[c, pl.ds(s * ROWS_PER_TILE, ROWS_PER_TILE)],
    )


NBUF = 6
LOOKAHEAD = 4


def _agg_body(H, table, src1d, dst1d, out, src_v, dst_v, tbuf, *rest):
    bufs = rest[:NBUF]
    acc = rest[NBUF]
    gs = rest[NBUF + 1:NBUF + 1 + NBUF]
    ss = rest[NBUF + 1 + NBUF:]
    c = lax.axis_index("c")
    s = lax.axis_index("s")
    wid = c * 16 + s
    row0 = s * ROWS_PER_TILE

    _zero_rows(bufs[0], CHUNK, H)
    for r in range(ROWS_PER_TILE // CHUNK):
        pltpu.sync_copy(bufs[0], acc.at[pl.ds(row0 + r * CHUNK, CHUNK)])

    pltpu.sync_copy(src1d.at[pl.ds(wid * EPW, EPW)], src_v)
    pltpu.sync_copy(dst1d.at[pl.ds(wid * EPW, EPW)], dst_v)

    for k in range(LOOKAHEAD):
        pltpu.async_copy(table.at[_idx(src_v, k)], bufs[k], gs[k])
    plsc.subcore_barrier()

    @pl.loop(0, CPT, step=NBUF)
    def _(j0):
        for k in range(NBUF):
            j = j0 + k
            bw = (k + NBUF - 2) % NBUF

            @pl.when(j >= 2)
            def _():
                pltpu.make_async_copy(
                    bufs[bw], acc.at[_idx(dst_v, j - 2)], ss[bw]).wait()

            @pl.when(j + LOOKAHEAD < CPT)
            def _():
                bg = (k + LOOKAHEAD) % NBUF
                pltpu.async_copy(table.at[_idx(src_v, j + LOOKAHEAD)],
                                 bufs[bg], gs[bg])

            pltpu.make_async_copy(table.at[_idx(src_v, j)], bufs[k], gs[k]).wait()
            pltpu.async_copy(bufs[k], acc.at[_idx(dst_v, j)], ss[k], add=True)

    pltpu.sync_copy(table.at[src_v.at[pl.ds(CPT * CHUNK, TAIL)]], tbuf)
    pltpu.sync_copy(tbuf, acc.at[dst_v.at[pl.ds(CPT * CHUNK, TAIL)]], add=True)

    for j in range(CPT - 2, CPT):
        pltpu.make_async_copy(
            bufs[j % NBUF], acc.at[_idx(dst_v, j)], ss[j % NBUF]).wait()

    plsc.subcore_barrier()
    pltpu.sync_copy(
        acc.at[pl.ds(s * ROWS_PER_TILE, ROWS_PER_TILE)],
        out.at[c, pl.ds(s * ROWS_PER_TILE, ROWS_PER_TILE)],
    )


def _make_deg():
    return pl.kernel(
        _deg_kernel,
        out_type=jax.ShapeDtypeStruct((2, NPAD, DEGW), jnp.float32),
        mesh=_sc_mesh(),
        compiler_params=pltpu.CompilerParams(use_tc_tiling_on_sc=False),
        scratch_types=[
            pltpu.VMEM((EPW,), jnp.int32),
            pltpu.VMEM((CHUNK, DEGW), jnp.float32),
            pltpu.VMEM_SHARED((NPAD, DEGW), jnp.float32),
        ] + [pltpu.SemaphoreType.DMA] * 6,
    )


def _make_agg(H):
    return pl.kernel(
        functools.partial(_agg_body, H),
        out_type=jax.ShapeDtypeStruct((2, NPAD, H), jnp.float32),
        mesh=_sc_mesh(),
        compiler_params=pltpu.CompilerParams(use_tc_tiling_on_sc=False),
        scratch_types=[
            pltpu.VMEM((EPW,), jnp.int32),
            pltpu.VMEM((EPW,), jnp.int32),
            pltpu.VMEM((TAIL, H), jnp.float32),
        ] + [pltpu.VMEM((CHUNK, H), jnp.float32)] * NBUF
        + [pltpu.VMEM_SHARED((NPAD, H), jnp.float32)]
        + [pltpu.SemaphoreType.DMA] * (2 * NBUF),
    )


QR = NPAD // 4
QBLK = 256
GRID = QR // QBLK


def _dinv_quad(degp_ref, width):
    rows = degp_ref.shape[1]
    lane = lax.broadcasted_iota(jnp.int32, (rows, 4 * width), 1) // width
    out = jnp.zeros((rows, 4 * width), jnp.float32)
    for q in range(4):
        d = lax.rsqrt(degp_ref[0, :, DEGW * q:DEGW * q + 1]
                      + degp_ref[1, :, DEGW * q:DEGW * q + 1] + 1.0)
        out = jnp.where(lane == q, d, out)
    return out


def _slice_body(ei_ref, s_ref, d_ref):
    s_ref[...] = ei_ref[0, :]
    d_ref[...] = ei_ref[1, :]


def _prep1_body(x4_ref, w1q_ref, degp_ref, o_ref):
    h1 = jnp.dot(x4_ref[...], w1q_ref[...], preferred_element_type=jnp.float32)
    o_ref[...] = h1 * _dinv_quad(degp_ref, H1)


def _mid_body(aggp_ref, h1p_ref, degp_ref, w2q_ref, b1q_ref, o_ref):
    agg = aggp_ref[0] + aggp_ref[1]
    z1 = jnp.maximum(
        _dinv_quad(degp_ref, H1) * (agg + h1p_ref[...]) + b1q_ref[...], 0.0)
    h2 = jnp.dot(z1, w2q_ref[...], preferred_element_type=jnp.float32)
    o_ref[...] = h2 * _dinv_quad(degp_ref, H2)


def _fin_body(aggp_ref, h2p_ref, degp_ref, wcq_ref, b2q_ref, bc_ref, o_ref):
    agg = aggp_ref[0] + aggp_ref[1]
    z2 = jnp.maximum(
        _dinv_quad(degp_ref, H2) * (agg + h2p_ref[...]) + b2q_ref[...], 0.0)
    logit = jnp.dot(z2, wcq_ref[...], preferred_element_type=jnp.float32)
    o_ref[...] = jax.nn.sigmoid(logit + bc_ref[...])


def _row_spec(rows, last):
    return pl.BlockSpec((rows, last), lambda i: (i, 0))


def _part_spec(rows, last):
    return pl.BlockSpec((2, rows, last), lambda i: (0, i, 0))


def _full_spec(shape):
    return pl.BlockSpec(shape, lambda i: tuple(0 for _ in shape))


def _bdiag4(w):
    return jax.scipy.linalg.block_diag(w, w, w, w)


def kernel(x, edge_index, W1, b1, W2, b2, Wc, bc):
    src1d, dst1d = pl.pallas_call(
        _slice_body,
        grid=(1,),
        in_specs=[pl.BlockSpec((2, E), lambda i: (0, 0))],
        out_specs=[pl.BlockSpec((E,), lambda i: (0,))] * 2,
        out_shape=[jax.ShapeDtypeStruct((E,), jnp.int32)] * 2,
    )(edge_index)

    x4 = jnp.pad(x, ((0, NPAD - N), (0, 0))).reshape(QR, 4 * D)
    w1q = _bdiag4(W1)
    w2q = _bdiag4(W2)
    wcq = _bdiag4(Wc)
    b1q = jnp.tile(b1, 4).reshape(1, 4 * H1)
    b2q = jnp.tile(b2, 4).reshape(1, 4 * H2)

    zeros8 = jnp.zeros((ROWS_PER_TILE, DEGW), jnp.float32)
    ones8 = jnp.ones((CHUNK, DEGW), jnp.float32)
    degp = _make_deg()(dst1d, zeros8, ones8)
    degp4 = degp.reshape(2, QR, 4 * DEGW)

    h1p = pl.pallas_call(
        _prep1_body,
        grid=(GRID,),
        in_specs=[_row_spec(QBLK, 4 * D), _full_spec((4 * D, 4 * H1)),
                  _part_spec(QBLK, 4 * DEGW)],
        out_specs=_row_spec(QBLK, 4 * H1),
        out_shape=jax.ShapeDtypeStruct((QR, 4 * H1), jnp.float32),
    )(x4, w1q, degp4)

    agg1 = _make_agg(H1)(h1p.reshape(NPAD, H1), src1d, dst1d)

    h2p = pl.pallas_call(
        _mid_body,
        grid=(GRID,),
        in_specs=[
            _part_spec(QBLK, 4 * H1),
            _row_spec(QBLK, 4 * H1),
            _part_spec(QBLK, 4 * DEGW),
            _full_spec((4 * H1, 4 * H2)),
            _full_spec((1, 4 * H1)),
        ],
        out_specs=_row_spec(QBLK, 4 * H2),
        out_shape=jax.ShapeDtypeStruct((QR, 4 * H2), jnp.float32),
    )(agg1.reshape(2, QR, 4 * H1), h1p, degp4, w2q, b1q)

    agg2 = _make_agg(H2)(h2p.reshape(NPAD, H2), src1d, dst1d)

    out4 = pl.pallas_call(
        _fin_body,
        grid=(GRID,),
        in_specs=[
            _part_spec(QBLK, 4 * H2),
            _row_spec(QBLK, 4 * H2),
            _part_spec(QBLK, 4 * DEGW),
            _full_spec((4 * H2, 4)),
            _full_spec((1, 4 * H2)),
            _full_spec((1, 1)),
        ],
        out_specs=_row_spec(QBLK, 4),
        out_shape=jax.ShapeDtypeStruct((QR, 4), jnp.float32),
    )(agg2.reshape(2, QR, 4 * H2), h2p, degp4, wcq, b2q, bc.reshape(1, 1))

    return out4.reshape(NPAD, 1)[:N]

# --- scband reference (transcript-rebuilt; emitter-appended) ---
"""Pipeline reference for scband-fraud-graph-sage-28570122453616 (READ-ONLY COPY).

The authoritative reference and input builder live on the scoring server;
editing this copy changes nothing except your own understanding.
"""

import jax, jax.numpy as jnp
import numpy as np

N = 10000
E = 320000
D = 128
H1 = 64
H2 = 32


def setup_inputs(seed: int = 0) -> dict:
    key = jax.random.key(seed)
    ks = jax.random.split(key, 8)
    x = jax.random.normal(ks[0], (N, D), dtype=jnp.float32)
    edge_index = jax.random.randint(ks[1], (2, E), 0, N, dtype=jnp.int32)
    W1 = jax.random.normal(ks[2], (D, H1), dtype=jnp.float32) * (1.0 / np.sqrt(D))
    b1 = jnp.zeros((H1,), dtype=jnp.float32)
    W2 = jax.random.normal(ks[3], (H1, H2), dtype=jnp.float32) * (1.0 / np.sqrt(H1))
    b2 = jnp.zeros((H2,), dtype=jnp.float32)
    Wc = jax.random.normal(ks[4], (H2, 1), dtype=jnp.float32) * (1.0 / np.sqrt(H2))
    bc = jnp.zeros((1,), dtype=jnp.float32)
    return {"x": x, "edge_index": edge_index, "W1": W1, "b1": b1, "W2": W2, "b2": b2, "Wc": Wc, "bc": bc}


def _gcn_conv(x, src, dst, W, b):
    # PyG GCNConv: x' = D^{-1/2} (A + I) D^{-1/2} X W + b
    n = x.shape[0]
    loop = jnp.arange(n, dtype=src.dtype)
    s = jnp.concatenate([src, loop])
    d = jnp.concatenate([dst, loop])
    deg = jnp.zeros((n,), dtype=x.dtype).at[d].add(1.0)
    dinv = jnp.where(deg > 0, 1.0 / jnp.sqrt(deg), 0.0)
    norm = dinv[s] * dinv[d]
    h = x @ W
    msg = h[s] * norm[:, None]
    out = jnp.zeros((n, h.shape[1]), dtype=x.dtype).at[d].add(msg)
    return out + b


def reference(x, edge_index, W1, b1, W2, b2, Wc, bc):
    src = edge_index[0]
    dst = edge_index[1]
    h = jax.nn.relu(_gcn_conv(x, src, dst, W1, b1))
    h = jax.nn.relu(_gcn_conv(h, src, dst, W2, b2))
    return jax.nn.sigmoid(h @ Wc + bc)

if __name__ == "__main__":
    import jax
    _d = setup_inputs()
    print(jax.jit(kernel)(*tuple(_d.values())))

</pallas_src>

<mosaic_0001>
#map = affine_map<(d0, d1) -> (0)>
#map1 = affine_map<(d0, d1) -> (0, 0)>
#map2 = affine_map<(d0, d1) -> (0, 0, 0)>
module attributes {stable_mosaic.version = 14 : i64} {
  func.func @_deg_kernel(%arg0: i32, %arg1: i32, %arg2: memref<320000xi32, #tpu.memory_space<hbm>>, %arg3: memref<640x8xf32, #tpu.memory_space<hbm>>, %arg4: memref<128x8xf32, #tpu.memory_space<hbm>>, %arg5: memref<2x10240x8xf32, #tpu.memory_space<hbm>>, %arg6: memref<10000xi32, #tpu.memory_space<vmem>>, %arg7: memref<128x8xf32, #tpu.memory_space<vmem>>, %arg8: memref<10240x8xf32, #tpu.memory_space<vmem_shared>>, %arg9: memref<!tpu.dma_semaphore, #tpu.memory_space<semaphore_mem>>, %arg10: memref<!tpu.dma_semaphore, #tpu.memory_space<semaphore_mem>>, %arg11: memref<!tpu.dma_semaphore, #tpu.memory_space<semaphore_mem>>, %arg12: memref<!tpu.dma_semaphore, #tpu.memory_space<semaphore_mem>>, %arg13: memref<!tpu.dma_semaphore, #tpu.memory_space<semaphore_mem>>, %arg14: memref<!tpu.dma_semaphore, #tpu.memory_space<semaphore_mem>>) attributes {dimension_semantics = [#tpu.dimension_semantics<core_parallel>, #tpu.dimension_semantics<subcore_parallel>], iteration_bounds = array<i64: 2, 16>, scalar_prefetch = 0 : i64, scratch_operands = 9 : i64, tpu.core_type = #tpu.core_type<sc_vector_subcore>, window_params = [{transform_indices = #map}, {transform_indices = #map1}, {transform_indices = #map1}, {transform_indices = #map2}]} {
    %mul3A = arith.constant 16 : i32
    %mul3A_0 = arith.muli %arg0, %mul3A : i32
    %add3A = arith.addi %mul3A_0, %arg1 : i32
    "tpu.region"() ({
      %run_scoped3A = tpu.sem_alloc : memref<!tpu.dma_semaphore, #tpu.memory_space<semaphore_mem>>
      tpu.enqueue_dma source(%arg4 : memref<128x8xf32, #tpu.memory_space<hbm>>) target(%arg7 : memref<128x8xf32, #tpu.memory_space<vmem>>) target_semaphore(%run_scoped3A : memref<!tpu.dma_semaphore, #tpu.memory_space<semaphore_mem>>)
      tpu.wait_dma2 semaphore(%run_scoped3A : memref<!tpu.dma_semaphore, #tpu.memory_space<semaphore_mem>>) src(%arg4 : memref<128x8xf32, #tpu.memory_space<hbm>>) dst(%arg7 : memref<128x8xf32, #tpu.memory_space<vmem>>)
      tpu.yield
    }) : () -> ()
    %mul3A_1 = arith.constant 640 : i32
    %mul3A_2 = arith.muli %arg1, %mul3A_1 : i32
    "tpu.region"() ({
      %run_scoped3A = tpu.sem_alloc : memref<!tpu.dma_semaphore, #tpu.memory_space<semaphore_mem>>
      %dma_start3A = arith.constant 0 : i32
      %dma_start3A_43 = tpu.memref_slice %arg8[%mul3A_2, %dma_start3A] : memref<10240x8xf32, #tpu.memory_space<vmem_shared>> -> memref<640x8xf32, #tpu.memory_space<vmem_shared>>
      tpu.enqueue_dma source(%arg3 : memref<640x8xf32, #tpu.memory_space<hbm>>) target(%dma_start3A_43 : memref<640x8xf32, #tpu.memory_space<vmem_shared>>) target_semaphore(%run_scoped3A : memref<!tpu.dma_semaphore, #tpu.memory_space<semaphore_mem>>)
      %dma_wait3A_44 = arith.constant 0 : i32
      %dma_wait3A_45 = tpu.memref_slice %arg8[%mul3A_2, %dma_wait3A_44] : memref<10240x8xf32, #tpu.memory_space<vmem_shared>> -> memref<640x8xf32, #tpu.memory_space<vmem_shared>>
      tpu.wait_dma2 semaphore(%run_scoped3A : memref<!tpu.dma_semaphore, #tpu.memory_space<semaphore_mem>>) src(%arg3 : memref<640x8xf32, #tpu.memory_space<hbm>>) dst(%dma_wait3A_45 : memref<640x8xf32, #tpu.memory_space<vmem_shared>>)
      tpu.yield
    }) : () -> ()
    %mul3A_3 = arith.constant 10000 : i32
    %mul3A_4 = arith.muli %add3A, %mul3A_3 : i32
    "tpu.region"() ({
      %run_scoped3A = tpu.sem_alloc : memref<!tpu.dma_semaphore, #tpu.memory_space<semaphore_mem>>
      %dma_start3A = tpu.memref_slice %arg2[%mul3A_4] : memref<320000xi32, #tpu.memory_space<hbm>> -> memref<10000xi32, #tpu.memory_space<hbm>>
      %dma_start3A_43 = tpu.memref_slice %arg2[%mul3A_4] : memref<320000xi32, #tpu.memory_space<hbm>> -> memref<10000xi32, #tpu.memory_space<hbm>>
      tpu.enqueue_dma source(%dma_start3A_43 : memref<10000xi32, #tpu.memory_space<hbm>>) target(%arg6 : memref<10000xi32, #tpu.memory_space<vmem>>) target_semaphore(%run_scoped3A : memref<!tpu.dma_semaphore, #tpu.memory_space<semaphore_mem>>)
      %dma_wait3A_44 = tpu.memref_slice %arg2[%mul3A_4] : memref<320000xi32, #tpu.memory_space<hbm>> -> memref<10000xi32, #tpu.memory_space<hbm>>
      %dma_wait3A_45 = tpu.memref_slice %arg2[%mul3A_4] : memref<320000xi32, #tpu.memory_space<hbm>> -> memref<10000xi32, #tpu.memory_space<hbm>>
      tpu.wait_dma2 semaphore(%run_scoped3A : memref<!tpu.dma_semaphore, #tpu.memory_space<semaphore_mem>>) src(%dma_wait3A_45 : memref<10000xi32, #tpu.memory_space<hbm>>) dst(%arg6 : memref<10000xi32, #tpu.memory_space<vmem>>)
      tpu.yield
    }) : () -> ()
    %barrier3A = arith.constant 0 : index
    tpu.barrier barrier_id(%barrier3A)
    %scan3A = arith.constant 0 : i32
    %scan3A_5 = arith.constant 13 : i32
    %scan3A_6 = arith.addi %scan3A, %scan3A_5 : i32
    %scan3A_7 = arith.constant 1 : i32
    scf.for %scan3A_43 = %scan3A to %scan3A_6 step %scan3A_7  : i32 {
      %mul3A_44 = arith.constant 6 : i32
      %mul3A_45 = arith.muli %scan3A_43, %mul3A_44 : i32
      %add3A_46 = arith.constant 0 : i32
      %add3A_47 = arith.addi %add3A_46, %mul3A_45 : i32
      %add3A_48 = arith.constant 0 : i32
      %add3A_49 = arith.addi %add3A_47, %add3A_48 : i32
      %ge3A = arith.constant 6 : i32
      %ge3A_50 = arith.cmpi sge, %add3A_49, %ge3A : i32
      %convert_element_type3A = arith.extui %ge3A_50 : i1 to i32
      %cond3A = arith.constant 0 : i32
      %cond3A_51 = arith.cmpi ne, %convert_element_type3A, %cond3A : i32
      scf.if %cond3A_51 {
        %sub3A = arith.constant 6 : i32
        %sub3A_122 = arith.subi %add3A_49, %sub3A : i32
        %mul3A_123 = arith.constant 128 : i32
        %mul3A_124 = arith.muli %sub3A_122, %mul3A_123 : i32
        %dma_wait3A_125 = tpu.memref_slice %arg6[%mul3A_124] : memref<10000xi32, #tpu.memory_space<vmem>> -> memref<128xi32, #tpu.memory_space<vmem>>
        %dma_wait3A_126 = arith.constant 0 : i32
        %dma_wait3A_127 = arith.constant 0 : i32
        %dma_wait3A_128 = tpu.memref_slice %arg8[%dma_wait3A_126, %dma_wait3A_127] : memref<10240x8xf32, #tpu.memory_space<vmem_shared>> -> memref<10240x8xf32, #tpu.memory_space<vmem_shared>>
        tpu.wait_indirect_dma semaphore(%arg9 : memref<!tpu.dma_semaphore, #tpu.memory_space<semaphore_mem>>) src(%arg7 : memref<128x8xf32, #tpu.memory_space<vmem>>) dst(%dma_wait3A_128 : memref<10240x8xf32, #tpu.memory_space<vmem_shared>>)
      } else {
      }
      %mul3A_52 = arith.constant 128 : i32
      %mul3A_53 = arith.muli %add3A_49, %mul3A_52 : i32
      %dma_start3A = tpu.memref_slice %arg6[%mul3A_53] : memref<10000xi32, #tpu.memory_space<vmem>> -> memref<128xi32, #tpu.memory_space<vmem>>
      %dma_start3A_54 = arith.constant 0 : i32
      %dma_start3A_55 = arith.constant 0 : i32
      %dma_start3A_56 = tpu.memref_slice %arg8[%dma_start3A_54, %dma_start3A_55] : memref<10240x8xf32, #tpu.memory_space<vmem_shared>> -> memref<10240x8xf32, #tpu.memory_space<vmem_shared>>
      tpu.enqueue_indirect_dma source(%arg7 : memref<128x8xf32, #tpu.memory_space<vmem>>) target(%dma_start3A_56 : memref<10240x8xf32, #tpu.memory_space<vmem_shared>>) offsets(%dma_start3A : memref<128xi32, #tpu.memory_space<vmem>>) semaphore(%arg9 : memref<!tpu.dma_semaphore, #tpu.memory_space<semaphore_mem>>) {add = true}
      %add3A_57 = arith.constant 1 : i32
      %add3A_58 = arith.addi %add3A_47, %add3A_57 : i32
      %ge3A_59 = arith.constant 6 : i32
      %ge3A_60 = arith.cmpi sge, %add3A_58, %ge3A_59 : i32
      %convert_element_type3A_61 = arith.extui %ge3A_60 : i1 to i32
      %cond3A_62 = arith.constant 0 : i32
      %cond3A_63 = arith.cmpi ne, %convert_element_type3A_61, %cond3A_62 : i32
      scf.if %cond3A_63 {
        %sub3A = arith.constant 6 : i32
        %sub3A_122 = arith.subi %add3A_58, %sub3A : i32
        %mul3A_123 = arith.constant 128 : i32
        %mul3A_124 = arith.muli %sub3A_122, %mul3A_123 : i32
        %dma_wait3A_125 = tpu.memref_slice %arg6[%mul3A_124] : memref<10000xi32, #tpu.memory_space<vmem>> -> memref<128xi32, #tpu.memory_space<vmem>>
        %dma_wait3A_126 = arith.constant 0 : i32
        %dma_wait3A_127 = arith.constant 0 : i32
        %dma_wait3A_128 = tpu.memref_slice %arg8[%dma_wait3A_126, %dma_wait3A_127] : memref<10240x8xf32, #tpu.memory_space<vmem_shared>> -> memref<10240x8xf32, #tpu.memory_space<vmem_shared>>
        tpu.wait_indirect_dma semaphore(%arg10 : memref<!tpu.dma_semaphore, #tpu.memory_space<semaphore_mem>>) src(%arg7 : memref<128x8xf32, #tpu.memory_space<vmem>>) dst(%dma_wait3A_128 : memref<10240x8xf32, #tpu.memory_space<vmem_shared>>)
      } else {
      }
      %mul3A_64 = arith.constant 128 : i32
      %mul3A_65 = arith.muli %add3A_58, %mul3A_64 : i32
      %dma_start3A_66 = tpu.memref_slice %arg6[%mul3A_65] : memref<10000xi32, #tpu.memory_space<vmem>> -> memref<128xi32, #tpu.memory_space<vmem>>
      %dma_start3A_67 = arith.constant 0 : i32
      %dma_start3A_68 = arith.constant 0 : i32
      %dma_start3A_69 = tpu.memref_slice %arg8[%dma_start3A_67, %dma_start3A_68] : memref<10240x8xf32, #tpu.memory_space<vmem_shared>> -> memref<10240x8xf32, #tpu.memory_space<vmem_shared>>
      tpu.enqueue_indirect_dma source(%arg7 : memref<128x8xf32, #tpu.memory_space<vmem>>) target(%dma_start3A_69 : memref<10240x8xf32, #tpu.memory_space<vmem_shared>>) offsets(%dma_start3A_66 : memref<128xi32, #tpu.memory_space<vmem>>) semaphore(%arg10 : memref<!tpu.dma_semaphore, #tpu.memory_space<semaphore_mem>>) {add = true}
      %add3A_70 = arith.constant 2 : i32
      %add3A_71 = arith.addi %add3A_47, %add3A_70 : i32
      %ge3A_72 = arith.constant 6 : i32
      %ge3A_73 = arith.cmpi sge, %add3A_71, %ge3A_72 : i32
      %convert_element_type3A_74 = arith.extui %ge3A_73 : i1 to i32
      %cond3A_75 = arith.constant 0 : i32
      %cond3A_76 = arith.cmpi ne, %convert_element_type3A_74, %cond3A_75 : i32
      scf.if %cond3A_76 {
        %sub3A = arith.constant 6 : i32
        %sub3A_122 = arith.subi %add3A_71, %sub3A : i32
        %mul3A_123 = arith.constant 128 : i32
        %mul3A_124 = arith.muli %sub3A_122, %mul3A_123 : i32
        %dma_wait3A_125 = tpu.memref_slice %arg6[%mul3A_124] : memref<10000xi32, #tpu.memory_space<vmem>> -> memref<128xi32, #tpu.memory_space<vmem>>
        %dma_wait3A_126 = arith.constant 0 : i32
        %dma_wait3A_127 = arith.constant 0 : i32
        %dma_wait3A_128 = tpu.memref_slice %arg8[%dma_wait3A_126, %dma_wait3A_127] : memref<10240x8xf32, #tpu.memory_space<vmem_shared>> -> memref<10240x8xf32, #tpu.memory_space<vmem_shared>>
        tpu.wait_indirect_dma semaphore(%arg11 : memref<!tpu.dma_semaphore, #tpu.memory_space<semaphore_mem>>) src(%arg7 : memref<128x8xf32, #tpu.memory_space<vmem>>) dst(%dma_wait3A_128 : memref<10240x8xf32, #tpu.memory_space<vmem_shared>>)
      } else {
      }
      %mul3A_77 = arith.constant 128 : i32
      %mul3A_78 = arith.muli %add3A_71, %mul3A_77 : i32
      %dma_start3A_79 = tpu.memref_slice %arg6[%mul3A_78] : memref<10000xi32, #tpu.memory_space<vmem>> -> memref<128xi32, #tpu.memory_space<vmem>>
      %dma_start3A_80 = arith.constant 0 : i32
      %dma_start3A_81 = arith.constant 0 : i32
      %dma_start3A_82 = tpu.memref_slice %arg8[%dma_start3A_80, %dma_start3A_81] : memref<10240x8xf32, #tpu.memory_space<vmem_shared>> -> memref<10240x8xf32, #tpu.memory_space<vmem_shared>>
      tpu.enqueue_indirect_dma source(%arg7 : memref<128x8xf32, #tpu.memory_space<vmem>>) target(%dma_start3A_82 : memref<10240x8xf32, #tpu.memory_space<vmem_shared>>) offsets(%dma_start3A_79 : memref<128xi32, #tpu.memory_space<vmem>>) semaphore(%arg11 : memref<!tpu.dma_semaphore, #tpu.memory_space<semaphore_mem>>) {add = true}
      %add3A_83 = arith.constant 3 : i32
      %add3A_84 = arith.addi %add3A_47, %add3A_83 : i32
      %ge3A_85 = arith.constant 6 : i32
      %ge3A_86 = arith.cmpi sge, %add3A_84, %ge3A_85 : i32
      %convert_element_type3A_87 = arith.extui %ge3A_86 : i1 to i32
      %cond3A_88 = arith.constant 0 : i32
      %cond3A_89 = arith.cmpi ne, %convert_element_type3A_87, %cond3A_88 : i32
      scf.if %cond3A_89 {
        %sub3A = arith.constant 6 : i32
        %sub3A_122 = arith.subi %add3A_84, %sub3A : i32
        %mul3A_123 = arith.constant 128 : i32
        %mul3A_124 = arith.muli %sub3A_122, %mul3A_123 : i32
        %dma_wait3A_125 = tpu.memref_slice %arg6[%mul3A_124] : memref<10000xi32, #tpu.memory_space<vmem>> -> memref<128xi32, #tpu.memory_space<vmem>>
        %dma_wait3A_126 = arith.constant 0 : i32
        %dma_wait3A_127 = arith.constant 0 : i32
        %dma_wait3A_128 = tpu.memref_slice %arg8[%dma_wait3A_126, %dma_wait3A_127] : memref<10240x8xf32, #tpu.memory_space<vmem_shared>> -> memref<10240x8xf32, #tpu.memory_space<vmem_shared>>
        tpu.wait_indirect_dma semaphore(%arg12 : memref<!tpu.dma_semaphore, #tpu.memory_space<semaphore_mem>>) src(%arg7 : memref<128x8xf32, #tpu.memory_space<vmem>>) dst(%dma_wait3A_128 : memref<10240x8xf32, #tpu.memory_space<vmem_shared>>)
      } else {
      }
      %mul3A_90 = arith.constant 128 : i32
      %mul3A_91 = arith.muli %add3A_84, %mul3A_90 : i32
      %dma_start3A_92 = tpu.memref_slice %arg6[%mul3A_91] : memref<10000xi32, #tpu.memory_space<vmem>> -> memref<128xi32, #tpu.memory_space<vmem>>
      %dma_start3A_93 = arith.constant 0 : i32
      %dma_start3A_94 = arith.constant 0 : i32
      %dma_start3A_95 = tpu.memref_slice %arg8[%dma_start3A_93, %dma_start3A_94] : memref<10240x8xf32, #tpu.memory_space<vmem_shared>> -> memref<10240x8xf32, #tpu.memory_space<vmem_shared>>
      tpu.enqueue_indirect_dma source(%arg7 : memref<128x8xf32, #tpu.memory_space<vmem>>) target(%dma_start3A_95 : memref<10240x8xf32, #tpu.memory_space<vmem_shared>>) offsets(%dma_start3A_92 : memref<128xi32, #tpu.memory_space<vmem>>) semaphore(%arg12 : memref<!tpu.dma_semaphore, #tpu.memory_space<semaphore_mem>>) {add = true}
      %add3A_96 = arith.constant 4 : i32
      %add3A_97 = arith.addi %add3A_47, %add3A_96 : i32
      %ge3A_98 = arith.constant 6 : i32
      %ge3A_99 = arith.cmpi sge, %add3A_97, %ge3A_98 : i32
      %convert_element_type3A_100 = arith.extui %ge3A_99 : i1 to i32
      %cond3A_101 = arith.constant 0 : i32
      %cond3A_102 = arith.cmpi ne, %convert_element_type3A_100, %cond3A_101 : i32
      scf.if %cond3A_102 {
        %sub3A = arith.constant 6 : i32
        %sub3A_122 = arith.subi %add3A_97, %sub3A : i32
        %mul3A_123 = arith.constant 128 : i32
        %mul3A_124 = arith.muli %sub3A_122, %mul3A_123 : i32
        %dma_wait3A_125 = tpu.memref_slice %arg6[%mul3A_124] : memref<10000xi32, #tpu.memory_space<vmem>> -> memref<128xi32, #tpu.memory_space<vmem>>
        %dma_wait3A_126 = arith.constant 0 : i32
        %dma_wait3A_127 = arith.constant 0 : i32
        %dma_wait3A_128 = tpu.memref_slice %arg8[%dma_wait3A_126, %dma_wait3A_127] : memref<10240x8xf32, #tpu.memory_space<vmem_shared>> -> memref<10240x8xf32, #tpu.memory_space<vmem_shared>>
        tpu.wait_indirect_dma semaphore(%arg13 : memref<!tpu.dma_semaphore, #tpu.memory_space<semaphore_mem>>) src(%arg7 : memref<128x8xf32, #tpu.memory_space<vmem>>) dst(%dma_wait3A_128 : memref<10240x8xf32, #tpu.memory_space<vmem_shared>>)
      } else {
      }
      %mul3A_103 = arith.constant 128 : i32
      %mul3A_104 = arith.muli %add3A_97, %mul3A_103 : i32
      %dma_start3A_105 = tpu.memref_slice %arg6[%mul3A_104] : memref<10000xi32, #tpu.memory_space<vmem>> -> memref<128xi32, #tpu.memory_space<vmem>>
      %dma_start3A_106 = arith.constant 0 : i32
      %dma_start3A_107 = arith.constant 0 : i32
      %dma_start3A_108 = tpu.memref_slice %arg8[%dma_start3A_106, %dma_start3A_107] : memref<10240x8xf32, #tpu.memory_space<vmem_shared>> -> memref<10240x8xf32, #tpu.memory_space<vmem_shared>>
      tpu.enqueue_indirect_dma source(%arg7 : memref<128x8xf32, #tpu.memory_space<vmem>>) target(%dma_start3A_108 : memref<10240x8xf32, #tpu.memory_space<vmem_shared>>) offsets(%dma_start3A_105 : memref<128xi32, #tpu.memory_space<vmem>>) semaphore(%arg13 : memref<!tpu.dma_semaphore, #tpu.memory_space<semaphore_mem>>) {add = true}
      %add3A_109 = arith.constant 5 : i32
      %add3A_110 = arith.addi %add3A_47, %add3A_109 : i32
      %ge3A_111 = arith.constant 6 : i32
      %ge3A_112 = arith.cmpi sge, %add3A_110, %ge3A_111 : i32
      %convert_element_type3A_113 = arith.extui %ge3A_112 : i1 to i32
      %cond3A_114 = arith.constant 0 : i32
      %cond3A_115 = arith.cmpi ne, %convert_element_type3A_113, %cond3A_114 : i32
      scf.if %cond3A_115 {
        %sub3A = arith.constant 6 : i32
        %sub3A_122 = arith.subi %add3A_110, %sub3A : i32
        %mul3A_123 = arith.constant 128 : i32
        %mul3A_124 = arith.muli %sub3A_122, %mul3A_123 : i32
        %dma_wait3A_125 = tpu.memref_slice %arg6[%mul3A_124] : memref<10000xi32, #tpu.memory_space<vmem>> -> memref<128xi32, #tpu.memory_space<vmem>>
        %dma_wait3A_126 = arith.constant 0 : i32
        %dma_wait3A_127 = arith.constant 0 : i32
        %dma_wait3A_128 = tpu.memref_slice %arg8[%dma_wait3A_126, %dma_wait3A_127] : memref<10240x8xf32, #tpu.memory_space<vmem_shared>> -> memref<10240x8xf32, #tpu.memory_space<vmem_shared>>
        tpu.wait_indirect_dma semaphore(%arg14 : memref<!tpu.dma_semaphore, #tpu.memory_space<semaphore_mem>>) src(%arg7 : memref<128x8xf32, #tpu.memory_space<vmem>>) dst(%dma_wait3A_128 : memref<10240x8xf32, #tpu.memory_space<vmem_shared>>)
      } else {
      }
      %mul3A_116 = arith.constant 128 : i32
      %mul3A_117 = arith.muli %add3A_110, %mul3A_116 : i32
      %dma_start3A_118 = tpu.memref_slice %arg6[%mul3A_117] : memref<10000xi32, #tpu.memory_space<vmem>> -> memref<128xi32, #tpu.memory_space<vmem>>
      %dma_start3A_119 = arith.constant 0 : i32
      %dma_start3A_120 = arith.constant 0 : i32
      %dma_start3A_121 = tpu.memref_slice %arg8[%dma_start3A_119, %dma_start3A_120] : memref<10240x8xf32, #tpu.memory_space<vmem_shared>> -> memref<10240x8xf32, #tpu.memory_space<vmem_shared>>
      tpu.enqueue_indirect_dma source(%arg7 : memref<128x8xf32, #tpu.memory_space<vmem>>) target(%dma_start3A_121 : memref<10240x8xf32, #tpu.memory_space<vmem_shared>>) offsets(%dma_start3A_118 : memref<128xi32, #tpu.memory_space<vmem>>) semaphore(%arg14 : memref<!tpu.dma_semaphore, #tpu.memory_space<semaphore_mem>>) {add = true}
    }
    %scan3A_8 = arith.constant 13 : i32
    "tpu.region"() ({
      %run_scoped3A = tpu.sem_alloc : memref<!tpu.dma_semaphore, #tpu.memory_space<semaphore_mem>>
      %dma_start3A = arith.constant 0 : i32
      %dma_start3A_43 = arith.constant 0 : i32
      %dma_start3A_44 = tpu.memref_slice %arg7[%dma_start3A, %dma_start3A_43] : memref<128x8xf32, #tpu.memory_space<vmem>> -> memref<16x8xf32, #tpu.memory_space<vmem>>
      %dma_start3A_45 = arith.constant 9984 : i32
      %dma_start3A_46 = tpu.memref_slice %arg6[%dma_start3A_45] : memref<10000xi32, #tpu.memory_space<vmem>> -> memref<16xi32, #tpu.memory_space<vmem>>
      %dma_start3A_47 = arith.constant 0 : i32
      %dma_start3A_48 = arith.constant 0 : i32
      %dma_start3A_49 = tpu.memref_slice %arg8[%dma_start3A_47, %dma_start3A_48] : memref<10240x8xf32, #tpu.memory_space<vmem_shared>> -> memref<10240x8xf32, #tpu.memory_space<vmem_shared>>
      tpu.enqueue_indirect_dma source(%dma_start3A_44 : memref<16x8xf32, #tpu.memory_space<vmem>>) target(%dma_start3A_49 : memref<10240x8xf32, #tpu.memory_space<vmem_shared>>) offsets(%dma_start3A_46 : memref<16xi32, #tpu.memory_space<vmem>>) semaphore(%run_scoped3A : memref<!tpu.dma_semaphore, #tpu.memory_space<semaphore_mem>>) {add = true}
      %dma_wait3A_50 = arith.constant 0 : i32
      %dma_wait3A_51 = arith.constant 0 : i32
      %dma_wait3A_52 = tpu.memref_slice %arg7[%dma_wait3A_50, %dma_wait3A_51] : memref<128x8xf32, #tpu.memory_space<vmem>> -> memref<16x8xf32, #tpu.memory_space<vmem>>
      %dma_wait3A_53 = arith.constant 9984 : i32
      %dma_wait3A_54 = tpu.memref_slice %arg6[%dma_wait3A_53] : memref<10000xi32, #tpu.memory_space<vmem>> -> memref<16xi32, #tpu.memory_space<vmem>>
      %dma_wait3A_55 = arith.constant 0 : i32
      %dma_wait3A_56 = arith.constant 0 : i32
      %dma_wait3A_57 = tpu.memref_slice %arg8[%dma_wait3A_55, %dma_wait3A_56] : memref<10240x8xf32, #tpu.memory_space<vmem_shared>> -> memref<10240x8xf32, #tpu.memory_space<vmem_shared>>
      tpu.wait_indirect_dma semaphore(%run_scoped3A : memref<!tpu.dma_semaphore, #tpu.memory_space<semaphore_mem>>) src(%dma_wait3A_52 : memref<16x8xf32, #tpu.memory_space<vmem>>) dst(%dma_wait3A_57 : memref<10240x8xf32, #tpu.memory_space<vmem_shared>>)
      tpu.yield
    }) : () -> ()
    %dma_wait3A = arith.constant 9216 : i32
    %dma_wait3A_9 = tpu.memref_slice %arg6[%dma_wait3A] : memref<10000xi32, #tpu.memory_space<vmem>> -> memref<128xi32, #tpu.memory_space<vmem>>
    %dma_wait3A_10 = arith.constant 0 : i32
    %dma_wait3A_11 = arith.constant 0 : i32
    %dma_wait3A_12 = tpu.memref_slice %arg8[%dma_wait3A_10, %dma_wait3A_11] : memref<10240x8xf32, #tpu.memory_space<vmem_shared>> -> memref<10240x8xf32, #tpu.memory_space<vmem_shared>>
    tpu.wait_indirect_dma semaphore(%arg9 : memref<!tpu.dma_semaphore, #tpu.memory_space<semaphore_mem>>) src(%arg7 : memref<128x8xf32, #tpu.memory_space<vmem>>) dst(%dma_wait3A_12 : memref<10240x8xf32, #tpu.memory_space<vmem_shared>>)
    %dma_wait3A_13 = arith.constant 9344 : i32
    %dma_wait3A_14 = tpu.memref_slice %arg6[%dma_wait3A_13] : memref<10000xi32, #tpu.memory_space<vmem>> -> memref<128xi32, #tpu.memory_space<vmem>>
    %dma_wait3A_15 = arith.constant 0 : i32
    %dma_wait3A_16 = arith.constant 0 : i32
    %dma_wait3A_17 = tpu.memref_slice %arg8[%dma_wait3A_15, %dma_wait3A_16] : memref<10240x8xf32, #tpu.memory_space<vmem_shared>> -> memref<10240x8xf32, #tpu.memory_space<vmem_shared>>
    tpu.wait_indirect_dma semaphore(%arg10 : memref<!tpu.dma_semaphore, #tpu.memory_space<semaphore_mem>>) src(%arg7 : memref<128x8xf32, #tpu.memory_space<vmem>>) dst(%dma_wait3A_17 : memref<10240x8xf32, #tpu.memory_space<vmem_shared>>)
    %dma_wait3A_18 = arith.constant 9472 : i32
    %dma_wait3A_19 = tpu.memref_slice %arg6[%dma_wait3A_18] : memref<10000xi32, #tpu.memory_space<vmem>> -> memref<128xi32, #tpu.memory_space<vmem>>
    %dma_wait3A_20 = arith.constant 0 : i32
    %dma_wait3A_21 = arith.constant 0 : i32
    %dma_wait3A_22 = tpu.memref_slice %arg8[%dma_wait3A_20, %dma_wait3A_21] : memref<10240x8xf32, #tpu.memory_space<vmem_shared>> -> memref<10240x8xf32, #tpu.memory_space<vmem_shared>>
    tpu.wait_indirect_dma semaphore(%arg11 : memref<!tpu.dma_semaphore, #tpu.memory_space<semaphore_mem>>) src(%arg7 : memref<128x8xf32, #tpu.memory_space<vmem>>) dst(%dma_wait3A_22 : memref<10240x8xf32, #tpu.memory_space<vmem_shared>>)
    %dma_wait3A_23 = arith.constant 9600 : i32
    %dma_wait3A_24 = tpu.memref_slice %arg6[%dma_wait3A_23] : memref<10000xi32, #tpu.memory_space<vmem>> -> memref<128xi32, #tpu.memory_space<vmem>>
    %dma_wait3A_25 = arith.constant 0 : i32
    %dma_wait3A_26 = arith.constant 0 : i32
    %dma_wait3A_27 = tpu.memref_slice %arg8[%dma_wait3A_25, %dma_wait3A_26] : memref<10240x8xf32, #tpu.memory_space<vmem_shared>> -> memref<10240x8xf32, #tpu.memory_space<vmem_shared>>
    tpu.wait_indirect_dma semaphore(%arg12 : memref<!tpu.dma_semaphore, #tpu.memory_space<semaphore_mem>>) src(%arg7 : memref<128x8xf32, #tpu.memory_space<vmem>>) dst(%dma_wait3A_27 : memref<10240x8xf32, #tpu.memory_space<vmem_shared>>)
    %dma_wait3A_28 = arith.constant 9728 : i32
    %dma_wait3A_29 = tpu.memref_slice %arg6[%dma_wait3A_28] : memref<10000xi32, #tpu.memory_space<vmem>> -> memref<128xi32, #tpu.memory_space<vmem>>
    %dma_wait3A_30 = arith.constant 0 : i32
    %dma_wait3A_31 = arith.constant 0 : i32
    %dma_wait3A_32 = tpu.memref_slice %arg8[%dma_wait3A_30, %dma_wait3A_31] : memref<10240x8xf32, #tpu.memory_space<vmem_shared>> -> memref<10240x8xf32, #tpu.memory_space<vmem_shared>>
    tpu.wait_indirect_dma semaphore(%arg13 : memref<!tpu.dma_semaphore, #tpu.memory_space<semaphore_mem>>) src(%arg7 : memref<128x8xf32, #tpu.memory_space<vmem>>) dst(%dma_wait3A_32 : memref<10240x8xf32, #tpu.memory_space<vmem_shared>>)
    %dma_wait3A_33 = arith.constant 9856 : i32
    %dma_wait3A_34 = tpu.memref_slice %arg6[%dma_wait3A_33] : memref<10000xi32, #tpu.memory_space<vmem>> -> memref<128xi32, #tpu.memory_space<vmem>>
    %dma_wait3A_35 = arith.constant 0 : i32
    %dma_wait3A_36 = arith.constant 0 : i32
    %dma_wait3A_37 = tpu.memref_slice %arg8[%dma_wait3A_35, %dma_wait3A_36] : memref<10240x8xf32, #tpu.memory_space<vmem_shared>> -> memref<10240x8xf32, #tpu.memory_space<vmem_shared>>
    tpu.wait_indirect_dma semaphore(%arg14 : memref<!tpu.dma_semaphore, #tpu.memory_space<semaphore_mem>>) src(%arg7 : memref<128x8xf32, #tpu.memory_space<vmem>>) dst(%dma_wait3A_37 : memref<10240x8xf32, #tpu.memory_space<vmem_shared>>)
    %barrier3A_38 = arith.constant 0 : index
    tpu.barrier barrier_id(%barrier3A_38)
    %mul3A_39 = arith.constant 640 : i32
    %mul3A_40 = arith.muli %arg1, %mul3A_39 : i32
    %mul3A_41 = arith.constant 640 : i32
    %mul3A_42 = arith.muli %arg1, %mul3A_41 : i32
    "tpu.region"() ({
      %run_scoped3A = tpu.sem_alloc : memref<!tpu.dma_semaphore, #tpu.memory_space<semaphore_mem>>
      %dma_start3A = arith.constant 0 : i32
      %dma_start3A_43 = tpu.memref_slice %arg5[%arg0, %mul3A_42, %dma_start3A] : memref<2x10240x8xf32, #tpu.memory_space<hbm>> -> memref<1x640x8xf32, #tpu.memory_space<hbm>>
      %dma_start3A_44 = tpu.memref_squeeze %dma_start3A_43 : memref<1x640x8xf32, #tpu.memory_space<hbm>> -> memref<640x8xf32, #tpu.memory_space<hbm>>
      %dma_start3A_45 = arith.constant 0 : i32
      %dma_start3A_46 = tpu.memref_slice %arg8[%mul3A_40, %dma_start3A_45] : memref<10240x8xf32, #tpu.memory_space<vmem_shared>> -> memref<640x8xf32, #tpu.memory_space<vmem_shared>>
      tpu.enqueue_dma source(%dma_start3A_46 : memref<640x8xf32, #tpu.memory_space<vmem_shared>>) target(%dma_start3A_44 : memref<640x8xf32, #tpu.memory_space<hbm>>) target_semaphore(%run_scoped3A : memref<!tpu.dma_semaphore, #tpu.memory_space<semaphore_mem>>)
      %dma_wait3A_47 = arith.constant 0 : i32
      %dma_wait3A_48 = tpu.memref_slice %arg5[%arg0, %mul3A_42, %dma_wait3A_47] : memref<2x10240x8xf32, #tpu.memory_space<hbm>> -> memref<1x640x8xf32, #tpu.memory_space<hbm>>
      %dma_wait3A_49 = tpu.memref_squeeze %dma_wait3A_48 : memref<1x640x8xf32, #tpu.memory_space<hbm>> -> memref<640x8xf32, #tpu.memory_space<hbm>>
      %dma_wait3A_50 = arith.constant 0 : i32
      %dma_wait3A_51 = tpu.memref_slice %arg8[%mul3A_40, %dma_wait3A_50] : memref<10240x8xf32, #tpu.memory_space<vmem_shared>> -> memref<640x8xf32, #tpu.memory_space<vmem_shared>>
      tpu.wait_dma2 semaphore(%run_scoped3A : memref<!tpu.dma_semaphore, #tpu.memory_space<semaphore_mem>>) src(%dma_wait3A_51 : memref<640x8xf32, #tpu.memory_space<vmem_shared>>) dst(%dma_wait3A_49 : memref<640x8xf32, #tpu.memory_space<hbm>>)
      tpu.yield
    }) : () -> ()
    return
  }
}

#map = affine_map<(d0, d1) -> (0, 0)>
#map1 = affine_map<(d0, d1) -> (0)>
#map2 = affine_map<(d0, d1) -> (0, 0, 0)>
module attributes {stable_mosaic.version = 14 : i64} {
  func.func @_agg_body(%arg0: i32, %arg1: i32, %arg2: memref<10240x64xf32, #tpu.memory_space<hbm>>, %arg3: memref<320000xi32, #tpu.memory_space<hbm>>, %arg4: memref<320000xi32, #tpu.memory_space<hbm>>, %arg5: memref<2x10240x64xf32, #tpu.memory_space<hbm>>, %arg6: memref<10000xi32, #tpu.memory_space<vmem>>, %arg7: memref<10000xi32, #tpu.memory_space<vmem>>, %arg8: memref<16x64xf32, #tpu.memory_space<vmem>>, %arg9: memref<128x64xf32, #tpu.memory_space<vmem>>, %arg10: memref<128x64xf32, #tpu.memory_space<vmem>>, %arg11: memref<128x64xf32, #tpu.memory_space<vmem>>, %arg12: memref<128x64xf32, #tpu.memory_space<vmem>>, %arg13: memref<128x64xf32, #tpu.memory_space<vmem>>, %arg14: memref<128x64xf32, #tpu.memory_space<vmem>>, %arg15: memref<10240x64xf32, #tpu.memory_space<vmem_shared>>, %arg16: memref<!tpu.dma_semaphore, #tpu.memory_space<semaphore_mem>>, %arg17: memref<!tpu.dma_semaphore, #tpu.memory_space<semaphore_mem>>, %arg18: memref<!tpu.dma_semaphore, #tpu.memory_space<semaphore_mem>>, %arg19: memref<!tpu.dma_semaphore, #tpu.memory_space<semaphore_mem>>, %arg20: memref<!tpu.dma_semaphore, #tpu.memory_space<semaphore_mem>>, %arg21: memref<!tpu.dma_semaphore, #tpu.memory_space<semaphore_mem>>, %arg22: memref<!tpu.dma_semaphore, #tpu.memory_space<semaphore_mem>>, %arg23: memref<!tpu.dma_semaphore, #tpu.memory_space<semaphore_mem>>, %arg24: memref<!tpu.dma_semaphore, #tpu.memory_space<semaphore_mem>>, %arg25: memref<!tpu.dma_semaphore, #tpu.memory_space<semaphore_mem>>, %arg26: memref<!tpu.dma_semaphore, #tpu.memory_space<semaphore_mem>>, %arg27: memref<!tpu.dma_semaphore, #tpu.memory_space<semaphore_mem>>) attributes {dimension_semantics = [#tpu.dimension_semantics<core_parallel>, #tpu.dimension_semantics<subcore_parallel>], iteration_bounds = array<i64: 2, 16>, scalar_prefetch = 0 : i64, scratch_operands = 22 : i64, tpu.core_type = #tpu.core_type<sc_vector_subcore>, window_params = [{transform_indices = #map}, {transform_indices = #map1}, {transform_indices = #map1}, {transform_indices = #map2}]} {
    %mul3A = arith.constant 16 : i32
    %mul3A_0 = arith.muli %arg0, %mul3A : i32
    %add3A = arith.addi %mul3A_0, %arg1 : i32
    %mul3A_1 = arith.constant 640 : i32
    %mul3A_2 = arith.muli %arg1, %mul3A_1 : i32
    %broadcast_in_dim3A = arith.constant 0.000000e+00 : f32
    %broadcast_in_dim3A_3 = vector.broadcast %broadcast_in_dim3A : f32 to vector<16xf32>
    %scan3A = arith.constant 0 : i32
    %scan3A_4 = arith.constant 0 : i32
    %scan3A_5 = arith.constant 128 : i32
    %scan3A_6 = arith.addi %scan3A_4, %scan3A_5 : i32
    %scan3A_7 = arith.constant 1 : i32
    %scan3A_8 = scf.for %scan3A_62 = %scan3A_4 to %scan3A_6 step %scan3A_7 iter_args(%scan3A_63 = %scan3A) -> (i32)  : i32 {
      %swap3A = arith.index_cast %scan3A_62 : i32 to index
      %swap3A_64 = arith.constant 0 : index
      %swap3A_65 = tpu.vector_load %arg9[%swap3A, %swap3A_64] {strides = array<i32>} : memref<128x64xf32, #tpu.memory_space<vmem>>, vector<1x16xf32>,
      %swap3A_66 = vector.shape_cast %swap3A_65 : vector<1x16xf32> to vector<16xf32>
      %swap3A_67 = vector.shape_cast %broadcast_in_dim3A_3 : vector<16xf32> to vector<1x16xf32>
      tpu.vector_store %arg9[%swap3A, %swap3A_64], %swap3A_67 {strides = array<i32>} : memref<128x64xf32, #tpu.memory_space<vmem>>, vector<1x16xf32>,
      %swap3A_68 = arith.index_cast %scan3A_62 : i32 to index
      %swap3A_69 = arith.constant 16 : index
      %swap3A_70 = tpu.vector_load %arg9[%swap3A_68, %swap3A_69] {strides = array<i32>} : memref<128x64xf32, #tpu.memory_space<vmem>>, vector<1x16xf32>,
      %swap3A_71 = vector.shape_cast %swap3A_70 : vector<1x16xf32> to vector<16xf32>
      %swap3A_72 = vector.shape_cast %broadcast_in_dim3A_3 : vector<16xf32> to vector<1x16xf32>
      tpu.vector_store %arg9[%swap3A_68, %swap3A_69], %swap3A_72 {strides = array<i32>} : memref<128x64xf32, #tpu.memory_space<vmem>>, vector<1x16xf32>,
      %swap3A_73 = arith.index_cast %scan3A_62 : i32 to index
      %swap3A_74 = arith.constant 32 : index
      %swap3A_75 = tpu.vector_load %arg9[%swap3A_73, %swap3A_74] {strides = array<i32>} : memref<128x64xf32, #tpu.memory_space<vmem>>, vector<1x16xf32>,
      %swap3A_76 = vector.shape_cast %swap3A_75 : vector<1x16xf32> to vector<16xf32>
      %swap3A_77 = vector.shape_cast %broadcast_in_dim3A_3 : vector<16xf32> to vector<1x16xf32>
      tpu.vector_store %arg9[%swap3A_73, %swap3A_74], %swap3A_77 {strides = array<i32>} : memref<128x64xf32, #tpu.memory_space<vmem>>, vector<1x16xf32>,
      %swap3A_78 = arith.index_cast %scan3A_62 : i32 to index
      %swap3A_79 = arith.constant 48 : index
      %swap3A_80 = tpu.vector_load %arg9[%swap3A_78, %swap3A_79] {strides = array<i32>} : memref<128x64xf32, #tpu.memory_space<vmem>>, vector<1x16xf32>,
      %swap3A_81 = vector.shape_cast %swap3A_80 : vector<1x16xf32> to vector<16xf32>
      %swap3A_82 = vector.shape_cast %broadcast_in_dim3A_3 : vector<16xf32> to vector<1x16xf32>
      tpu.vector_store %arg9[%swap3A_78, %swap3A_79], %swap3A_82 {strides = array<i32>} : memref<128x64xf32, #tpu.memory_space<vmem>>, vector<1x16xf32>,
      %scan3A_83 = arith.constant 0 : i32
      scf.yield %scan3A_83 : i32
    }
    %scan3A_9 = arith.constant 128 : i32
    %add3A_10 = arith.constant 0 : i32
    %add3A_11 = arith.addi %mul3A_2, %add3A_10 : i32
    "tpu.region"() ({
      %run_scoped3A = tpu.sem_alloc : memref<!tpu.dma_semaphore, #tpu.memory_space<semaphore_mem>>
      %dma_start3A_62 = arith.constant 0 : i32
      %dma_start3A_63 = tpu.memref_slice %arg15[%add3A_11, %dma_start3A_62] : memref<10240x64xf32, #tpu.memory_space<vmem_shared>> -> memref<128x64xf32, #tpu.memory_space<vmem_shared>>
      %dma_start3A_64 = arith.constant 0 : i32
      %dma_start3A_65 = tpu.memref_slice %arg15[%add3A_11, %dma_start3A_64] : memref<10240x64xf32, #tpu.memory_space<vmem_shared>> -> memref<128x64xf32, #tpu.memory_space<vmem_shared>>
      tpu.enqueue_dma source(%arg9 : memref<128x64xf32, #tpu.memory_space<vmem>>) target(%dma_start3A_65 : memref<128x64xf32, #tpu.memory_space<vmem_shared>>) target_semaphore(%run_scoped3A : memref<!tpu.dma_semaphore, #tpu.memory_space<semaphore_mem>>)
      %dma_wait3A_66 = arith.constant 0 : i32
      %dma_wait3A_67 = tpu.memref_slice %arg15[%add3A_11, %dma_wait3A_66] : memref<10240x64xf32, #tpu.memory_space<vmem_shared>> -> memref<128x64xf32, #tpu.memory_space<vmem_shared>>
      %dma_wait3A_68 = arith.constant 0 : i32
      %dma_wait3A_69 = tpu.memref_slice %arg15[%add3A_11, %dma_wait3A_68] : memref<10240x64xf32, #tpu.memory_space<vmem_shared>> -> memref<128x64xf32, #tpu.memory_space<vmem_shared>>
      tpu.wait_dma2 semaphore(%run_scoped3A : memref<!tpu.dma_semaphore, #tpu.memory_space<semaphore_mem>>) src(%arg9 : memref<128x64xf32, #tpu.memory_space<vmem>>) dst(%dma_wait3A_69 : memref<128x64xf32, #tpu.memory_space<vmem_shared>>)
      tpu.yield
    }) : () -> ()
    %add3A_12 = arith.constant 128 : i32
    %add3A_13 = arith.addi %mul3A_2, %add3A_12 : i32
    "tpu.region"() ({
      %run_scoped3A = tpu.sem_alloc : memref<!tpu.dma_semaphore, #tpu.memory_space<semaphore_mem>>
      %dma_start3A_62 = arith.constant 0 : i32
      %dma_start3A_63 = tpu.memref_slice %arg15[%add3A_13, %dma_start3A_62] : memref<10240x64xf32, #tpu.memory_space<vmem_shared>> -> memref<128x64xf32, #tpu.memory_space<vmem_shared>>
      %dma_start3A_64 = arith.constant 0 : i32
      %dma_start3A_65 = tpu.memref_slice %arg15[%add3A_13, %dma_start3A_64] : memref<10240x64xf32, #tpu.memory_space<vmem_shared>> -> memref<128x64xf32, #tpu.memory_space<vmem_shared>>
      tpu.enqueue_dma source(%arg9 : memref<128x64xf32, #tpu.memory_space<vmem>>) target(%dma_start3A_65 : memref<128x64xf32, #tpu.memory_space<vmem_shared>>) target_semaphore(%run_scoped3A : memref<!tpu.dma_semaphore, #tpu.memory_space<semaphore_mem>>)
      %dma_wait3A_66 = arith.constant 0 : i32
      %dma_wait3A_67 = tpu.memref_slice %arg15[%add3A_13, %dma_wait3A_66] : memref<10240x64xf32, #tpu.memory_space<vmem_shared>> -> memref<128x64xf32, #tpu.memory_space<vmem_shared>>
      %dma_wait3A_68 = arith.constant 0 : i32
      %dma_wait3A_69 = tpu.memref_slice %arg15[%add3A_13, %dma_wait3A_68] : memref<10240x64xf32, #tpu.memory_space<vmem_shared>> -> memref<128x64xf32, #tpu.memory_space<vmem_shared>>
      tpu.wait_dma2 semaphore(%run_scoped3A : memref<!tpu.dma_semaphore, #tpu.memory_space<semaphore_mem>>) src(%arg9 : memref<128x64xf32, #tpu.memory_space<vmem>>) dst(%dma_wait3A_69 : memref<128x64xf32, #tpu.memory_space<vmem_shared>>)
      tpu.yield
    }) : () -> ()
    %add3A_14 = arith.constant 256 : i32
    %add3A_15 = arith.addi %mul3A_2, %add3A_14 : i32
    "tpu.region"() ({
      %run_scoped3A = tpu.sem_alloc : memref<!tpu.dma_semaphore, #tpu.memory_space<semaphore_mem>>
      %dma_start3A_62 = arith.constant 0 : i32
      %dma_start3A_63 = tpu.memref_slice %arg15[%add3A_15, %dma_start3A_62] : memref<10240x64xf32, #tpu.memory_space<vmem_shared>> -> memref<128x64xf32, #tpu.memory_space<vmem_shared>>
      %dma_start3A_64 = arith.constant 0 : i32
      %dma_start3A_65 = tpu.memref_slice %arg15[%add3A_15, %dma_start3A_64] : memref<10240x64xf32, #tpu.memory_space<vmem_shared>> -> memref<128x64xf32, #tpu.memory_space<vmem_shared>>
      tpu.enqueue_dma source(%arg9 : memref<128x64xf32, #tpu.memory_space<vmem>>) target(%dma_start3A_65 : memref<128x64xf32, #tpu.memory_space<vmem_shared>>) target_semaphore(%run_scoped3A : memref<!tpu.dma_semaphore, #tpu.memory_space<semaphore_mem>>)
      %dma_wait3A_66 = arith.constant 0 : i32
      %dma_wait3A_67 = tpu.memref_slice %arg15[%add3A_15, %dma_wait3A_66] : memref<10240x64xf32, #tpu.memory_space<vmem_shared>> -> memref<128x64xf32, #tpu.memory_space<vmem_shared>>
      %dma_wait3A_68 = arith.constant 0 : i32
      %dma_wait3A_69 = tpu.memref_slice %arg15[%add3A_15, %dma_wait3A_68] : memref<10240x64xf32, #tpu.memory_space<vmem_shared>> -> memref<128x64xf32, #tpu.memory_space<vmem_shared>>
      tpu.wait_dma2 semaphore(%run_scoped3A : memref<!tpu.dma_semaphore, #tpu.memory_space<semaphore_mem>>) src(%arg9 : memref<128x64xf32, #tpu.memory_space<vmem>>) dst(%dma_wait3A_69 : memref<128x64xf32, #tpu.memory_space<vmem_shared>>)
      tpu.yield
    }) : () -> ()
    %add3A_16 = arith.constant 384 : i32
    %add3A_17 = arith.addi %mul3A_2, %add3A_16 : i32
    "tpu.region"() ({
      %run_scoped3A = tpu.sem_alloc : memref<!tpu.dma_semaphore, #tpu.memory_space<semaphore_mem>>
      %dma_start3A_62 = arith.constant 0 : i32
      %dma_start3A_63 = tpu.memref_slice %arg15[%add3A_17, %dma_start3A_62] : memref<10240x64xf32, #tpu.memory_space<vmem_shared>> -> memref<128x64xf32, #tpu.memory_space<vmem_shared>>
      %dma_start3A_64 = arith.constant 0 : i32
      %dma_start3A_65 = tpu.memref_slice %arg15[%add3A_17, %dma_start3A_64] : memref<10240x64xf32, #tpu.memory_space<vmem_shared>> -> memref<128x64xf32, #tpu.memory_space<vmem_shared>>
      tpu.enqueue_dma source(%arg9 : memref<128x64xf32, #tpu.memory_space<vmem>>) target(%dma_start3A_65 : memref<128x64xf32, #tpu.memory_space<vmem_shared>>) target_semaphore(%run_scoped3A : memref<!tpu.dma_semaphore, #tpu.memory_space<semaphore_mem>>)
      %dma_wait3A_66 = arith.constant 0 : i32
      %dma_wait3A_67 = tpu.memref_slice %arg15[%add3A_17, %dma_wait3A_66] : memref<10240x64xf32, #tpu.memory_space<vmem_shared>> -> memref<128x64xf32, #tpu.memory_space<vmem_shared>>
      %dma_wait3A_68 = arith.constant 0 : i32
      %dma_wait3A_69 = tpu.memref_slice %arg15[%add3A_17, %dma_wait3A_68] : memref<10240x64xf32, #tpu.memory_space<vmem_shared>> -> memref<128x64xf32, #tpu.memory_space<vmem_shared>>
      tpu.wait_dma2 semaphore(%run_scoped3A : memref<!tpu.dma_semaphore, #tpu.memory_space<semaphore_mem>>) src(%arg9 : memref<128x64xf32, #tpu.memory_space<vmem>>) dst(%dma_wait3A_69 : memref<128x64xf32, #tpu.memory_space<vmem_shared>>)
      tpu.yield
    }) : () -> ()
    %add3A_18 = arith.constant 512 : i32
    %add3A_19 = arith.addi %mul3A_2, %add3A_18 : i32
    "tpu.region"() ({
      %run_scoped3A = tpu.sem_alloc : memref<!tpu.dma_semaphore, #tpu.memory_space<semaphore_mem>>
      %dma_start3A_62 = arith.constant 0 : i32
      %dma_start3A_63 = tpu.memref_slice %arg15[%add3A_19, %dma_start3A_62] : memref<10240x64xf32, #tpu.memory_space<vmem_shared>> -> memref<128x64xf32, #tpu.memory_space<vmem_shared>>
      %dma_start3A_64 = arith.constant 0 : i32
      %dma_start3A_65 = tpu.memref_slice %arg15[%add3A_19, %dma_start3A_64] : memref<10240x64xf32, #tpu.memory_space<vmem_shared>> -> memref<128x64xf32, #tpu.memory_space<vmem_shared>>
      tpu.enqueue_dma source(%arg9 : memref<128x64xf32, #tpu.memory_space<vmem>>) target(%dma_start3A_65 : memref<128x64xf32, #tpu.memory_space<vmem_shared>>) target_semaphore(%run_scoped3A : memref<!tpu.dma_semaphore, #tpu.memory_space<semaphore_mem>>)
      %dma_wait3A_66 = arith.constant 0 : i32
      %dma_wait3A_67 = tpu.memref_slice %arg15[%add3A_19, %dma_wait3A_66] : memref<10240x64xf32, #tpu.memory_space<vmem_shared>> -> memref<128x64xf32, #tpu.memory_space<vmem_shared>>
      %dma_wait3A_68 = arith.constant 0 : i32
      %dma_wait3A_69 = tpu.memref_slice %arg15[%add3A_19, %dma_wait3A_68] : memref<10240x64xf32, #tpu.memory_space<vmem_shared>> -> memref<128x64xf32, #tpu.memory_space<vmem_shared>>
      tpu.wait_dma2 semaphore(%run_scoped3A : memref<!tpu.dma_semaphore, #tpu.memory_space<semaphore_mem>>) src(%arg9 : memref<128x64xf32, #tpu.memory_space<vmem>>) dst(%dma_wait3A_69 : memref<128x64xf32, #tpu.memory_space<vmem_shared>>)
      tpu.yield
    }) : () -> ()
    %mul3A_20 = arith.constant 10000 : i32
    %mul3A_21 = arith.muli %add3A, %mul3A_20 : i32
    "tpu.region"() ({
      %run_scoped3A = tpu.sem_alloc : memref<!tpu.dma_semaphore, #tpu.memory_space<semaphore_mem>>
      %dma_start3A_62 = tpu.memref_slice %arg3[%mul3A_21] : memref<320000xi32, #tpu.memory_space<hbm>> -> memref<10000xi32, #tpu.memory_space<hbm>>
      %dma_start3A_63 = tpu.memref_slice %arg3[%mul3A_21] : memref<320000xi32, #tpu.memory_space<hbm>> -> memref<10000xi32, #tpu.memory_space<hbm>>
      tpu.enqueue_dma source(%dma_start3A_63 : memref<10000xi32, #tpu.memory_space<hbm>>) target(%arg6 : memref<10000xi32, #tpu.memory_space<vmem>>) target_semaphore(%run_scoped3A : memref<!tpu.dma_semaphore, #tpu.memory_space<semaphore_mem>>)
      %dma_wait3A_64 = tpu.memref_slice %arg3[%mul3A_21] : memref<320000xi32, #tpu.memory_space<hbm>> -> memref<10000xi32, #tpu.memory_space<hbm>>
      %dma_wait3A_65 = tpu.memref_slice %arg3[%mul3A_21] : memref<320000xi32, #tpu.memory_space<hbm>> -> memref<10000xi32, #tpu.memory_space<hbm>>
      tpu.wait_dma2 semaphore(%run_scoped3A : memref<!tpu.dma_semaphore, #tpu.memory_space<semaphore_mem>>) src(%dma_wait3A_65 : memref<10000xi32, #tpu.memory_space<hbm>>) dst(%arg6 : memref<10000xi32, #tpu.memory_space<vmem>>)
      tpu.yield
    }) : () -> ()
    %mul3A_22 = arith.constant 10000 : i32
    %mul3A_23 = arith.muli %add3A, %mul3A_22 : i32
    "tpu.region"() ({
      %run_scoped3A = tpu.sem_alloc : memref<!tpu.dma_semaphore, #tpu.memory_space<semaphore_mem>>
      %dma_start3A_62 = tpu.memref_slice %arg4[%mul3A_23] : memref<320000xi32, #tpu.memory_space<hbm>> -> memref<10000xi32, #tpu.memory_space<hbm>>
      %dma_start3A_63 = tpu.memref_slice %arg4[%mul3A_23] : memref<320000xi32, #tpu.memory_space<hbm>> -> memref<10000xi32, #tpu.memory_space<hbm>>
      tpu.enqueue_dma source(%dma_start3A_63 : memref<10000xi32, #tpu.memory_space<hbm>>) target(%arg7 : memref<10000xi32, #tpu.memory_space<vmem>>) target_semaphore(%run_scoped3A : memref<!tpu.dma_semaphore, #tpu.memory_space<semaphore_mem>>)
      %dma_wait3A_64 = tpu.memref_slice %arg4[%mul3A_23] : memref<320000xi32, #tpu.memory_space<hbm>> -> memref<10000xi32, #tpu.memory_space<hbm>>
      %dma_wait3A_65 = tpu.memref_slice %arg4[%mul3A_23] : memref<320000xi32, #tpu.memory_space<hbm>> -> memref<10000xi32, #tpu.memory_space<hbm>>
      tpu.wait_dma2 semaphore(%run_scoped3A : memref<!tpu.dma_semaphore, #tpu.memory_space<semaphore_mem>>) src(%dma_wait3A_65 : memref<10000xi32, #tpu.memory_space<hbm>>) dst(%arg7 : memref<10000xi32, #tpu.memory_space<vmem>>)
      tpu.yield
    }) : () -> ()
    %dma_start3A = arith.constant 0 : i32
    %dma_start3A_24 = tpu.memref_slice %arg6[%dma_start3A] : memref<10000xi32, #tpu.memory_space<vmem>> -> memref<128xi32, #tpu.memory_space<vmem>>
    %dma_start3A_25 = arith.constant 0 : i32
    %dma_start3A_26 = arith.constant 0 : i32
    %dma_start3A_27 = tpu.memref_slice %arg2[%dma_start3A_25, %dma_start3A_26] : memref<10240x64xf32, #tpu.memory_space<hbm>> -> memref<10240x64xf32, #tpu.memory_space<hbm>>
    tpu.enqueue_indirect_dma source(%dma_start3A_27 : memref<10240x64xf32, #tpu.memory_space<hbm>>) target(%arg9 : memref<128x64xf32, #tpu.memory_space<vmem>>) offsets(%dma_start3A_24 : memref<128xi32, #tpu.memory_space<vmem>>) semaphore(%arg16 : memref<!tpu.dma_semaphore, #tpu.memory_space<semaphore_mem>>)
    %dma_start3A_28 = arith.constant 128 : i32
    %dma_start3A_29 = tpu.memref_slice %arg6[%dma_start3A_28] : memref<10000xi32, #tpu.memory_space<vmem>> -> memref<128xi32, #tpu.memory_space<vmem>>
    %dma_start3A_30 = arith.constant 0 : i32
    %dma_start3A_31 = arith.constant 0 : i32
    %dma_start3A_32 = tpu.memref_slice %arg2[%dma_start3A_30, %dma_start3A_31] : memref<10240x64xf32, #tpu.memory_space<hbm>> -> memref<10240x64xf32, #tpu.memory_space<hbm>>
    tpu.enqueue_indirect_dma source(%dma_start3A_32 : memref<10240x64xf32, #tpu.memory_space<hbm>>) target(%arg10 : memref<128x64xf32, #tpu.memory_space<vmem>>) offsets(%dma_start3A_29 : memref<128xi32, #tpu.memory_space<vmem>>) semaphore(%arg17 : memref<!tpu.dma_semaphore, #tpu.memory_space<semaphore_mem>>)
    %dma_start3A_33 = arith.constant 256 : i32
    %dma_start3A_34 = tpu.memref_slice %arg6[%dma_start3A_33] : memref<10000xi32, #tpu.memory_space<vmem>> -> memref<128xi32, #tpu.memory_space<vmem>>
    %dma_start3A_35 = arith.constant 0 : i32
    %dma_start3A_36 = arith.constant 0 : i32
    %dma_start3A_37 = tpu.memref_slice %arg2[%dma_start3A_35, %dma_start3A_36] : memref<10240x64xf32, #tpu.memory_space<hbm>> -> memref<10240x64xf32, #tpu.memory_space<hbm>>
    tpu.enqueue_indirect_dma source(%dma_start3A_37 : memref<10240x64xf32, #tpu.memory_space<hbm>>) target(%arg11 : memref<128x64xf32, #tpu.memory_space<vmem>>) offsets(%dma_start3A_34 : memref<128xi32, #tpu.memory_space<vmem>>) semaphore(%arg18 : memref<!tpu.dma_semaphore, #tpu.memory_space<semaphore_mem>>)
    %dma_start3A_38 = arith.constant 384 : i32
    %dma_start3A_39 = tpu.memref_slice %arg6[%dma_start3A_38] : memref<10000xi32, #tpu.memory_space<vmem>> -> memref<128xi32, #tpu.memory_space<vmem>>
    %dma_start3A_40 = arith.constant 0 : i32
    %dma_start3A_41 = arith.constant 0 : i32
    %dma_start3A_42 = tpu.memref_slice %arg2[%dma_start3A_40, %dma_start3A_41] : memref<10240x64xf32, #tpu.memory_space<hbm>> -> memref<10240x64xf32, #tpu.memory_space<hbm>>
    tpu.enqueue_indirect_dma source(%dma_start3A_42 : memref<10240x64xf32, #tpu.memory_space<hbm>>) target(%arg12 : memref<128x64xf32, #tpu.memory_space<vmem>>) offsets(%dma_start3A_39 : memref<128xi32, #tpu.memory_space<vmem>>) semaphore(%arg19 : memref<!tpu.dma_semaphore, #tpu.memory_space<semaphore_mem>>)
    %barrier3A = arith.constant 0 : index
    tpu.barrier barrier_id(%barrier3A)
    %scan3A_43 = arith.constant 0 : i32
    %scan3A_44 = arith.constant 13 : i32
    %scan3A_45 = arith.addi %scan3A_43, %scan3A_44 : i32
    %scan3A_46 = arith.constant 1 : i32
    scf.for %scan3A_62 = %scan3A_43 to %scan3A_45 step %scan3A_46  : i32 {
      %mul3A_63 = arith.constant 6 : i32
      %mul3A_64 = arith.muli %scan3A_62, %mul3A_63 : i32
      %add3A_65 = arith.constant 0 : i32
      %add3A_66 = arith.addi %add3A_65, %mul3A_64 : i32
      %add3A_67 = arith.constant 0 : i32
      %add3A_68 = arith.addi %add3A_66, %add3A_67 : i32
      %ge3A = arith.constant 2 : i32
      %ge3A_69 = arith.cmpi sge, %add3A_68, %ge3A : i32
      %convert_element_type3A = arith.extui %ge3A_69 : i1 to i32
      %cond3A = arith.constant 0 : i32
      %cond3A_70 = arith.cmpi ne, %convert_element_type3A, %cond3A : i32
      scf.if %cond3A_70 {
        %sub3A = arith.constant 2 : i32
        %sub3A_219 = arith.subi %add3A_68, %sub3A : i32
        %mul3A_220 = arith.constant 128 : i32
        %mul3A_221 = arith.muli %sub3A_219, %mul3A_220 : i32
        %dma_wait3A_222 = tpu.memref_slice %arg7[%mul3A_221] : memref<10000xi32, #tpu.memory_space<vmem>> -> memref<128xi32, #tpu.memory_space<vmem>>
        %dma_wait3A_223 = arith.constant 0 : i32
        %dma_wait3A_224 = arith.constant 0 : i32
        %dma_wait3A_225 = tpu.memref_slice %arg15[%dma_wait3A_223, %dma_wait3A_224] : memref<10240x64xf32, #tpu.memory_space<vmem_shared>> -> memref<10240x64xf32, #tpu.memory_space<vmem_shared>>
        tpu.wait_indirect_dma semaphore(%arg26 : memref<!tpu.dma_semaphore, #tpu.memory_space<semaphore_mem>>) src(%arg13 : memref<128x64xf32, #tpu.memory_space<vmem>>) dst(%dma_wait3A_225 : memref<10240x64xf32, #tpu.memory_space<vmem_shared>>)
      } else {
      }
      %add3A_71 = arith.constant 4 : i32
      %add3A_72 = arith.addi %add3A_68, %add3A_71 : i32
      %lt3A = arith.constant 78 : i32
      %lt3A_73 = arith.cmpi slt, %add3A_72, %lt3A : i32
      %convert_element_type3A_74 = arith.extui %lt3A_73 : i1 to i32
      %cond3A_75 = arith.constant 0 : i32
      %cond3A_76 = arith.cmpi ne, %convert_element_type3A_74, %cond3A_75 : i32
      scf.if %cond3A_76 {
        %add3A_219 = arith.constant 4 : i32
        %add3A_220 = arith.addi %add3A_68, %add3A_219 : i32
        %mul3A_221 = arith.constant 128 : i32
        %mul3A_222 = arith.muli %add3A_220, %mul3A_221 : i32
        %dma_start3A_223 = tpu.memref_slice %arg6[%mul3A_222] : memref<10000xi32, #tpu.memory_space<vmem>> -> memref<128xi32, #tpu.memory_space<vmem>>
        %dma_start3A_224 = arith.constant 0 : i32
        %dma_start3A_225 = arith.constant 0 : i32
        %dma_start3A_226 = tpu.memref_slice %arg2[%dma_start3A_224, %dma_start3A_225] : memref<10240x64xf32, #tpu.memory_space<hbm>> -> memref<10240x64xf32, #tpu.memory_space<hbm>>
        tpu.enqueue_indirect_dma source(%dma_start3A_226 : memref<10240x64xf32, #tpu.memory_space<hbm>>) target(%arg13 : memref<128x64xf32, #tpu.memory_space<vmem>>) offsets(%dma_start3A_223 : memref<128xi32, #tpu.memory_space<vmem>>) semaphore(%arg20 : memref<!tpu.dma_semaphore, #tpu.memory_space<semaphore_mem>>)
      } else {
      }
      %mul3A_77 = arith.constant 128 : i32
      %mul3A_78 = arith.muli %add3A_68, %mul3A_77 : i32
      %dma_wait3A_79 = tpu.memref_slice %arg6[%mul3A_78] : memref<10000xi32, #tpu.memory_space<vmem>> -> memref<128xi32, #tpu.memory_space<vmem>>
      %dma_wait3A_80 = arith.constant 0 : i32
      %dma_wait3A_81 = arith.constant 0 : i32
      %dma_wait3A_82 = tpu.memref_slice %arg2[%dma_wait3A_80, %dma_wait3A_81] : memref<10240x64xf32, #tpu.memory_space<hbm>> -> memref<10240x64xf32, #tpu.memory_space<hbm>>
      tpu.wait_indirect_dma semaphore(%arg16 : memref<!tpu.dma_semaphore, #tpu.memory_space<semaphore_mem>>) src(%dma_wait3A_82 : memref<10240x64xf32, #tpu.memory_space<hbm>>) dst(%arg9 : memref<128x64xf32, #tpu.memory_space<vmem>>)
      %mul3A_83 = arith.constant 128 : i32
      %mul3A_84 = arith.muli %add3A_68, %mul3A_83 : i32
      %dma_start3A_85 = tpu.memref_slice %arg7[%mul3A_84] : memref<10000xi32, #tpu.memory_space<vmem>> -> memref<128xi32, #tpu.memory_space<vmem>>
      %dma_start3A_86 = arith.constant 0 : i32
      %dma_start3A_87 = arith.constant 0 : i32
      %dma_start3A_88 = tpu.memref_slice %arg15[%dma_start3A_86, %dma_start3A_87] : memref<10240x64xf32, #tpu.memory_space<vmem_shared>> -> memref<10240x64xf32, #tpu.memory_space<vmem_shared>>
      tpu.enqueue_indirect_dma source(%arg9 : memref<128x64xf32, #tpu.memory_space<vmem>>) target(%dma_start3A_88 : memref<10240x64xf32, #tpu.memory_space<vmem_shared>>) offsets(%dma_start3A_85 : memref<128xi32, #tpu.memory_space<vmem>>) semaphore(%arg22 : memref<!tpu.dma_semaphore, #tpu.memory_space<semaphore_mem>>) {add = true}
      %add3A_89 = arith.constant 1 : i32
      %add3A_90 = arith.addi %add3A_66, %add3A_89 : i32
      %ge3A_91 = arith.constant 2 : i32
      %ge3A_92 = arith.cmpi sge, %add3A_90, %ge3A_91 : i32
      %convert_element_type3A_93 = arith.extui %ge3A_92 : i1 to i32
      %cond3A_94 = arith.constant 0 : i32
      %cond3A_95 = arith.cmpi ne, %convert_element_type3A_93, %cond3A_94 : i32
      scf.if %cond3A_95 {
        %sub3A = arith.constant 2 : i32
        %sub3A_219 = arith.subi %add3A_90, %sub3A : i32
        %mul3A_220 = arith.constant 128 : i32
        %mul3A_221 = arith.muli %sub3A_219, %mul3A_220 : i32
        %dma_wait3A_222 = tpu.memref_slice %arg7[%mul3A_221] : memref<10000xi32, #tpu.memory_space<vmem>> -> memref<128xi32, #tpu.memory_space<vmem>>
        %dma_wait3A_223 = arith.constant 0 : i32
        %dma_wait3A_224 = arith.constant 0 : i32
        %dma_wait3A_225 = tpu.memref_slice %arg15[%dma_wait3A_223, %dma_wait3A_224] : memref<10240x64xf32, #tpu.memory_space<vmem_shared>> -> memref<10240x64xf32, #tpu.memory_space<vmem_shared>>
        tpu.wait_indirect_dma semaphore(%arg27 : memref<!tpu.dma_semaphore, #tpu.memory_space<semaphore_mem>>) src(%arg14 : memref<128x64xf32, #tpu.memory_space<vmem>>) dst(%dma_wait3A_225 : memref<10240x64xf32, #tpu.memory_space<vmem_shared>>)
      } else {
      }
      %add3A_96 = arith.constant 4 : i32
      %add3A_97 = arith.addi %add3A_90, %add3A_96 : i32
      %lt3A_98 = arith.constant 78 : i32
      %lt3A_99 = arith.cmpi slt, %add3A_97, %lt3A_98 : i32
      %convert_element_type3A_100 = arith.extui %lt3A_99 : i1 to i32
      %cond3A_101 = arith.constant 0 : i32
      %cond3A_102 = arith.cmpi ne, %convert_element_type3A_100, %cond3A_101 : i32
      scf.if %cond3A_102 {
        %add3A_219 = arith.constant 4 : i32
        %add3A_220 = arith.addi %add3A_90, %add3A_219 : i32
        %mul3A_221 = arith.constant 128 : i32
        %mul3A_222 = arith.muli %add3A_220, %mul3A_221 : i32
        %dma_start3A_223 = tpu.memref_slice %arg6[%mul3A_222] : memref<10000xi32, #tpu.memory_space<vmem>> -> memref<128xi32, #tpu.memory_space<vmem>>
        %dma_start3A_224 = arith.constant 0 : i32
        %dma_start3A_225 = arith.constant 0 : i32
        %dma_start3A_226 = tpu.memref_slice %arg2[%dma_start3A_224, %dma_start3A_225] : memref<10240x64xf32, #tpu.memory_space<hbm>> -> memref<10240x64xf32, #tpu.memory_space<hbm>>
        tpu.enqueue_indirect_dma source(%dma_start3A_226 : memref<10240x64xf32, #tpu.memory_space<hbm>>) target(%arg14 : memref<128x64xf32, #tpu.memory_space<vmem>>) offsets(%dma_start3A_223 : memref<128xi32, #tpu.memory_space<vmem>>) semaphore(%arg21 : memref<!tpu.dma_semaphore, #tpu.memory_space<semaphore_mem>>)
      } else {
      }
      %mul3A_103 = arith.constant 128 : i32
      %mul3A_104 = arith.muli %add3A_90, %mul3A_103 : i32
      %dma_wait3A_105 = tpu.memref_slice %arg6[%mul3A_104] : memref<10000xi32, #tpu.memory_space<vmem>> -> memref<128xi32, #tpu.memory_space<vmem>>
      %dma_wait3A_106 = arith.constant 0 : i32
      %dma_wait3A_107 = arith.constant 0 : i32
      %dma_wait3A_108 = tpu.memref_slice %arg2[%dma_wait3A_106, %dma_wait3A_107] : memref<10240x64xf32, #tpu.memory_space<hbm>> -> memref<10240x64xf32, #tpu.memory_space<hbm>>
      tpu.wait_indirect_dma semaphore(%arg17 : memref<!tpu.dma_semaphore, #tpu.memory_space<semaphore_mem>>) src(%dma_wait3A_108 : memref<10240x64xf32, #tpu.memory_space<hbm>>) dst(%arg10 : memref<128x64xf32, #tpu.memory_space<vmem>>)
      %mul3A_109 = arith.constant 128 : i32
      %mul3A_110 = arith.muli %add3A_90, %mul3A_109 : i32
      %dma_start3A_111 = tpu.memref_slice %arg7[%mul3A_110] : memref<10000xi32, #tpu.memory_space<vmem>> -> memref<128xi32, #tpu.memory_space<vmem>>
      %dma_start3A_112 = arith.constant 0 : i32
      %dma_start3A_113 = arith.constant 0 : i32
      %dma_start3A_114 = tpu.memref_slice %arg15[%dma_start3A_112, %dma_start3A_113] : memref<10240x64xf32, #tpu.memory_space<vmem_shared>> -> memref<10240x64xf32, #tpu.memory_space<vmem_shared>>
      tpu.enqueue_indirect_dma source(%arg10 : memref<128x64xf32, #tpu.memory_space<vmem>>) target(%dma_start3A_114 : memref<10240x64xf32, #tpu.memory_space<vmem_shared>>) offsets(%dma_start3A_111 : memref<128xi32, #tpu.memory_space<vmem>>) semaphore(%arg23 : memref<!tpu.dma_semaphore, #tpu.memory_space<semaphore_mem>>) {add = true}
      %add3A_115 = arith.constant 2 : i32
      %add3A_116 = arith.addi %add3A_66, %add3A_115 : i32
      %ge3A_117 = arith.constant 2 : i32
      %ge3A_118 = arith.cmpi sge, %add3A_116, %ge3A_117 : i32
      %convert_element_type3A_119 = arith.extui %ge3A_118 : i1 to i32
      %cond3A_120 = arith.constant 0 : i32
      %cond3A_121 = arith.cmpi ne, %convert_element_type3A_119, %cond3A_120 : i32
      scf.if %cond3A_121 {
        %sub3A = arith.constant 2 : i32
        %sub3A_219 = arith.subi %add3A_116, %sub3A : i32
        %mul3A_220 = arith.constant 128 : i32
        %mul3A_221 = arith.muli %sub3A_219, %mul3A_220 : i32
        %dma_wait3A_222 = tpu.memref_slice %arg7[%mul3A_221] : memref<10000xi32, #tpu.memory_space<vmem>> -> memref<128xi32, #tpu.memory_space<vmem>>
        %dma_wait3A_223 = arith.constant 0 : i32
        %dma_wait3A_224 = arith.constant 0 : i32
        %dma_wait3A_225 = tpu.memref_slice %arg15[%dma_wait3A_223, %dma_wait3A_224] : memref<10240x64xf32, #tpu.memory_space<vmem_shared>> -> memref<10240x64xf32, #tpu.memory_space<vmem_shared>>
        tpu.wait_indirect_dma semaphore(%arg22 : memref<!tpu.dma_semaphore, #tpu.memory_space<semaphore_mem>>) src(%arg9 : memref<128x64xf32, #tpu.memory_space<vmem>>) dst(%dma_wait3A_225 : memref<10240x64xf32, #tpu.memory_space<vmem_shared>>)
      } else {
      }
      %add3A_122 = arith.constant 4 : i32
      %add3A_123 = arith.addi %add3A_116, %add3A_122 : i32
      %lt3A_124 = arith.constant 78 : i32
      %lt3A_125 = arith.cmpi slt, %add3A_123, %lt3A_124 : i32
      %convert_element_type3A_126 = arith.extui %lt3A_125 : i1 to i32
      %cond3A_127 = arith.constant 0 : i32
      %cond3A_128 = arith.cmpi ne, %convert_element_type3A_126, %cond3A_127 : i32
      scf.if %cond3A_128 {
        %add3A_219 = arith.constant 4 : i32
        %add3A_220 = arith.addi %add3A_116, %add3A_219 : i32
        %mul3A_221 = arith.constant 128 : i32
        %mul3A_222 = arith.muli %add3A_220, %mul3A_221 : i32
        %dma_start3A_223 = tpu.memref_slice %arg6[%mul3A_222] : memref<10000xi32, #tpu.memory_space<vmem>> -> memref<128xi32, #tpu.memory_space<vmem>>
        %dma_start3A_224 = arith.constant 0 : i32
        %dma_start3A_225 = arith.constant 0 : i32
        %dma_start3A_226 = tpu.memref_slice %arg2[%dma_start3A_224, %dma_start3A_225] : memref<10240x64xf32, #tpu.memory_space<hbm>> -> memref<10240x64xf32, #tpu.memory_space<hbm>>
        tpu.enqueue_indirect_dma source(%dma_start3A_226 : memref<10240x64xf32, #tpu.memory_space<hbm>>) target(%arg9 : memref<128x64xf32, #tpu.memory_space<vmem>>) offsets(%dma_start3A_223 : memref<128xi32, #tpu.memory_space<vmem>>) semaphore(%arg16 : memref<!tpu.dma_semaphore, #tpu.memory_space<semaphore_mem>>)
      } else {
      }
      %mul3A_129 = arith.constant 128 : i32
      %mul3A_130 = arith.muli %add3A_116, %mul3A_129 : i32
      %dma_wait3A_131 = tpu.memref_slice %arg6[%mul3A_130] : memref<10000xi32, #tpu.memory_space<vmem>> -> memref<128xi32, #tpu.memory_space<vmem>>
      %dma_wait3A_132 = arith.constant 0 : i32
      %dma_wait3A_133 = arith.constant 0 : i32
      %dma_wait3A_134 = tpu.memref_slice %arg2[%dma_wait3A_132, %dma_wait3A_133] : memref<10240x64xf32, #tpu.memory_space<hbm>> -> memref<10240x64xf32, #tpu.memory_space<hbm>>
      tpu.wait_indirect_dma semaphore(%arg18 : memref<!tpu.dma_semaphore, #tpu.memory_space<semaphore_mem>>) src(%dma_wait3A_134 : memref<10240x64xf32, #tpu.memory_space<hbm>>) dst(%arg11 : memref<128x64xf32, #tpu.memory_space<vmem>>)
      %mul3A_135 = arith.constant 128 : i32
      %mul3A_136 = arith.muli %add3A_116, %mul3A_135 : i32
      %dma_start3A_137 = tpu.memref_slice %arg7[%mul3A_136] : memref<10000xi32, #tpu.memory_space<vmem>> -> memref<128xi32, #tpu.memory_space<vmem>>
      %dma_start3A_138 = arith.constant 0 : i32
      %dma_start3A_139 = arith.constant 0 : i32
      %dma_start3A_140 = tpu.memref_slice %arg15[%dma_start3A_138, %dma_start3A_139] : memref<10240x64xf32, #tpu.memory_space<vmem_shared>> -> memref<10240x64xf32, #tpu.memory_space<vmem_shared>>
      tpu.enqueue_indirect_dma source(%arg11 : memref<128x64xf32, #tpu.memory_space<vmem>>) target(%dma_start3A_140 : memref<10240x64xf32, #tpu.memory_space<vmem_shared>>) offsets(%dma_start3A_137 : memref<128xi32, #tpu.memory_space<vmem>>) semaphore(%arg24 : memref<!tpu.dma_semaphore, #tpu.memory_space<semaphore_mem>>) {add = true}
      %add3A_141 = arith.constant 3 : i32
      %add3A_142 = arith.addi %add3A_66, %add3A_141 : i32
      %ge3A_143 = arith.constant 2 : i32
      %ge3A_144 = arith.cmpi sge, %add3A_142, %ge3A_143 : i32
      %convert_element_type3A_145 = arith.extui %ge3A_144 : i1 to i32
      %cond3A_146 = arith.constant 0 : i32
      %cond3A_147 = arith.cmpi ne, %convert_element_type3A_145, %cond3A_146 : i32
      scf.if %cond3A_147 {
        %sub3A = arith.constant 2 : i32
        %sub3A_219 = arith.subi %add3A_142, %sub3A : i32
        %mul3A_220 = arith.constant 128 : i32
        %mul3A_221 = arith.muli %sub3A_219, %mul3A_220 : i32
        %dma_wait3A_222 = tpu.memref_slice %arg7[%mul3A_221] : memref<10000xi32, #tpu.memory_space<vmem>> -> memref<128xi32, #tpu.memory_space<vmem>>
        %dma_wait3A_223 = arith.constant 0 : i32
        %dma_wait3A_224 = arith.constant 0 : i32
        %dma_wait3A_225 = tpu.memref_slice %arg15[%dma_wait3A_223, %dma_wait3A_224] : memref<10240x64xf32, #tpu.memory_space<vmem_shared>> -> memref<10240x64xf32, #tpu.memory_space<vmem_shared>>
        tpu.wait_indirect_dma semaphore(%arg23 : memref<!tpu.dma_semaphore, #tpu.memory_space<semaphore_mem>>) src(%arg10 : memref<128x64xf32, #tpu.memory_space<vmem>>) dst(%dma_wait3A_225 : memref<10240x64xf32, #tpu.memory_space<vmem_shared>>)
      } else {
      }
      %add3A_148 = arith.constant 4 : i32
      %add3A_149 = arith.addi %add3A_142, %add3A_148 : i32
      %lt3A_150 = arith.constant 78 : i32
      %lt3A_151 = arith.cmpi slt, %add3A_149, %lt3A_150 : i32
      %convert_element_type3A_152 = arith.extui %lt3A_151 : i1 to i32
      %cond3A_153 = arith.constant 0 : i32
      %cond3A_154 = arith.cmpi ne, %convert_element_type3A_152, %cond3A_153 : i32
      scf.if %cond3A_154 {
        %add3A_219 = arith.constant 4 : i32
        %add3A_220 = arith.addi %add3A_142, %add3A_219 : i32
        %mul3A_221 = arith.constant 128 : i32
        %mul3A_222 = arith.muli %add3A_220, %mul3A_221 : i32
        %dma_start3A_223 = tpu.memref_slice %arg6[%mul3A_222] : memref<10000xi32, #tpu.memory_space<vmem>> -> memref<128xi32, #tpu.memory_space<vmem>>
        %dma_start3A_224 = arith.constant 0 : i32
        %dma_start3A_225 = arith.constant 0 : i32
        %dma_start3A_226 = tpu.memref_slice %arg2[%dma_start3A_224, %dma_start3A_225] : memref<10240x64xf32, #tpu.memory_space<hbm>> -> memref<10240x64xf32, #tpu.memory_space<hbm>>
        tpu.enqueue_indirect_dma source(%dma_start3A_226 : memref<10240x64xf32, #tpu.memory_space<hbm>>) target(%arg10 : memref<128x64xf32, #tpu.memory_space<vmem>>) offsets(%dma_start3A_223 : memref<128xi32, #tpu.memory_space<vmem>>) semaphore(%arg17 : memref<!tpu.dma_semaphore, #tpu.memory_space<semaphore_mem>>)
      } else {
      }
      %mul3A_155 = arith.constant 128 : i32
      %mul3A_156 = arith.muli %add3A_142, %mul3A_155 : i32
      %dma_wait3A_157 = tpu.memref_slice %arg6[%mul3A_156] : memref<10000xi32, #tpu.memory_space<vmem>> -> memref<128xi32, #tpu.memory_space<vmem>>
      %dma_wait3A_158 = arith.constant 0 : i32
      %dma_wait3A_159 = arith.constant 0 : i32
      %dma_wait3A_160 = tpu.memref_slice %arg2[%dma_wait3A_158, %dma_wait3A_159] : memref<10240x64xf32, #tpu.memory_space<hbm>> -> memref<10240x64xf32, #tpu.memory_space<hbm>>
      tpu.wait_indirect_dma semaphore(%arg19 : memref<!tpu.dma_semaphore, #tpu.memory_space<semaphore_mem>>) src(%dma_wait3A_160 : memref<10240x64xf32, #tpu.memory_space<hbm>>) dst(%arg12 : memref<128x64xf32, #tpu.memory_space<vmem>>)
      %mul3A_161 = arith.constant 128 : i32
      %mul3A_162 = arith.muli %add3A_142, %mul3A_161 : i32
      %dma_start3A_163 = tpu.memref_slice %arg7[%mul3A_162] : memref<10000xi32, #tpu.memory_space<vmem>> -> memref<128xi32, #tpu.memory_space<vmem>>
      %dma_start3A_164 = arith.constant 0 : i32
      %dma_start3A_165 = arith.constant 0 : i32
      %dma_start3A_166 = tpu.memref_slice %arg15[%dma_start3A_164, %dma_start3A_165] : memref<10240x64xf32, #tpu.memory_space<vmem_shared>> -> memref<10240x64xf32, #tpu.memory_space<vmem_shared>>
      tpu.enqueue_indirect_dma source(%arg12 : memref<128x64xf32, #tpu.memory_space<vmem>>) target(%dma_start3A_166 : memref<10240x64xf32, #tpu.memory_space<vmem_shared>>) offsets(%dma_start3A_163 : memref<128xi32, #tpu.memory_space<vmem>>) semaphore(%arg25 : memref<!tpu.dma_semaphore, #tpu.memory_space<semaphore_mem>>) {add = true}
      %add3A_167 = arith.constant 4 : i32
      %add3A_168 = arith.addi %add3A_66, %add3A_167 : i32
      %ge3A_169 = arith.constant 2 : i32
      %ge3A_170 = arith.cmpi sge, %add3A_168, %ge3A_169 : i32
      %convert_element_type3A_171 = arith.extui %ge3A_170 : i1 to i32
      %cond3A_172 = arith.constant 0 : i32
      %cond3A_173 = arith.cmpi ne, %convert_element_type3A_171, %cond3A_172 : i32
      scf.if %cond3A_173 {
        %sub3A = arith.constant 2 : i32
        %sub3A_219 = arith.subi %add3A_168, %sub3A : i32
        %mul3A_220 = arith.constant 128 : i32
        %mul3A_221 = arith.muli %sub3A_219, %mul3A_220 : i32
        %dma_wait3A_222 = tpu.memref_slice %arg7[%mul3A_221] : memref<10000xi32, #tpu.memory_space<vmem>> -> memref<128xi32, #tpu.memory_space<vmem>>
        %dma_wait3A_223 = arith.constant 0 : i32
        %dma_wait3A_224 = arith.constant 0 : i32
        %dma_wait3A_225 = tpu.memref_slice %arg15[%dma_wait3A_223, %dma_wait3A_224] : memref<10240x64xf32, #tpu.memory_space<vmem_shared>> -> memref<10240x64xf32, #tpu.memory_space<vmem_shared>>
        tpu.wait_indirect_dma semaphore(%arg24 : memref<!tpu.dma_semaphore, #tpu.memory_space<semaphore_mem>>) src(%arg11 : memref<128x64xf32, #tpu.memory_space<vmem>>) dst(%dma_wait3A_225 : memref<10240x64xf32, #tpu.memory_space<vmem_shared>>)
      } else {
      }
      %add3A_174 = arith.constant 4 : i32
      %add3A_175 = arith.addi %add3A_168, %add3A_174 : i32
      %lt3A_176 = arith.constant 78 : i32
      %lt3A_177 = arith.cmpi slt, %add3A_175, %lt3A_176 : i32
      %convert_element_type3A_178 = arith.extui %lt3A_177 : i1 to i32
      %cond3A_179 = arith.constant 0 : i32
      %cond3A_180 = arith.cmpi ne, %convert_element_type3A_178, %cond3A_179 : i32
      scf.if %cond3A_180 {
        %add3A_219 = arith.constant 4 : i32
        %add3A_220 = arith.addi %add3A_168, %add3A_219 : i32
        %mul3A_221 = arith.constant 128 : i32
        %mul3A_222 = arith.muli %add3A_220, %mul3A_221 : i32
        %dma_start3A_223 = tpu.memref_slice %arg6[%mul3A_222] : memref<10000xi32, #tpu.memory_space<vmem>> -> memref<128xi32, #tpu.memory_space<vmem>>
        %dma_start3A_224 = arith.constant 0 : i32
        %dma_start3A_225 = arith.constant 0 : i32
        %dma_start3A_226 = tpu.memref_slice %arg2[%dma_start3A_224, %dma_start3A_225] : memref<10240x64xf32, #tpu.memory_space<hbm>> -> memref<10240x64xf32, #tpu.memory_space<hbm>>
        tpu.enqueue_indirect_dma source(%dma_start3A_226 : memref<10240x64xf32, #tpu.memory_space<hbm>>) target(%arg11 : memref<128x64xf32, #tpu.memory_space<vmem>>) offsets(%dma_start3A_223 : memref<128xi32, #tpu.memory_space<vmem>>) semaphore(%arg18 : memref<!tpu.dma_semaphore, #tpu.memory_space<semaphore_mem>>)
      } else {
      }
      %mul3A_181 = arith.constant 128 : i32
      %mul3A_182 = arith.muli %add3A_168, %mul3A_181 : i32
      %dma_wait3A_183 = tpu.memref_slice %arg6[%mul3A_182] : memref<10000xi32, #tpu.memory_space<vmem>> -> memref<128xi32, #tpu.memory_space<vmem>>
      %dma_wait3A_184 = arith.constant 0 : i32
      %dma_wait3A_185 = arith.constant 0 : i32
      %dma_wait3A_186 = tpu.memref_slice %arg2[%dma_wait3A_184, %dma_wait3A_185] : memref<10240x64xf32, #tpu.memory_space<hbm>> -> memref<10240x64xf32, #tpu.memory_space<hbm>>
      tpu.wait_indirect_dma semaphore(%arg20 : memref<!tpu.dma_semaphore, #tpu.memory_space<semaphore_mem>>) src(%dma_wait3A_186 : memref<10240x64xf32, #tpu.memory_space<hbm>>) dst(%arg13 : memref<128x64xf32, #tpu.memory_space<vmem>>)
      %mul3A_187 = arith.constant 128 : i32
      %mul3A_188 = arith.muli %add3A_168, %mul3A_187 : i32
      %dma_start3A_189 = tpu.memref_slice %arg7[%mul3A_188] : memref<10000xi32, #tpu.memory_space<vmem>> -> memref<128xi32, #tpu.memory_space<vmem>>
      %dma_start3A_190 = arith.constant 0 : i32
      %dma_start3A_191 = arith.constant 0 : i32
      %dma_start3A_192 = tpu.memref_slice %arg15[%dma_start3A_190, %dma_start3A_191] : memref<10240x64xf32, #tpu.memory_space<vmem_shared>> -> memref<10240x64xf32, #tpu.memory_space<vmem_shared>>
      tpu.enqueue_indirect_dma source(%arg13 : memref<128x64xf32, #tpu.memory_space<vmem>>) target(%dma_start3A_192 : memref<10240x64xf32, #tpu.memory_space<vmem_shared>>) offsets(%dma_start3A_189 : memref<128xi32, #tpu.memory_space<vmem>>) semaphore(%arg26 : memref<!tpu.dma_semaphore, #tpu.memory_space<semaphore_mem>>) {add = true}
      %add3A_193 = arith.constant 5 : i32
      %add3A_194 = arith.addi %add3A_66, %add3A_193 : i32
      %ge3A_195 = arith.constant 2 : i32
      %ge3A_196 = arith.cmpi sge, %add3A_194, %ge3A_195 : i32
      %convert_element_type3A_197 = arith.extui %ge3A_196 : i1 to i32
      %cond3A_198 = arith.constant 0 : i32
      %cond3A_199 = arith.cmpi ne, %convert_element_type3A_197, %cond3A_198 : i32
      scf.if %cond3A_199 {
        %sub3A = arith.constant 2 : i32
        %sub3A_219 = arith.subi %add3A_194, %sub3A : i32
        %mul3A_220 = arith.constant 128 : i32
        %mul3A_221 = arith.muli %sub3A_219, %mul3A_220 : i32
        %dma_wait3A_222 = tpu.memref_slice %arg7[%mul3A_221] : memref<10000xi32, #tpu.memory_space<vmem>> -> memref<128xi32, #tpu.memory_space<vmem>>
        %dma_wait3A_223 = arith.constant 0 : i32
        %dma_wait3A_224 = arith.constant 0 : i32
        %dma_wait3A_225 = tpu.memref_slice %arg15[%dma_wait3A_223, %dma_wait3A_224] : memref<10240x64xf32, #tpu.memory_space<vmem_shared>> -> memref<10240x64xf32, #tpu.memory_space<vmem_shared>>
        tpu.wait_indirect_dma semaphore(%arg25 : memref<!tpu.dma_semaphore, #tpu.memory_space<semaphore_mem>>) src(%arg12 : memref<128x64xf32, #tpu.memory_space<vmem>>) dst(%dma_wait3A_225 : memref<10240x64xf32, #tpu.memory_space<vmem_shared>>)
      } else {
      }
      %add3A_200 = arith.constant 4 : i32
      %add3A_201 = arith.addi %add3A_194, %add3A_200 : i32
      %lt3A_202 = arith.constant 78 : i32
      %lt3A_203 = arith.cmpi slt, %add3A_201, %lt3A_202 : i32
      %convert_element_type3A_204 = arith.extui %lt3A_203 : i1 to i32
      %cond3A_205 = arith.constant 0 : i32
      %cond3A_206 = arith.cmpi ne, %convert_element_type3A_204, %cond3A_205 : i32
      scf.if %cond3A_206 {
        %add3A_219 = arith.constant 4 : i32
        %add3A_220 = arith.addi %add3A_194, %add3A_219 : i32
        %mul3A_221 = arith.constant 128 : i32
        %mul3A_222 = arith.muli %add3A_220, %mul3A_221 : i32
        %dma_start3A_223 = tpu.memref_slice %arg6[%mul3A_222] : memref<10000xi32, #tpu.memory_space<vmem>> -> memref<128xi32, #tpu.memory_space<vmem>>
        %dma_start3A_224 = arith.constant 0 : i32
        %dma_start3A_225 = arith.constant 0 : i32
        %dma_start3A_226 = tpu.memref_slice %arg2[%dma_start3A_224, %dma_start3A_225] : memref<10240x64xf32, #tpu.memory_space<hbm>> -> memref<10240x64xf32, #tpu.memory_space<hbm>>
        tpu.enqueue_indirect_dma source(%dma_start3A_226 : memref<10240x64xf32, #tpu.memory_space<hbm>>) target(%arg12 : memref<128x64xf32, #tpu.memory_space<vmem>>) offsets(%dma_start3A_223 : memref<128xi32, #tpu.memory_space<vmem>>) semaphore(%arg19 : memref<!tpu.dma_semaphore, #tpu.memory_space<semaphore_mem>>)
      } else {
      }
      %mul3A_207 = arith.constant 128 : i32
      %mul3A_208 = arith.muli %add3A_194, %mul3A_207 : i32
      %dma_wait3A_209 = tpu.memref_slice %arg6[%mul3A_208] : memref<10000xi32, #tpu.memory_space<vmem>> -> memref<128xi32, #tpu.memory_space<vmem>>
      %dma_wait3A_210 = arith.constant 0 : i32
      %dma_wait3A_211 = arith.constant 0 : i32
      %dma_wait3A_212 = tpu.memref_slice %arg2[%dma_wait3A_210, %dma_wait3A_211] : memref<10240x64xf32, #tpu.memory_space<hbm>> -> memref<10240x64xf32, #tpu.memory_space<hbm>>
      tpu.wait_indirect_dma semaphore(%arg21 : memref<!tpu.dma_semaphore, #tpu.memory_space<semaphore_mem>>) src(%dma_wait3A_212 : memref<10240x64xf32, #tpu.memory_space<hbm>>) dst(%arg14 : memref<128x64xf32, #tpu.memory_space<vmem>>)
      %mul3A_213 = arith.constant 128 : i32
      %mul3A_214 = arith.muli %add3A_194, %mul3A_213 : i32
      %dma_start3A_215 = tpu.memref_slice %arg7[%mul3A_214] : memref<10000xi32, #tpu.memory_space<vmem>> -> memref<128xi32, #tpu.memory_space<vmem>>
      %dma_start3A_216 = arith.constant 0 : i32
      %dma_start3A_217 = arith.constant 0 : i32
      %dma_start3A_218 = tpu.memref_slice %arg15[%dma_start3A_216, %dma_start3A_217] : memref<10240x64xf32, #tpu.memory_space<vmem_shared>> -> memref<10240x64xf32, #tpu.memory_space<vmem_shared>>
      tpu.enqueue_indirect_dma source(%arg14 : memref<128x64xf32, #tpu.memory_space<vmem>>) target(%dma_start3A_218 : memref<10240x64xf32, #tpu.memory_space<vmem_shared>>) offsets(%dma_start3A_215 : memref<128xi32, #tpu.memory_space<vmem>>) semaphore(%arg27 : memref<!tpu.dma_semaphore, #tpu.memory_space<semaphore_mem>>) {add = true}
    }
    %scan3A_47 = arith.constant 13 : i32
    "tpu.region"() ({
      %run_scoped3A = tpu.sem_alloc : memref<!tpu.dma_semaphore, #tpu.memory_space<semaphore_mem>>
      %dma_start3A_62 = arith.constant 9984 : i32
      %dma_start3A_63 = tpu.memref_slice %arg6[%dma_start3A_62] : memref<10000xi32, #tpu.memory_space<vmem>> -> memref<16xi32, #tpu.memory_space<vmem>>
      %dma_start3A_64 = arith.constant 0 : i32
      %dma_start3A_65 = arith.constant 0 : i32
      %dma_start3A_66 = tpu.memref_slice %arg2[%dma_start3A_64, %dma_start3A_65] : memref<10240x64xf32, #tpu.memory_space<hbm>> -> memref<10240x64xf32, #tpu.memory_space<hbm>>
      tpu.enqueue_indirect_dma source(%dma_start3A_66 : memref<10240x64xf32, #tpu.memory_space<hbm>>) target(%arg8 : memref<16x64xf32, #tpu.memory_space<vmem>>) offsets(%dma_start3A_63 : memref<16xi32, #tpu.memory_space<vmem>>) semaphore(%run_scoped3A : memref<!tpu.dma_semaphore, #tpu.memory_space<semaphore_mem>>)
      %dma_wait3A_67 = arith.constant 9984 : i32
      %dma_wait3A_68 = tpu.memref_slice %arg6[%dma_wait3A_67] : memref<10000xi32, #tpu.memory_space<vmem>> -> memref<16xi32, #tpu.memory_space<vmem>>
      %dma_wait3A_69 = arith.constant 0 : i32
      %dma_wait3A_70 = arith.constant 0 : i32
      %dma_wait3A_71 = tpu.memref_slice %arg2[%dma_wait3A_69, %dma_wait3A_70] : memref<10240x64xf32, #tpu.memory_space<hbm>> -> memref<10240x64xf32, #tpu.memory_space<hbm>>
      tpu.wait_indirect_dma semaphore(%run_scoped3A : memref<!tpu.dma_semaphore, #tpu.memory_space<semaphore_mem>>) src(%dma_wait3A_71 : memref<10240x64xf32, #tpu.memory_space<hbm>>) dst(%arg8 : memref<16x64xf32, #tpu.memory_space<vmem>>)
      tpu.yield
    }) : () -> ()
    "tpu.region"() ({
      %run_scoped3A = tpu.sem_alloc : memref<!tpu.dma_semaphore, #tpu.memory_space<semaphore_mem>>
      %dma_start3A_62 = arith.constant 9984 : i32
      %dma_start3A_63 = tpu.memref_slice %arg7[%dma_start3A_62] : memref<10000xi32, #tpu.memory_space<vmem>> -> memref<16xi32, #tpu.memory_space<vmem>>
      %dma_start3A_64 = arith.constant 0 : i32
      %dma_start3A_65 = arith.constant 0 : i32
      %dma_start3A_66 = tpu.memref_slice %arg15[%dma_start3A_64, %dma_start3A_65] : memref<10240x64xf32, #tpu.memory_space<vmem_shared>> -> memref<10240x64xf32, #tpu.memory_space<vmem_shared>>
      tpu.enqueue_indirect_dma source(%arg8 : memref<16x64xf32, #tpu.memory_space<vmem>>) target(%dma_start3A_66 : memref<10240x64xf32, #tpu.memory_space<vmem_shared>>) offsets(%dma_start3A_63 : memref<16xi32, #tpu.memory_space<vmem>>) semaphore(%run_scoped3A : memref<!tpu.dma_semaphore, #tpu.memory_space<semaphore_mem>>) {add = true}
      %dma_wait3A_67 = arith.constant 9984 : i32
      %dma_wait3A_68 = tpu.memref_slice %arg7[%dma_wait3A_67] : memref<10000xi32, #tpu.memory_space<vmem>> -> memref<16xi32, #tpu.memory_space<vmem>>
      %dma_wait3A_69 = arith.constant 0 : i32
      %dma_wait3A_70 = arith.constant 0 : i32
      %dma_wait3A_71 = tpu.memref_slice %arg15[%dma_wait3A_69, %dma_wait3A_70] : memref<10240x64xf32, #tpu.memory_space<vmem_shared>> -> memref<10240x64xf32, #tpu.memory_space<vmem_shared>>
      tpu.wait_indirect_dma semaphore(%run_scoped3A : memref<!tpu.dma_semaphore, #tpu.memory_space<semaphore_mem>>) src(%arg8 : memref<16x64xf32, #tpu.memory_space<vmem>>) dst(%dma_wait3A_71 : memref<10240x64xf32, #tpu.memory_space<vmem_shared>>)
      tpu.yield
    }) : () -> ()
    %dma_wait3A = arith.constant 9728 : i32
    %dma_wait3A_48 = tpu.memref_slice %arg7[%dma_wait3A] : memref<10000xi32, #tpu.memory_space<vmem>> -> memref<128xi32, #tpu.memory_space<vmem>>
    %dma_wait3A_49 = arith.constant 0 : i32
    %dma_wait3A_50 = arith.constant 0 : i32
    %dma_wait3A_51 = tpu.memref_slice %arg15[%dma_wait3A_49, %dma_wait3A_50] : memref<10240x64xf32, #tpu.memory_space<vmem_shared>> -> memref<10240x64xf32, #tpu.memory_space<vmem_shared>>
    tpu.wait_indirect_dma semaphore(%arg26 : memref<!tpu.dma_semaphore, #tpu.memory_space<semaphore_mem>>) src(%arg13 : memref<128x64xf32, #tpu.memory_space<vmem>>) dst(%dma_wait3A_51 : memref<10240x64xf32, #tpu.memory_space<vmem_shared>>)
    %dma_wait3A_52 = arith.constant 9856 : i32
    %dma_wait3A_53 = tpu.memref_slice %arg7[%dma_wait3A_52] : memref<10000xi32, #tpu.memory_space<vmem>> -> memref<128xi32, #tpu.memory_space<vmem>>
    %dma_wait3A_54 = arith.constant 0 : i32
    %dma_wait3A_55 = arith.constant 0 : i32
    %dma_wait3A_56 = tpu.memref_slice %arg15[%dma_wait3A_54, %dma_wait3A_55] : memref<10240x64xf32, #tpu.memory_space<vmem_shared>> -> memref<10240x64xf32, #tpu.memory_space<vmem_shared>>
    tpu.wait_indirect_dma semaphore(%arg27 : memref<!tpu.dma_semaphore, #tpu.memory_space<semaphore_mem>>) src(%arg14 : memref<128x64xf32, #tpu.memory_space<vmem>>) dst(%dma_wait3A_56 : memref<10240x64xf32, #tpu.memory_space<vmem_shared>>)
    %barrier3A_57 = arith.constant 0 : index
    tpu.barrier barrier_id(%barrier3A_57)
    %mul3A_58 = arith.constant 640 : i32
    %mul3A_59 = arith.muli %arg1, %mul3A_58 : i32
    %mul3A_60 = arith.constant 640 : i32
    %mul3A_61 = arith.muli %arg1, %mul3A_60 : i32
    "tpu.region"() ({
      %run_scoped3A = tpu.sem_alloc : memref<!tpu.dma_semaphore, #tpu.memory_space<semaphore_mem>>
      %dma_start3A_62 = arith.constant 0 : i32
      %dma_start3A_63 = tpu.memref_slice %arg5[%arg0, %mul3A_61, %dma_start3A_62] : memref<2x10240x64xf32, #tpu.memory_space<hbm>> -> memref<1x640x64xf32, #tpu.memory_space<hbm>>
      %dma_start3A_64 = tpu.memref_squeeze %dma_start3A_63 : memref<1x640x64xf32, #tpu.memory_space<hbm>> -> memref<640x64xf32, #tpu.memory_space<hbm>>
      %dma_start3A_65 = arith.constant 0 : i32
      %dma_start3A_66 = tpu.memref_slice %arg15[%mul3A_59, %dma_start3A_65] : memref<10240x64xf32, #tpu.memory_space<vmem_shared>> -> memref<640x64xf32, #tpu.memory_space<vmem_shared>>
      tpu.enqueue_dma source(%dma_start3A_66 : memref<640x64xf32, #tpu.memory_space<vmem_shared>>) target(%dma_start3A_64 : memref<640x64xf32, #tpu.memory_space<hbm>>) target_semaphore(%run_scoped3A : memref<!tpu.dma_semaphore, #tpu.memory_space<semaphore_mem>>)
      %dma_wait3A_67 = arith.constant 0 : i32
      %dma_wait3A_68 = tpu.memref_slice %arg5[%arg0, %mul3A_61, %dma_wait3A_67] : memref<2x10240x64xf32, #tpu.memory_space<hbm>> -> memref<1x640x64xf32, #tpu.memory_space<hbm>>
      %dma_wait3A_69 = tpu.memref_squeeze %dma_wait3A_68 : memref<1x640x64xf32, #tpu.memory_space<hbm>> -> memref<640x64xf32, #tpu.memory_space<hbm>>
      %dma_wait3A_70 = arith.constant 0 : i32
      %dma_wait3A_71 = tpu.memref_slice %arg15[%mul3A_59, %dma_wait3A_70] : memref<10240x64xf32, #tpu.memory_space<vmem_shared>> -> memref<640x64xf32, #tpu.memory_space<vmem_shared>>
      tpu.wait_dma2 semaphore(%run_scoped3A : memref<!tpu.dma_semaphore, #tpu.memory_space<semaphore_mem>>) src(%dma_wait3A_71 : memref<640x64xf32, #tpu.memory_space<vmem_shared>>) dst(%dma_wait3A_69 : memref<640x64xf32, #tpu.memory_space<hbm>>)
      tpu.yield
    }) : () -> ()
    return
  }
}

#map = affine_map<(d0, d1) -> (0, 0)>
#map1 = affine_map<(d0, d1) -> (0)>
#map2 = affine_map<(d0, d1) -> (0, 0, 0)>
module attributes {stable_mosaic.version = 14 : i64} {
  func.func @_agg_body(%arg0: i32, %arg1: i32, %arg2: memref<10240x32xf32, #tpu.memory_space<hbm>>, %arg3: memref<320000xi32, #tpu.memory_space<hbm>>, %arg4: memref<320000xi32, #tpu.memory_space<hbm>>, %arg5: memref<2x10240x32xf32, #tpu.memory_space<hbm>>, %arg6: memref<10000xi32, #tpu.memory_space<vmem>>, %arg7: memref<10000xi32, #tpu.memory_space<vmem>>, %arg8: memref<16x32xf32, #tpu.memory_space<vmem>>, %arg9: memref<128x32xf32, #tpu.memory_space<vmem>>, %arg10: memref<128x32xf32, #tpu.memory_space<vmem>>, %arg11: memref<128x32xf32, #tpu.memory_space<vmem>>, %arg12: memref<128x32xf32, #tpu.memory_space<vmem>>, %arg13: memref<128x32xf32, #tpu.memory_space<vmem>>, %arg14: memref<128x32xf32, #tpu.memory_space<vmem>>, %arg15: memref<10240x32xf32, #tpu.memory_space<vmem_shared>>, %arg16: memref<!tpu.dma_semaphore, #tpu.memory_space<semaphore_mem>>, %arg17: memref<!tpu.dma_semaphore, #tpu.memory_space<semaphore_mem>>, %arg18: memref<!tpu.dma_semaphore, #tpu.memory_space<semaphore_mem>>, %arg19: memref<!tpu.dma_semaphore, #tpu.memory_space<semaphore_mem>>, %arg20: memref<!tpu.dma_semaphore, #tpu.memory_space<semaphore_mem>>, %arg21: memref<!tpu.dma_semaphore, #tpu.memory_space<semaphore_mem>>, %arg22: memref<!tpu.dma_semaphore, #tpu.memory_space<semaphore_mem>>, %arg23: memref<!tpu.dma_semaphore, #tpu.memory_space<semaphore_mem>>, %arg24: memref<!tpu.dma_semaphore, #tpu.memory_space<semaphore_mem>>, %arg25: memref<!tpu.dma_semaphore, #tpu.memory_space<semaphore_mem>>, %arg26: memref<!tpu.dma_semaphore, #tpu.memory_space<semaphore_mem>>, %arg27: memref<!tpu.dma_semaphore, #tpu.memory_space<semaphore_mem>>) attributes {dimension_semantics = [#tpu.dimension_semantics<core_parallel>, #tpu.dimension_semantics<subcore_parallel>], iteration_bounds = array<i64: 2, 16>, scalar_prefetch = 0 : i64, scratch_operands = 22 : i64, tpu.core_type = #tpu.core_type<sc_vector_subcore>, window_params = [{transform_indices = #map}, {transform_indices = #map1}, {transform_indices = #map1}, {transform_indices = #map2}]} {
    %mul3A = arith.constant 16 : i32
    %mul3A_0 = arith.muli %arg0, %mul3A : i32
    %add3A = arith.addi %mul3A_0, %arg1 : i32
    %mul3A_1 = arith.constant 640 : i32
    %mul3A_2 = arith.muli %arg1, %mul3A_1 : i32
    %broadcast_in_dim3A = arith.constant 0.000000e+00 : f32
    %broadcast_in_dim3A_3 = vector.broadcast %broadcast_in_dim3A : f32 to vector<16xf32>
    %scan3A = arith.constant 0 : i32
    %scan3A_4 = arith.constant 0 : i32
    %scan3A_5 = arith.constant 128 : i32
    %scan3A_6 = arith.addi %scan3A_4, %scan3A_5 : i32
    %scan3A_7 = arith.constant 1 : i32
    %scan3A_8 = scf.for %scan3A_62 = %scan3A_4 to %scan3A_6 step %scan3A_7 iter_args(%scan3A_63 = %scan3A) -> (i32)  : i32 {
      %swap3A = arith.index_cast %scan3A_62 : i32 to index
      %swap3A_64 = arith.constant 0 : index
      %swap3A_65 = tpu.vector_load %arg9[%swap3A, %swap3A_64] {strides = array<i32>} : memref<128x32xf32, #tpu.memory_space<vmem>>, vector<1x16xf32>,
      %swap3A_66 = vector.shape_cast %swap3A_65 : vector<1x16xf32> to vector<16xf32>
      %swap3A_67 = vector.shape_cast %broadcast_in_dim3A_3 : vector<16xf32> to vector<1x16xf32>
      tpu.vector_store %arg9[%swap3A, %swap3A_64], %swap3A_67 {strides = array<i32>} : memref<128x32xf32, #tpu.memory_space<vmem>>, vector<1x16xf32>,
      %swap3A_68 = arith.index_cast %scan3A_62 : i32 to index
      %swap3A_69 = arith.constant 16 : index
      %swap3A_70 = tpu.vector_load %arg9[%swap3A_68, %swap3A_69] {strides = array<i32>} : memref<128x32xf32, #tpu.memory_space<vmem>>, vector<1x16xf32>,
      %swap3A_71 = vector.shape_cast %swap3A_70 : vector<1x16xf32> to vector<16xf32>
      %swap3A_72 = vector.shape_cast %broadcast_in_dim3A_3 : vector<16xf32> to vector<1x16xf32>
      tpu.vector_store %arg9[%swap3A_68, %swap3A_69], %swap3A_72 {strides = array<i32>} : memref<128x32xf32, #tpu.memory_space<vmem>>, vector<1x16xf32>,
      %scan3A_73 = arith.constant 0 : i32
      scf.yield %scan3A_73 : i32
    }
    %scan3A_9 = arith.constant 128 : i32
    %add3A_10 = arith.constant 0 : i32
    %add3A_11 = arith.addi %mul3A_2, %add3A_10 : i32
    "tpu.region"() ({
      %run_scoped3A = tpu.sem_alloc : memref<!tpu.dma_semaphore, #tpu.memory_space<semaphore_mem>>
      %dma_start3A_62 = arith.constant 0 : i32
      %dma_start3A_63 = tpu.memref_slice %arg15[%add3A_11, %dma_start3A_62] : memref<10240x32xf32, #tpu.memory_space<vmem_shared>> -> memref<128x32xf32, #tpu.memory_space<vmem_shared>>
      %dma_start3A_64 = arith.constant 0 : i32
      %dma_start3A_65 = tpu.memref_slice %arg15[%add3A_11, %dma_start3A_64] : memref<10240x32xf32, #tpu.memory_space<vmem_shared>> -> memref<128x32xf32, #tpu.memory_space<vmem_shared>>
      tpu.enqueue_dma source(%arg9 : memref<128x32xf32, #tpu.memory_space<vmem>>) target(%dma_start3A_65 : memref<128x32xf32, #tpu.memory_space<vmem_shared>>) target_semaphore(%run_scoped3A : memref<!tpu.dma_semaphore, #tpu.memory_space<semaphore_mem>>)
      %dma_wait3A_66 = arith.constant 0 : i32
      %dma_wait3A_67 = tpu.memref_slice %arg15[%add3A_11, %dma_wait3A_66] : memref<10240x32xf32, #tpu.memory_space<vmem_shared>> -> memref<128x32xf32, #tpu.memory_space<vmem_shared>>
      %dma_wait3A_68 = arith.constant 0 : i32
      %dma_wait3A_69 = tpu.memref_slice %arg15[%add3A_11, %dma_wait3A_68] : memref<10240x32xf32, #tpu.memory_space<vmem_shared>> -> memref<128x32xf32, #tpu.memory_space<vmem_shared>>
      tpu.wait_dma2 semaphore(%run_scoped3A : memref<!tpu.dma_semaphore, #tpu.memory_space<semaphore_mem>>) src(%arg9 : memref<128x32xf32, #tpu.memory_space<vmem>>) dst(%dma_wait3A_69 : memref<128x32xf32, #tpu.memory_space<vmem_shared>>)
      tpu.yield
    }) : () -> ()
    %add3A_12 = arith.constant 128 : i32
    %add3A_13 = arith.addi %mul3A_2, %add3A_12 : i32
    "tpu.region"() ({
      %run_scoped3A = tpu.sem_alloc : memref<!tpu.dma_semaphore, #tpu.memory_space<semaphore_mem>>
      %dma_start3A_62 = arith.constant 0 : i32
      %dma_start3A_63 = tpu.memref_slice %arg15[%add3A_13, %dma_start3A_62] : memref<10240x32xf32, #tpu.memory_space<vmem_shared>> -> memref<128x32xf32, #tpu.memory_space<vmem_shared>>
      %dma_start3A_64 = arith.constant 0 : i32
      %dma_start3A_65 = tpu.memref_slice %arg15[%add3A_13, %dma_start3A_64] : memref<10240x32xf32, #tpu.memory_space<vmem_shared>> -> memref<128x32xf32, #tpu.memory_space<vmem_shared>>
      tpu.enqueue_dma source(%arg9 : memref<128x32xf32, #tpu.memory_space<vmem>>) target(%dma_start3A_65 : memref<128x32xf32, #tpu.memory_space<vmem_shared>>) target_semaphore(%run_scoped3A : memref<!tpu.dma_semaphore, #tpu.memory_space<semaphore_mem>>)
      %dma_wait3A_66 = arith.constant 0 : i32
      %dma_wait3A_67 = tpu.memref_slice %arg15[%add3A_13, %dma_wait3A_66] : memref<10240x32xf32, #tpu.memory_space<vmem_shared>> -> memref<128x32xf32, #tpu.memory_space<vmem_shared>>
      %dma_wait3A_68 = arith.constant 0 : i32
      %dma_wait3A_69 = tpu.memref_slice %arg15[%add3A_13, %dma_wait3A_68] : memref<10240x32xf32, #tpu.memory_space<vmem_shared>> -> memref<128x32xf32, #tpu.memory_space<vmem_shared>>
      tpu.wait_dma2 semaphore(%run_scoped3A : memref<!tpu.dma_semaphore, #tpu.memory_space<semaphore_mem>>) src(%arg9 : memref<128x32xf32, #tpu.memory_space<vmem>>) dst(%dma_wait3A_69 : memref<128x32xf32, #tpu.memory_space<vmem_shared>>)
      tpu.yield
    }) : () -> ()
    %add3A_14 = arith.constant 256 : i32
    %add3A_15 = arith.addi %mul3A_2, %add3A_14 : i32
    "tpu.region"() ({
      %run_scoped3A = tpu.sem_alloc : memref<!tpu.dma_semaphore, #tpu.memory_space<semaphore_mem>>
      %dma_start3A_62 = arith.constant 0 : i32
      %dma_start3A_63 = tpu.memref_slice %arg15[%add3A_15, %dma_start3A_62] : memref<10240x32xf32, #tpu.memory_space<vmem_shared>> -> memref<128x32xf32, #tpu.memory_space<vmem_shared>>
      %dma_start3A_64 = arith.constant 0 : i32
      %dma_start3A_65 = tpu.memref_slice %arg15[%add3A_15, %dma_start3A_64] : memref<10240x32xf32, #tpu.memory_space<vmem_shared>> -> memref<128x32xf32, #tpu.memory_space<vmem_shared>>
      tpu.enqueue_dma source(%arg9 : memref<128x32xf32, #tpu.memory_space<vmem>>) target(%dma_start3A_65 : memref<128x32xf32, #tpu.memory_space<vmem_shared>>) target_semaphore(%run_scoped3A : memref<!tpu.dma_semaphore, #tpu.memory_space<semaphore_mem>>)
      %dma_wait3A_66 = arith.constant 0 : i32
      %dma_wait3A_67 = tpu.memref_slice %arg15[%add3A_15, %dma_wait3A_66] : memref<10240x32xf32, #tpu.memory_space<vmem_shared>> -> memref<128x32xf32, #tpu.memory_space<vmem_shared>>
      %dma_wait3A_68 = arith.constant 0 : i32
      %dma_wait3A_69 = tpu.memref_slice %arg15[%add3A_15, %dma_wait3A_68] : memref<10240x32xf32, #tpu.memory_space<vmem_shared>> -> memref<128x32xf32, #tpu.memory_space<vmem_shared>>
      tpu.wait_dma2 semaphore(%run_scoped3A : memref<!tpu.dma_semaphore, #tpu.memory_space<semaphore_mem>>) src(%arg9 : memref<128x32xf32, #tpu.memory_space<vmem>>) dst(%dma_wait3A_69 : memref<128x32xf32, #tpu.memory_space<vmem_shared>>)
      tpu.yield
    }) : () -> ()
    %add3A_16 = arith.constant 384 : i32
    %add3A_17 = arith.addi %mul3A_2, %add3A_16 : i32
    "tpu.region"() ({
      %run_scoped3A = tpu.sem_alloc : memref<!tpu.dma_semaphore, #tpu.memory_space<semaphore_mem>>
      %dma_start3A_62 = arith.constant 0 : i32
      %dma_start3A_63 = tpu.memref_slice %arg15[%add3A_17, %dma_start3A_62] : memref<10240x32xf32, #tpu.memory_space<vmem_shared>> -> memref<128x32xf32, #tpu.memory_space<vmem_shared>>
      %dma_start3A_64 = arith.constant 0 : i32
      %dma_start3A_65 = tpu.memref_slice %arg15[%add3A_17, %dma_start3A_64] : memref<10240x32xf32, #tpu.memory_space<vmem_shared>> -> memref<128x32xf32, #tpu.memory_space<vmem_shared>>
      tpu.enqueue_dma source(%arg9 : memref<128x32xf32, #tpu.memory_space<vmem>>) target(%dma_start3A_65 : memref<128x32xf32, #tpu.memory_space<vmem_shared>>) target_semaphore(%run_scoped3A : memref<!tpu.dma_semaphore, #tpu.memory_space<semaphore_mem>>)
      %dma_wait3A_66 = arith.constant 0 : i32
      %dma_wait3A_67 = tpu.memref_slice %arg15[%add3A_17, %dma_wait3A_66] : memref<10240x32xf32, #tpu.memory_space<vmem_shared>> -> memref<128x32xf32, #tpu.memory_space<vmem_shared>>
      %dma_wait3A_68 = arith.constant 0 : i32
      %dma_wait3A_69 = tpu.memref_slice %arg15[%add3A_17, %dma_wait3A_68] : memref<10240x32xf32, #tpu.memory_space<vmem_shared>> -> memref<128x32xf32, #tpu.memory_space<vmem_shared>>
      tpu.wait_dma2 semaphore(%run_scoped3A : memref<!tpu.dma_semaphore, #tpu.memory_space<semaphore_mem>>) src(%arg9 : memref<128x32xf32, #tpu.memory_space<vmem>>) dst(%dma_wait3A_69 : memref<128x32xf32, #tpu.memory_space<vmem_shared>>)
      tpu.yield
    }) : () -> ()
    %add3A_18 = arith.constant 512 : i32
    %add3A_19 = arith.addi %mul3A_2, %add3A_18 : i32
    "tpu.region"() ({
      %run_scoped3A = tpu.sem_alloc : memref<!tpu.dma_semaphore, #tpu.memory_space<semaphore_mem>>
      %dma_start3A_62 = arith.constant 0 : i32
      %dma_start3A_63 = tpu.memref_slice %arg15[%add3A_19, %dma_start3A_62] : memref<10240x32xf32, #tpu.memory_space<vmem_shared>> -> memref<128x32xf32, #tpu.memory_space<vmem_shared>>
      %dma_start3A_64 = arith.constant 0 : i32
      %dma_start3A_65 = tpu.memref_slice %arg15[%add3A_19, %dma_start3A_64] : memref<10240x32xf32, #tpu.memory_space<vmem_shared>> -> memref<128x32xf32, #tpu.memory_space<vmem_shared>>
      tpu.enqueue_dma source(%arg9 : memref<128x32xf32, #tpu.memory_space<vmem>>) target(%dma_start3A_65 : memref<128x32xf32, #tpu.memory_space<vmem_shared>>) target_semaphore(%run_scoped3A : memref<!tpu.dma_semaphore, #tpu.memory_space<semaphore_mem>>)
      %dma_wait3A_66 = arith.constant 0 : i32
      %dma_wait3A_67 = tpu.memref_slice %arg15[%add3A_19, %dma_wait3A_66] : memref<10240x32xf32, #tpu.memory_space<vmem_shared>> -> memref<128x32xf32, #tpu.memory_space<vmem_shared>>
      %dma_wait3A_68 = arith.constant 0 : i32
      %dma_wait3A_69 = tpu.memref_slice %arg15[%add3A_19, %dma_wait3A_68] : memref<10240x32xf32, #tpu.memory_space<vmem_shared>> -> memref<128x32xf32, #tpu.memory_space<vmem_shared>>
      tpu.wait_dma2 semaphore(%run_scoped3A : memref<!tpu.dma_semaphore, #tpu.memory_space<semaphore_mem>>) src(%arg9 : memref<128x32xf32, #tpu.memory_space<vmem>>) dst(%dma_wait3A_69 : memref<128x32xf32, #tpu.memory_space<vmem_shared>>)
      tpu.yield
    }) : () -> ()
    %mul3A_20 = arith.constant 10000 : i32
    %mul3A_21 = arith.muli %add3A, %mul3A_20 : i32
    "tpu.region"() ({
      %run_scoped3A = tpu.sem_alloc : memref<!tpu.dma_semaphore, #tpu.memory_space<semaphore_mem>>
      %dma_start3A_62 = tpu.memref_slice %arg3[%mul3A_21] : memref<320000xi32, #tpu.memory_space<hbm>> -> memref<10000xi32, #tpu.memory_space<hbm>>
      %dma_start3A_63 = tpu.memref_slice %arg3[%mul3A_21] : memref<320000xi32, #tpu.memory_space<hbm>> -> memref<10000xi32, #tpu.memory_space<hbm>>
      tpu.enqueue_dma source(%dma_start3A_63 : memref<10000xi32, #tpu.memory_space<hbm>>) target(%arg6 : memref<10000xi32, #tpu.memory_space<vmem>>) target_semaphore(%run_scoped3A : memref<!tpu.dma_semaphore, #tpu.memory_space<semaphore_mem>>)
      %dma_wait3A_64 = tpu.memref_slice %arg3[%mul3A_21] : memref<320000xi32, #tpu.memory_space<hbm>> -> memref<10000xi32, #tpu.memory_space<hbm>>
      %dma_wait3A_65 = tpu.memref_slice %arg3[%mul3A_21] : memref<320000xi32, #tpu.memory_space<hbm>> -> memref<10000xi32, #tpu.memory_space<hbm>>
      tpu.wait_dma2 semaphore(%run_scoped3A : memref<!tpu.dma_semaphore, #tpu.memory_space<semaphore_mem>>) src(%dma_wait3A_65 : memref<10000xi32, #tpu.memory_space<hbm>>) dst(%arg6 : memref<10000xi32, #tpu.memory_space<vmem>>)
      tpu.yield
    }) : () -> ()
    %mul3A_22 = arith.constant 10000 : i32
    %mul3A_23 = arith.muli %add3A, %mul3A_22 : i32
    "tpu.region"() ({
      %run_scoped3A = tpu.sem_alloc : memref<!tpu.dma_semaphore, #tpu.memory_space<semaphore_mem>>
      %dma_start3A_62 = tpu.memref_slice %arg4[%mul3A_23] : memref<320000xi32, #tpu.memory_space<hbm>> -> memref<10000xi32, #tpu.memory_space<hbm>>
      %dma_start3A_63 = tpu.memref_slice %arg4[%mul3A_23] : memref<320000xi32, #tpu.memory_space<hbm>> -> memref<10000xi32, #tpu.memory_space<hbm>>
      tpu.enqueue_dma source(%dma_start3A_63 : memref<10000xi32, #tpu.memory_space<hbm>>) target(%arg7 : memref<10000xi32, #tpu.memory_space<vmem>>) target_semaphore(%run_scoped3A : memref<!tpu.dma_semaphore, #tpu.memory_space<semaphore_mem>>)
      %dma_wait3A_64 = tpu.memref_slice %arg4[%mul3A_23] : memref<320000xi32, #tpu.memory_space<hbm>> -> memref<10000xi32, #tpu.memory_space<hbm>>
      %dma_wait3A_65 = tpu.memref_slice %arg4[%mul3A_23] : memref<320000xi32, #tpu.memory_space<hbm>> -> memref<10000xi32, #tpu.memory_space<hbm>>
      tpu.wait_dma2 semaphore(%run_scoped3A : memref<!tpu.dma_semaphore, #tpu.memory_space<semaphore_mem>>) src(%dma_wait3A_65 : memref<10000xi32, #tpu.memory_space<hbm>>) dst(%arg7 : memref<10000xi32, #tpu.memory_space<vmem>>)
      tpu.yield
    }) : () -> ()
    %dma_start3A = arith.constant 0 : i32
    %dma_start3A_24 = tpu.memref_slice %arg6[%dma_start3A] : memref<10000xi32, #tpu.memory_space<vmem>> -> memref<128xi32, #tpu.memory_space<vmem>>
    %dma_start3A_25 = arith.constant 0 : i32
    %dma_start3A_26 = arith.constant 0 : i32
    %dma_start3A_27 = tpu.memref_slice %arg2[%dma_start3A_25, %dma_start3A_26] : memref<10240x32xf32, #tpu.memory_space<hbm>> -> memref<10240x32xf32, #tpu.memory_space<hbm>>
    tpu.enqueue_indirect_dma source(%dma_start3A_27 : memref<10240x32xf32, #tpu.memory_space<hbm>>) target(%arg9 : memref<128x32xf32, #tpu.memory_space<vmem>>) offsets(%dma_start3A_24 : memref<128xi32, #tpu.memory_space<vmem>>) semaphore(%arg16 : memref<!tpu.dma_semaphore, #tpu.memory_space<semaphore_mem>>)
    %dma_start3A_28 = arith.constant 128 : i32
    %dma_start3A_29 = tpu.memref_slice %arg6[%dma_start3A_28] : memref<10000xi32, #tpu.memory_space<vmem>> -> memref<128xi32, #tpu.memory_space<vmem>>
    %dma_start3A_30 = arith.constant 0 : i32
    %dma_start3A_31 = arith.constant 0 : i32
    %dma_start3A_32 = tpu.memref_slice %arg2[%dma_start3A_30, %dma_start3A_31] : memref<10240x32xf32, #tpu.memory_space<hbm>> -> memref<10240x32xf32, #tpu.memory_space<hbm>>
    tpu.enqueue_indirect_dma source(%dma_start3A_32 : memref<10240x32xf32, #tpu.memory_space<hbm>>) target(%arg10 : memref<128x32xf32, #tpu.memory_space<vmem>>) offsets(%dma_start3A_29 : memref<128xi32, #tpu.memory_space<vmem>>) semaphore(%arg17 : memref<!tpu.dma_semaphore, #tpu.memory_space<semaphore_mem>>)
    %dma_start3A_33 = arith.constant 256 : i32
    %dma_start3A_34 = tpu.memref_slice %arg6[%dma_start3A_33] : memref<10000xi32, #tpu.memory_space<vmem>> -> memref<128xi32, #tpu.memory_space<vmem>>
    %dma_start3A_35 = arith.constant 0 : i32
    %dma_start3A_36 = arith.constant 0 : i32
    %dma_start3A_37 = tpu.memref_slice %arg2[%dma_start3A_35, %dma_start3A_36] : memref<10240x32xf32, #tpu.memory_space<hbm>> -> memref<10240x32xf32, #tpu.memory_space<hbm>>
    tpu.enqueue_indirect_dma source(%dma_start3A_37 : memref<10240x32xf32, #tpu.memory_space<hbm>>) target(%arg11 : memref<128x32xf32, #tpu.memory_space<vmem>>) offsets(%dma_start3A_34 : memref<128xi32, #tpu.memory_space<vmem>>) semaphore(%arg18 : memref<!tpu.dma_semaphore, #tpu.memory_space<semaphore_mem>>)
    %dma_start3A_38 = arith.constant 384 : i32
    %dma_start3A_39 = tpu.memref_slice %arg6[%dma_start3A_38] : memref<10000xi32, #tpu.memory_space<vmem>> -> memref<128xi32, #tpu.memory_space<vmem>>
    %dma_start3A_40 = arith.constant 0 : i32
    %dma_start3A_41 = arith.constant 0 : i32
    %dma_start3A_42 = tpu.memref_slice %arg2[%dma_start3A_40, %dma_start3A_41] : memref<10240x32xf32, #tpu.memory_space<hbm>> -> memref<10240x32xf32, #tpu.memory_space<hbm>>
    tpu.enqueue_indirect_dma source(%dma_start3A_42 : memref<10240x32xf32, #tpu.memory_space<hbm>>) target(%arg12 : memref<128x32xf32, #tpu.memory_space<vmem>>) offsets(%dma_start3A_39 : memref<128xi32, #tpu.memory_space<vmem>>) semaphore(%arg19 : memref<!tpu.dma_semaphore, #tpu.memory_space<semaphore_mem>>)
    %barrier3A = arith.constant 0 : index
    tpu.barrier barrier_id(%barrier3A)
    %scan3A_43 = arith.constant 0 : i32
    %scan3A_44 = arith.constant 13 : i32
    %scan3A_45 = arith.addi %scan3A_43, %scan3A_44 : i32
    %scan3A_46 = arith.constant 1 : i32
    scf.for %scan3A_62 = %scan3A_43 to %scan3A_45 step %scan3A_46  : i32 {
      %mul3A_63 = arith.constant 6 : i32
      %mul3A_64 = arith.muli %scan3A_62, %mul3A_63 : i32
      %add3A_65 = arith.constant 0 : i32
      %add3A_66 = arith.addi %add3A_65, %mul3A_64 : i32
      %add3A_67 = arith.constant 0 : i32
      %add3A_68 = arith.addi %add3A_66, %add3A_67 : i32
      %ge3A = arith.constant 2 : i32
      %ge3A_69 = arith.cmpi sge, %add3A_68, %ge3A : i32
      %convert_element_type3A = arith.extui %ge3A_69 : i1 to i32
      %cond3A = arith.constant 0 : i32
      %cond3A_70 = arith.cmpi ne, %convert_element_type3A, %cond3A : i32
      scf.if %cond3A_70 {
        %sub3A = arith.constant 2 : i32
        %sub3A_219 = arith.subi %add3A_68, %sub3A : i32
        %mul3A_220 = arith.constant 128 : i32
        %mul3A_221 = arith.muli %sub3A_219, %mul3A_220 : i32
        %dma_wait3A_222 = tpu.memref_slice %arg7[%mul3A_221] : memref<10000xi32, #tpu.memory_space<vmem>> -> memref<128xi32, #tpu.memory_space<vmem>>
        %dma_wait3A_223 = arith.constant 0 : i32
        %dma_wait3A_224 = arith.constant 0 : i32
        %dma_wait3A_225 = tpu.memref_slice %arg15[%dma_wait3A_223, %dma_wait3A_224] : memref<10240x32xf32, #tpu.memory_space<vmem_shared>> -> memref<10240x32xf32, #tpu.memory_space<vmem_shared>>
        tpu.wait_indirect_dma semaphore(%arg26 : memref<!tpu.dma_semaphore, #tpu.memory_space<semaphore_mem>>) src(%arg13 : memref<128x32xf32, #tpu.memory_space<vmem>>) dst(%dma_wait3A_225 : memref<10240x32xf32, #tpu.memory_space<vmem_shared>>)
      } else {
      }
      %add3A_71 = arith.constant 4 : i32
      %add3A_72 = arith.addi %add3A_68, %add3A_71 : i32
      %lt3A = arith.constant 78 : i32
      %lt3A_73 = arith.cmpi slt, %add3A_72, %lt3A : i32
      %convert_element_type3A_74 = arith.extui %lt3A_73 : i1 to i32
      %cond3A_75 = arith.constant 0 : i32
      %cond3A_76 = arith.cmpi ne, %convert_element_type3A_74, %cond3A_75 : i32
      scf.if %cond3A_76 {
        %add3A_219 = arith.constant 4 : i32
        %add3A_220 = arith.addi %add3A_68, %add3A_219 : i32
        %mul3A_221 = arith.constant 128 : i32
        %mul3A_222 = arith.muli %add3A_220, %mul3A_221 : i32
        %dma_start3A_223 = tpu.memref_slice %arg6[%mul3A_222] : memref<10000xi32, #tpu.memory_space<vmem>> -> memref<128xi32, #tpu.memory_space<vmem>>
        %dma_start3A_224 = arith.constant 0 : i32
        %dma_start3A_225 = arith.constant 0 : i32
        %dma_start3A_226 = tpu.memref_slice %arg2[%dma_start3A_224, %dma_start3A_225] : memref<10240x32xf32, #tpu.memory_space<hbm>> -> memref<10240x32xf32, #tpu.memory_space<hbm>>
        tpu.enqueue_indirect_dma source(%dma_start3A_226 : memref<10240x32xf32, #tpu.memory_space<hbm>>) target(%arg13 : memref<128x32xf32, #tpu.memory_space<vmem>>) offsets(%dma_start3A_223 : memref<128xi32, #tpu.memory_space<vmem>>) semaphore(%arg20 : memref<!tpu.dma_semaphore, #tpu.memory_space<semaphore_mem>>)
      } else {
      }
      %mul3A_77 = arith.constant 128 : i32
      %mul3A_78 = arith.muli %add3A_68, %mul3A_77 : i32
      %dma_wait3A_79 = tpu.memref_slice %arg6[%mul3A_78] : memref<10000xi32, #tpu.memory_space<vmem>> -> memref<128xi32, #tpu.memory_space<vmem>>
      %dma_wait3A_80 = arith.constant 0 : i32
      %dma_wait3A_81 = arith.constant 0 : i32
      %dma_wait3A_82 = tpu.memref_slice %arg2[%dma_wait3A_80, %dma_wait3A_81] : memref<10240x32xf32, #tpu.memory_space<hbm>> -> memref<10240x32xf32, #tpu.memory_space<hbm>>
      tpu.wait_indirect_dma semaphore(%arg16 : memref<!tpu.dma_semaphore, #tpu.memory_space<semaphore_mem>>) src(%dma_wait3A_82 : memref<10240x32xf32, #tpu.memory_space<hbm>>) dst(%arg9 : memref<128x32xf32, #tpu.memory_space<vmem>>)
      %mul3A_83 = arith.constant 128 : i32
      %mul3A_84 = arith.muli %add3A_68, %mul3A_83 : i32
      %dma_start3A_85 = tpu.memref_slice %arg7[%mul3A_84] : memref<10000xi32, #tpu.memory_space<vmem>> -> memref<128xi32, #tpu.memory_space<vmem>>
      %dma_start3A_86 = arith.constant 0 : i32
      %dma_start3A_87 = arith.constant 0 : i32
      %dma_start3A_88 = tpu.memref_slice %arg15[%dma_start3A_86, %dma_start3A_87] : memref<10240x32xf32, #tpu.memory_space<vmem_shared>> -> memref<10240x32xf32, #tpu.memory_space<vmem_shared>>
      tpu.enqueue_indirect_dma source(%arg9 : memref<128x32xf32, #tpu.memory_space<vmem>>) target(%dma_start3A_88 : memref<10240x32xf32, #tpu.memory_space<vmem_shared>>) offsets(%dma_start3A_85 : memref<128xi32, #tpu.memory_space<vmem>>) semaphore(%arg22 : memref<!tpu.dma_semaphore, #tpu.memory_space<semaphore_mem>>) {add = true}
      %add3A_89 = arith.constant 1 : i32
      %add3A_90 = arith.addi %add3A_66, %add3A_89 : i32
      %ge3A_91 = arith.constant 2 : i32
      %ge3A_92 = arith.cmpi sge, %add3A_90, %ge3A_91 : i32
      %convert_element_type3A_93 = arith.extui %ge3A_92 : i1 to i32
      %cond3A_94 = arith.constant 0 : i32
      %cond3A_95 = arith.cmpi ne, %convert_element_type3A_93, %cond3A_94 : i32
      scf.if %cond3A_95 {
        %sub3A = arith.constant 2 : i32
        %sub3A_219 = arith.subi %add3A_90, %sub3A : i32
        %mul3A_220 = arith.constant 128 : i32
        %mul3A_221 = arith.muli %sub3A_219, %mul3A_220 : i32
        %dma_wait3A_222 = tpu.memref_slice %arg7[%mul3A_221] : memref<10000xi32, #tpu.memory_space<vmem>> -> memref<128xi32, #tpu.memory_space<vmem>>
        %dma_wait3A_223 = arith.constant 0 : i32
        %dma_wait3A_224 = arith.constant 0 : i32
        %dma_wait3A_225 = tpu.memref_slice %arg15[%dma_wait3A_223, %dma_wait3A_224] : memref<10240x32xf32, #tpu.memory_space<vmem_shared>> -> memref<10240x32xf32, #tpu.memory_space<vmem_shared>>
        tpu.wait_indirect_dma semaphore(%arg27 : memref<!tpu.dma_semaphore, #tpu.memory_space<semaphore_mem>>) src(%arg14 : memref<128x32xf32, #tpu.memory_space<vmem>>) dst(%dma_wait3A_225 : memref<10240x32xf32, #tpu.memory_space<vmem_shared>>)
      } else {
      }
      %add3A_96 = arith.constant 4 : i32
      %add3A_97 = arith.addi %add3A_90, %add3A_96 : i32
      %lt3A_98 = arith.constant 78 : i32
      %lt3A_99 = arith.cmpi slt, %add3A_97, %lt3A_98 : i32
      %convert_element_type3A_100 = arith.extui %lt3A_99 : i1 to i32
      %cond3A_101 = arith.constant 0 : i32
      %cond3A_102 = arith.cmpi ne, %convert_element_type3A_100, %cond3A_101 : i32
      scf.if %cond3A_102 {
        %add3A_219 = arith.constant 4 : i32
        %add3A_220 = arith.addi %add3A_90, %add3A_219 : i32
        %mul3A_221 = arith.constant 128 : i32
        %mul3A_222 = arith.muli %add3A_220, %mul3A_221 : i32
        %dma_start3A_223 = tpu.memref_slice %arg6[%mul3A_222] : memref<10000xi32, #tpu.memory_space<vmem>> -> memref<128xi32, #tpu.memory_space<vmem>>
        %dma_start3A_224 = arith.constant 0 : i32
        %dma_start3A_225 = arith.constant 0 : i32
        %dma_start3A_226 = tpu.memref_slice %arg2[%dma_start3A_224, %dma_start3A_225] : memref<10240x32xf32, #tpu.memory_space<hbm>> -> memref<10240x32xf32, #tpu.memory_space<hbm>>
        tpu.enqueue_indirect_dma source(%dma_start3A_226 : memref<10240x32xf32, #tpu.memory_space<hbm>>) target(%arg14 : memref<128x32xf32, #tpu.memory_space<vmem>>) offsets(%dma_start3A_223 : memref<128xi32, #tpu.memory_space<vmem>>) semaphore(%arg21 : memref<!tpu.dma_semaphore, #tpu.memory_space<semaphore_mem>>)
      } else {
      }
      %mul3A_103 = arith.constant 128 : i32
      %mul3A_104 = arith.muli %add3A_90, %mul3A_103 : i32
      %dma_wait3A_105 = tpu.memref_slice %arg6[%mul3A_104] : memref<10000xi32, #tpu.memory_space<vmem>> -> memref<128xi32, #tpu.memory_space<vmem>>
      %dma_wait3A_106 = arith.constant 0 : i32
      %dma_wait3A_107 = arith.constant 0 : i32
      %dma_wait3A_108 = tpu.memref_slice %arg2[%dma_wait3A_106, %dma_wait3A_107] : memref<10240x32xf32, #tpu.memory_space<hbm>> -> memref<10240x32xf32, #tpu.memory_space<hbm>>
      tpu.wait_indirect_dma semaphore(%arg17 : memref<!tpu.dma_semaphore, #tpu.memory_space<semaphore_mem>>) src(%dma_wait3A_108 : memref<10240x32xf32, #tpu.memory_space<hbm>>) dst(%arg10 : memref<128x32xf32, #tpu.memory_space<vmem>>)
      %mul3A_109 = arith.constant 128 : i32
      %mul3A_110 = arith.muli %add3A_90, %mul3A_109 : i32
      %dma_start3A_111 = tpu.memref_slice %arg7[%mul3A_110] : memref<10000xi32, #tpu.memory_space<vmem>> -> memref<128xi32, #tpu.memory_space<vmem>>
      %dma_start3A_112 = arith.constant 0 : i32
      %dma_start3A_113 = arith.constant 0 : i32
      %dma_start3A_114 = tpu.memref_slice %arg15[%dma_start3A_112, %dma_start3A_113] : memref<10240x32xf32, #tpu.memory_space<vmem_shared>> -> memref<10240x32xf32, #tpu.memory_space<vmem_shared>>
      tpu.enqueue_indirect_dma source(%arg10 : memref<128x32xf32, #tpu.memory_space<vmem>>) target(%dma_start3A_114 : memref<10240x32xf32, #tpu.memory_space<vmem_shared>>) offsets(%dma_start3A_111 : memref<128xi32, #tpu.memory_space<vmem>>) semaphore(%arg23 : memref<!tpu.dma_semaphore, #tpu.memory_space<semaphore_mem>>) {add = true}
      %add3A_115 = arith.constant 2 : i32
      %add3A_116 = arith.addi %add3A_66, %add3A_115 : i32
      %ge3A_117 = arith.constant 2 : i32
      %ge3A_118 = arith.cmpi sge, %add3A_116, %ge3A_117 : i32
      %convert_element_type3A_119 = arith.extui %ge3A_118 : i1 to i32
      %cond3A_120 = arith.constant 0 : i32
      %cond3A_121 = arith.cmpi ne, %convert_element_type3A_119, %cond3A_120 : i32
      scf.if %cond3A_121 {
        %sub3A = arith.constant 2 : i32
        %sub3A_219 = arith.subi %add3A_116, %sub3A : i32
        %mul3A_220 = arith.constant 128 : i32
        %mul3A_221 = arith.muli %sub3A_219, %mul3A_220 : i32
        %dma_wait3A_222 = tpu.memref_slice %arg7[%mul3A_221] : memref<10000xi32, #tpu.memory_space<vmem>> -> memref<128xi32, #tpu.memory_space<vmem>>
        %dma_wait3A_223 = arith.constant 0 : i32
        %dma_wait3A_224 = arith.constant 0 : i32
        %dma_wait3A_225 = tpu.memref_slice %arg15[%dma_wait3A_223, %dma_wait3A_224] : memref<10240x32xf32, #tpu.memory_space<vmem_shared>> -> memref<10240x32xf32, #tpu.memory_space<vmem_shared>>
        tpu.wait_indirect_dma semaphore(%arg22 : memref<!tpu.dma_semaphore, #tpu.memory_space<semaphore_mem>>) src(%arg9 : memref<128x32xf32, #tpu.memory_space<vmem>>) dst(%dma_wait3A_225 : memref<10240x32xf32, #tpu.memory_space<vmem_shared>>)
      } else {
      }
      %add3A_122 = arith.constant 4 : i32
      %add3A_123 = arith.addi %add3A_116, %add3A_122 : i32
      %lt3A_124 = arith.constant 78 : i32
      %lt3A_125 = arith.cmpi slt, %add3A_123, %lt3A_124 : i32
      %convert_element_type3A_126 = arith.extui %lt3A_125 : i1 to i32
      %cond3A_127 = arith.constant 0 : i32
      %cond3A_128 = arith.cmpi ne, %convert_element_type3A_126, %cond3A_127 : i32
      scf.if %cond3A_128 {
        %add3A_219 = arith.constant 4 : i32
        %add3A_220 = arith.addi %add3A_116, %add3A_219 : i32
        %mul3A_221 = arith.constant 128 : i32
        %mul3A_222 = arith.muli %add3A_220, %mul3A_221 : i32
        %dma_start3A_223 = tpu.memref_slice %arg6[%mul3A_222] : memref<10000xi32, #tpu.memory_space<vmem>> -> memref<128xi32, #tpu.memory_space<vmem>>
        %dma_start3A_224 = arith.constant 0 : i32
        %dma_start3A_225 = arith.constant 0 : i32
        %dma_start3A_226 = tpu.memref_slice %arg2[%dma_start3A_224, %dma_start3A_225] : memref<10240x32xf32, #tpu.memory_space<hbm>> -> memref<10240x32xf32, #tpu.memory_space<hbm>>
        tpu.enqueue_indirect_dma source(%dma_start3A_226 : memref<10240x32xf32, #tpu.memory_space<hbm>>) target(%arg9 : memref<128x32xf32, #tpu.memory_space<vmem>>) offsets(%dma_start3A_223 : memref<128xi32, #tpu.memory_space<vmem>>) semaphore(%arg16 : memref<!tpu.dma_semaphore, #tpu.memory_space<semaphore_mem>>)
      } else {
      }
      %mul3A_129 = arith.constant 128 : i32
      %mul3A_130 = arith.muli %add3A_116, %mul3A_129 : i32
      %dma_wait3A_131 = tpu.memref_slice %arg6[%mul3A_130] : memref<10000xi32, #tpu.memory_space<vmem>> -> memref<128xi32, #tpu.memory_space<vmem>>
      %dma_wait3A_132 = arith.constant 0 : i32
      %dma_wait3A_133 = arith.constant 0 : i32
      %dma_wait3A_134 = tpu.memref_slice %arg2[%dma_wait3A_132, %dma_wait3A_133] : memref<10240x32xf32, #tpu.memory_space<hbm>> -> memref<10240x32xf32, #tpu.memory_space<hbm>>
      tpu.wait_indirect_dma semaphore(%arg18 : memref<!tpu.dma_semaphore, #tpu.memory_space<semaphore_mem>>) src(%dma_wait3A_134 : memref<10240x32xf32, #tpu.memory_space<hbm>>) dst(%arg11 : memref<128x32xf32, #tpu.memory_space<vmem>>)
      %mul3A_135 = arith.constant 128 : i32
      %mul3A_136 = arith.muli %add3A_116, %mul3A_135 : i32
      %dma_start3A_137 = tpu.memref_slice %arg7[%mul3A_136] : memref<10000xi32, #tpu.memory_space<vmem>> -> memref<128xi32, #tpu.memory_space<vmem>>
      %dma_start3A_138 = arith.constant 0 : i32
      %dma_start3A_139 = arith.constant 0 : i32
      %dma_start3A_140 = tpu.memref_slice %arg15[%dma_start3A_138, %dma_start3A_139] : memref<10240x32xf32, #tpu.memory_space<vmem_shared>> -> memref<10240x32xf32, #tpu.memory_space<vmem_shared>>
      tpu.enqueue_indirect_dma source(%arg11 : memref<128x32xf32, #tpu.memory_space<vmem>>) target(%dma_start3A_140 : memref<10240x32xf32, #tpu.memory_space<vmem_shared>>) offsets(%dma_start3A_137 : memref<128xi32, #tpu.memory_space<vmem>>) semaphore(%arg24 : memref<!tpu.dma_semaphore, #tpu.memory_space<semaphore_mem>>) {add = true}
      %add3A_141 = arith.constant 3 : i32
      %add3A_142 = arith.addi %add3A_66, %add3A_141 : i32
      %ge3A_143 = arith.constant 2 : i32
      %ge3A_144 = arith.cmpi sge, %add3A_142, %ge3A_143 : i32
      %convert_element_type3A_145 = arith.extui %ge3A_144 : i1 to i32
      %cond3A_146 = arith.constant 0 : i32
      %cond3A_147 = arith.cmpi ne, %convert_element_type3A_145, %cond3A_146 : i32
      scf.if %cond3A_147 {
        %sub3A = arith.constant 2 : i32
        %sub3A_219 = arith.subi %add3A_142, %sub3A : i32
        %mul3A_220 = arith.constant 128 : i32
        %mul3A_221 = arith.muli %sub3A_219, %mul3A_220 : i32
        %dma_wait3A_222 = tpu.memref_slice %arg7[%mul3A_221] : memref<10000xi32, #tpu.memory_space<vmem>> -> memref<128xi32, #tpu.memory_space<vmem>>
        %dma_wait3A_223 = arith.constant 0 : i32
        %dma_wait3A_224 = arith.constant 0 : i32
        %dma_wait3A_225 = tpu.memref_slice %arg15[%dma_wait3A_223, %dma_wait3A_224] : memref<10240x32xf32, #tpu.memory_space<vmem_shared>> -> memref<10240x32xf32, #tpu.memory_space<vmem_shared>>
        tpu.wait_indirect_dma semaphore(%arg23 : memref<!tpu.dma_semaphore, #tpu.memory_space<semaphore_mem>>) src(%arg10 : memref<128x32xf32, #tpu.memory_space<vmem>>) dst(%dma_wait3A_225 : memref<10240x32xf32, #tpu.memory_space<vmem_shared>>)
      } else {
      }
      %add3A_148 = arith.constant 4 : i32
      %add3A_149 = arith.addi %add3A_142, %add3A_148 : i32
      %lt3A_150 = arith.constant 78 : i32
      %lt3A_151 = arith.cmpi slt, %add3A_149, %lt3A_150 : i32
      %convert_element_type3A_152 = arith.extui %lt3A_151 : i1 to i32
      %cond3A_153 = arith.constant 0 : i32
      %cond3A_154 = arith.cmpi ne, %convert_element_type3A_152, %cond3A_153 : i32
      scf.if %cond3A_154 {
        %add3A_219 = arith.constant 4 : i32
        %add3A_220 = arith.addi %add3A_142, %add3A_219 : i32
        %mul3A_221 = arith.constant 128 : i32
        %mul3A_222 = arith.muli %add3A_220, %mul3A_221 : i32
        %dma_start3A_223 = tpu.memref_slice %arg6[%mul3A_222] : memref<10000xi32, #tpu.memory_space<vmem>> -> memref<128xi32, #tpu.memory_space<vmem>>
        %dma_start3A_224 = arith.constant 0 : i32
        %dma_start3A_225 = arith.constant 0 : i32
        %dma_start3A_226 = tpu.memref_slice %arg2[%dma_start3A_224, %dma_start3A_225] : memref<10240x32xf32, #tpu.memory_space<hbm>> -> memref<10240x32xf32, #tpu.memory_space<hbm>>
        tpu.enqueue_indirect_dma source(%dma_start3A_226 : memref<10240x32xf32, #tpu.memory_space<hbm>>) target(%arg10 : memref<128x32xf32, #tpu.memory_space<vmem>>) offsets(%dma_start3A_223 : memref<128xi32, #tpu.memory_space<vmem>>) semaphore(%arg17 : memref<!tpu.dma_semaphore, #tpu.memory_space<semaphore_mem>>)
      } else {
      }
      %mul3A_155 = arith.constant 128 : i32
      %mul3A_156 = arith.muli %add3A_142, %mul3A_155 : i32
      %dma_wait3A_157 = tpu.memref_slice %arg6[%mul3A_156] : memref<10000xi32, #tpu.memory_space<vmem>> -> memref<128xi32, #tpu.memory_space<vmem>>
      %dma_wait3A_158 = arith.constant 0 : i32
      %dma_wait3A_159 = arith.constant 0 : i32
      %dma_wait3A_160 = tpu.memref_slice %arg2[%dma_wait3A_158, %dma_wait3A_159] : memref<10240x32xf32, #tpu.memory_space<hbm>> -> memref<10240x32xf32, #tpu.memory_space<hbm>>
      tpu.wait_indirect_dma semaphore(%arg19 : memref<!tpu.dma_semaphore, #tpu.memory_space<semaphore_mem>>) src(%dma_wait3A_160 : memref<10240x32xf32, #tpu.memory_space<hbm>>) dst(%arg12 : memref<128x32xf32, #tpu.memory_space<vmem>>)
      %mul3A_161 = arith.constant 128 : i32
      %mul3A_162 = arith.muli %add3A_142, %mul3A_161 : i32
      %dma_start3A_163 = tpu.memref_slice %arg7[%mul3A_162] : memref<10000xi32, #tpu.memory_space<vmem>> -> memref<128xi32, #tpu.memory_space<vmem>>
      %dma_start3A_164 = arith.constant 0 : i32
      %dma_start3A_165 = arith.constant 0 : i32
      %dma_start3A_166 = tpu.memref_slice %arg15[%dma_start3A_164, %dma_start3A_165] : memref<10240x32xf32, #tpu.memory_space<vmem_shared>> -> memref<10240x32xf32, #tpu.memory_space<vmem_shared>>
      tpu.enqueue_indirect_dma source(%arg12 : memref<128x32xf32, #tpu.memory_space<vmem>>) target(%dma_start3A_166 : memref<10240x32xf32, #tpu.memory_space<vmem_shared>>) offsets(%dma_start3A_163 : memref<128xi32, #tpu.memory_space<vmem>>) semaphore(%arg25 : memref<!tpu.dma_semaphore, #tpu.memory_space<semaphore_mem>>) {add = true}
      %add3A_167 = arith.constant 4 : i32
      %add3A_168 = arith.addi %add3A_66, %add3A_167 : i32
      %ge3A_169 = arith.constant 2 : i32
      %ge3A_170 = arith.cmpi sge, %add3A_168, %ge3A_169 : i32
      %convert_element_type3A_171 = arith.extui %ge3A_170 : i1 to i32
      %cond3A_172 = arith.constant 0 : i32
      %cond3A_173 = arith.cmpi ne, %convert_element_type3A_171, %cond3A_172 : i32
      scf.if %cond3A_173 {
        %sub3A = arith.constant 2 : i32
        %sub3A_219 = arith.subi %add3A_168, %sub3A : i32
        %mul3A_220 = arith.constant 128 : i32
        %mul3A_221 = arith.muli %sub3A_219, %mul3A_220 : i32
        %dma_wait3A_222 = tpu.memref_slice %arg7[%mul3A_221] : memref<10000xi32, #tpu.memory_space<vmem>> -> memref<128xi32, #tpu.memory_space<vmem>>
        %dma_wait3A_223 = arith.constant 0 : i32
        %dma_wait3A_224 = arith.constant 0 : i32
        %dma_wait3A_225 = tpu.memref_slice %arg15[%dma_wait3A_223, %dma_wait3A_224] : memref<10240x32xf32, #tpu.memory_space<vmem_shared>> -> memref<10240x32xf32, #tpu.memory_space<vmem_shared>>
        tpu.wait_indirect_dma semaphore(%arg24 : memref<!tpu.dma_semaphore, #tpu.memory_space<semaphore_mem>>) src(%arg11 : memref<128x32xf32, #tpu.memory_space<vmem>>) dst(%dma_wait3A_225 : memref<10240x32xf32, #tpu.memory_space<vmem_shared>>)
      } else {
      }
      %add3A_174 = arith.constant 4 : i32
      %add3A_175 = arith.addi %add3A_168, %add3A_174 : i32
      %lt3A_176 = arith.constant 78 : i32
      %lt3A_177 = arith.cmpi slt, %add3A_175, %lt3A_176 : i32
      %convert_element_type3A_178 = arith.extui %lt3A_177 : i1 to i32
      %cond3A_179 = arith.constant 0 : i32
      %cond3A_180 = arith.cmpi ne, %convert_element_type3A_178, %cond3A_179 : i32
      scf.if %cond3A_180 {
        %add3A_219 = arith.constant 4 : i32
        %add3A_220 = arith.addi %add3A_168, %add3A_219 : i32
        %mul3A_221 = arith.constant 128 : i32
        %mul3A_222 = arith.muli %add3A_220, %mul3A_221 : i32
        %dma_start3A_223 = tpu.memref_slice %arg6[%mul3A_222] : memref<10000xi32, #tpu.memory_space<vmem>> -> memref<128xi32, #tpu.memory_space<vmem>>
        %dma_start3A_224 = arith.constant 0 : i32
        %dma_start3A_225 = arith.constant 0 : i32
        %dma_start3A_226 = tpu.memref_slice %arg2[%dma_start3A_224, %dma_start3A_225] : memref<10240x32xf32, #tpu.memory_space<hbm>> -> memref<10240x32xf32, #tpu.memory_space<hbm>>
        tpu.enqueue_indirect_dma source(%dma_start3A_226 : memref<10240x32xf32, #tpu.memory_space<hbm>>) target(%arg11 : memref<128x32xf32, #tpu.memory_space<vmem>>) offsets(%dma_start3A_223 : memref<128xi32, #tpu.memory_space<vmem>>) semaphore(%arg18 : memref<!tpu.dma_semaphore, #tpu.memory_space<semaphore_mem>>)
      } else {
      }
      %mul3A_181 = arith.constant 128 : i32
      %mul3A_182 = arith.muli %add3A_168, %mul3A_181 : i32
      %dma_wait3A_183 = tpu.memref_slice %arg6[%mul3A_182] : memref<10000xi32, #tpu.memory_space<vmem>> -> memref<128xi32, #tpu.memory_space<vmem>>
      %dma_wait3A_184 = arith.constant 0 : i32
      %dma_wait3A_185 = arith.constant 0 : i32
      %dma_wait3A_186 = tpu.memref_slice %arg2[%dma_wait3A_184, %dma_wait3A_185] : memref<10240x32xf32, #tpu.memory_space<hbm>> -> memref<10240x32xf32, #tpu.memory_space<hbm>>
      tpu.wait_indirect_dma semaphore(%arg20 : memref<!tpu.dma_semaphore, #tpu.memory_space<semaphore_mem>>) src(%dma_wait3A_186 : memref<10240x32xf32, #tpu.memory_space<hbm>>) dst(%arg13 : memref<128x32xf32, #tpu.memory_space<vmem>>)
      %mul3A_187 = arith.constant 128 : i32
      %mul3A_188 = arith.muli %add3A_168, %mul3A_187 : i32
      %dma_start3A_189 = tpu.memref_slice %arg7[%mul3A_188] : memref<10000xi32, #tpu.memory_space<vmem>> -> memref<128xi32, #tpu.memory_space<vmem>>
      %dma_start3A_190 = arith.constant 0 : i32
      %dma_start3A_191 = arith.constant 0 : i32
      %dma_start3A_192 = tpu.memref_slice %arg15[%dma_start3A_190, %dma_start3A_191] : memref<10240x32xf32, #tpu.memory_space<vmem_shared>> -> memref<10240x32xf32, #tpu.memory_space<vmem_shared>>
      tpu.enqueue_indirect_dma source(%arg13 : memref<128x32xf32, #tpu.memory_space<vmem>>) target(%dma_start3A_192 : memref<10240x32xf32, #tpu.memory_space<vmem_shared>>) offsets(%dma_start3A_189 : memref<128xi32, #tpu.memory_space<vmem>>) semaphore(%arg26 : memref<!tpu.dma_semaphore, #tpu.memory_space<semaphore_mem>>) {add = true}
      %add3A_193 = arith.constant 5 : i32
      %add3A_194 = arith.addi %add3A_66, %add3A_193 : i32
      %ge3A_195 = arith.constant 2 : i32
      %ge3A_196 = arith.cmpi sge, %add3A_194, %ge3A_195 : i32
      %convert_element_type3A_197 = arith.extui %ge3A_196 : i1 to i32
      %cond3A_198 = arith.constant 0 : i32
      %cond3A_199 = arith.cmpi ne, %convert_element_type3A_197, %cond3A_198 : i32
      scf.if %cond3A_199 {
        %sub3A = arith.constant 2 : i32
        %sub3A_219 = arith.subi %add3A_194, %sub3A : i32
        %mul3A_220 = arith.constant 128 : i32
        %mul3A_221 = arith.muli %sub3A_219, %mul3A_220 : i32
        %dma_wait3A_222 = tpu.memref_slice %arg7[%mul3A_221] : memref<10000xi32, #tpu.memory_space<vmem>> -> memref<128xi32, #tpu.memory_space<vmem>>
        %dma_wait3A_223 = arith.constant 0 : i32
        %dma_wait3A_224 = arith.constant 0 : i32
        %dma_wait3A_225 = tpu.memref_slice %arg15[%dma_wait3A_223, %dma_wait3A_224] : memref<10240x32xf32, #tpu.memory_space<vmem_shared>> -> memref<10240x32xf32, #tpu.memory_space<vmem_shared>>
        tpu.wait_indirect_dma semaphore(%arg25 : memref<!tpu.dma_semaphore, #tpu.memory_space<semaphore_mem>>) src(%arg12 : memref<128x32xf32, #tpu.memory_space<vmem>>) dst(%dma_wait3A_225 : memref<10240x32xf32, #tpu.memory_space<vmem_shared>>)
      } else {
      }
      %add3A_200 = arith.constant 4 : i32
      %add3A_201 = arith.addi %add3A_194, %add3A_200 : i32
      %lt3A_202 = arith.constant 78 : i32
      %lt3A_203 = arith.cmpi slt, %add3A_201, %lt3A_202 : i32
      %convert_element_type3A_204 = arith.extui %lt3A_203 : i1 to i32
      %cond3A_205 = arith.constant 0 : i32
      %cond3A_206 = arith.cmpi ne, %convert_element_type3A_204, %cond3A_205 : i32
      scf.if %cond3A_206 {
        %add3A_219 = arith.constant 4 : i32
        %add3A_220 = arith.addi %add3A_194, %add3A_219 : i32
        %mul3A_221 = arith.constant 128 : i32
        %mul3A_222 = arith.muli %add3A_220, %mul3A_221 : i32
        %dma_start3A_223 = tpu.memref_slice %arg6[%mul3A_222] : memref<10000xi32, #tpu.memory_space<vmem>> -> memref<128xi32, #tpu.memory_space<vmem>>
        %dma_start3A_224 = arith.constant 0 : i32
        %dma_start3A_225 = arith.constant 0 : i32
        %dma_start3A_226 = tpu.memref_slice %arg2[%dma_start3A_224, %dma_start3A_225] : memref<10240x32xf32, #tpu.memory_space<hbm>> -> memref<10240x32xf32, #tpu.memory_space<hbm>>
        tpu.enqueue_indirect_dma source(%dma_start3A_226 : memref<10240x32xf32, #tpu.memory_space<hbm>>) target(%arg12 : memref<128x32xf32, #tpu.memory_space<vmem>>) offsets(%dma_start3A_223 : memref<128xi32, #tpu.memory_space<vmem>>) semaphore(%arg19 : memref<!tpu.dma_semaphore, #tpu.memory_space<semaphore_mem>>)
      } else {
      }
      %mul3A_207 = arith.constant 128 : i32
      %mul3A_208 = arith.muli %add3A_194, %mul3A_207 : i32
      %dma_wait3A_209 = tpu.memref_slice %arg6[%mul3A_208] : memref<10000xi32, #tpu.memory_space<vmem>> -> memref<128xi32, #tpu.memory_space<vmem>>
      %dma_wait3A_210 = arith.constant 0 : i32
      %dma_wait3A_211 = arith.constant 0 : i32
      %dma_wait3A_212 = tpu.memref_slice %arg2[%dma_wait3A_210, %dma_wait3A_211] : memref<10240x32xf32, #tpu.memory_space<hbm>> -> memref<10240x32xf32, #tpu.memory_space<hbm>>
      tpu.wait_indirect_dma semaphore(%arg21 : memref<!tpu.dma_semaphore, #tpu.memory_space<semaphore_mem>>) src(%dma_wait3A_212 : memref<10240x32xf32, #tpu.memory_space<hbm>>) dst(%arg14 : memref<128x32xf32, #tpu.memory_space<vmem>>)
      %mul3A_213 = arith.constant 128 : i32
      %mul3A_214 = arith.muli %add3A_194, %mul3A_213 : i32
      %dma_start3A_215 = tpu.memref_slice %arg7[%mul3A_214] : memref<10000xi32, #tpu.memory_space<vmem>> -> memref<128xi32, #tpu.memory_space<vmem>>
      %dma_start3A_216 = arith.constant 0 : i32
      %dma_start3A_217 = arith.constant 0 : i32
      %dma_start3A_218 = tpu.memref_slice %arg15[%dma_start3A_216, %dma_start3A_217] : memref<10240x32xf32, #tpu.memory_space<vmem_shared>> -> memref<10240x32xf32, #tpu.memory_space<vmem_shared>>
      tpu.enqueue_indirect_dma source(%arg14 : memref<128x32xf32, #tpu.memory_space<vmem>>) target(%dma_start3A_218 : memref<10240x32xf32, #tpu.memory_space<vmem_shared>>) offsets(%dma_start3A_215 : memref<128xi32, #tpu.memory_space<vmem>>) semaphore(%arg27 : memref<!tpu.dma_semaphore, #tpu.memory_space<semaphore_mem>>) {add = true}
    }
    %scan3A_47 = arith.constant 13 : i32
    "tpu.region"() ({
      %run_scoped3A = tpu.sem_alloc : memref<!tpu.dma_semaphore, #tpu.memory_space<semaphore_mem>>
      %dma_start3A_62 = arith.constant 9984 : i32
      %dma_start3A_63 = tpu.memref_slice %arg6[%dma_start3A_62] : memref<10000xi32, #tpu.memory_space<vmem>> -> memref<16xi32, #tpu.memory_space<vmem>>
      %dma_start3A_64 = arith.constant 0 : i32
      %dma_start3A_65 = arith.constant 0 : i32
      %dma_start3A_66 = tpu.memref_slice %arg2[%dma_start3A_64, %dma_start3A_65] : memref<10240x32xf32, #tpu.memory_space<hbm>> -> memref<10240x32xf32, #tpu.memory_space<hbm>>
      tpu.enqueue_indirect_dma source(%dma_start3A_66 : memref<10240x32xf32, #tpu.memory_space<hbm>>) target(%arg8 : memref<16x32xf32, #tpu.memory_space<vmem>>) offsets(%dma_start3A_63 : memref<16xi32, #tpu.memory_space<vmem>>) semaphore(%run_scoped3A : memref<!tpu.dma_semaphore, #tpu.memory_space<semaphore_mem>>)
      %dma_wait3A_67 = arith.constant 9984 : i32
      %dma_wait3A_68 = tpu.memref_slice %arg6[%dma_wait3A_67] : memref<10000xi32, #tpu.memory_space<vmem>> -> memref<16xi32, #tpu.memory_space<vmem>>
      %dma_wait3A_69 = arith.constant 0 : i32
      %dma_wait3A_70 = arith.constant 0 : i32
      %dma_wait3A_71 = tpu.memref_slice %arg2[%dma_wait3A_69, %dma_wait3A_70] : memref<10240x32xf32, #tpu.memory_space<hbm>> -> memref<10240x32xf32, #tpu.memory_space<hbm>>
      tpu.wait_indirect_dma semaphore(%run_scoped3A : memref<!tpu.dma_semaphore, #tpu.memory_space<semaphore_mem>>) src(%dma_wait3A_71 : memref<10240x32xf32, #tpu.memory_space<hbm>>) dst(%arg8 : memref<16x32xf32, #tpu.memory_space<vmem>>)
      tpu.yield
    }) : () -> ()
    "tpu.region"() ({
      %run_scoped3A = tpu.sem_alloc : memref<!tpu.dma_semaphore, #tpu.memory_space<semaphore_mem>>
      %dma_start3A_62 = arith.constant 9984 : i32
      %dma_start3A_63 = tpu.memref_slice %arg7[%dma_start3A_62] : memref<10000xi32, #tpu.memory_space<vmem>> -> memref<16xi32, #tpu.memory_space<vmem>>
      %dma_start3A_64 = arith.constant 0 : i32
      %dma_start3A_65 = arith.constant 0 : i32
      %dma_start3A_66 = tpu.memref_slice %arg15[%dma_start3A_64, %dma_start3A_65] : memref<10240x32xf32, #tpu.memory_space<vmem_shared>> -> memref<10240x32xf32, #tpu.memory_space<vmem_shared>>
      tpu.enqueue_indirect_dma source(%arg8 : memref<16x32xf32, #tpu.memory_space<vmem>>) target(%dma_start3A_66 : memref<10240x32xf32, #tpu.memory_space<vmem_shared>>) offsets(%dma_start3A_63 : memref<16xi32, #tpu.memory_space<vmem>>) semaphore(%run_scoped3A : memref<!tpu.dma_semaphore, #tpu.memory_space<semaphore_mem>>) {add = true}
      %dma_wait3A_67 = arith.constant 9984 : i32
      %dma_wait3A_68 = tpu.memref_slice %arg7[%dma_wait3A_67] : memref<10000xi32, #tpu.memory_space<vmem>> -> memref<16xi32, #tpu.memory_space<vmem>>
      %dma_wait3A_69 = arith.constant 0 : i32
      %dma_wait3A_70 = arith.constant 0 : i32
      %dma_wait3A_71 = tpu.memref_slice %arg15[%dma_wait3A_69, %dma_wait3A_70] : memref<10240x32xf32, #tpu.memory_space<vmem_shared>> -> memref<10240x32xf32, #tpu.memory_space<vmem_shared>>
      tpu.wait_indirect_dma semaphore(%run_scoped3A : memref<!tpu.dma_semaphore, #tpu.memory_space<semaphore_mem>>) src(%arg8 : memref<16x32xf32, #tpu.memory_space<vmem>>) dst(%dma_wait3A_71 : memref<10240x32xf32, #tpu.memory_space<vmem_shared>>)
      tpu.yield
    }) : () -> ()
    %dma_wait3A = arith.constant 9728 : i32
    %dma_wait3A_48 = tpu.memref_slice %arg7[%dma_wait3A] : memref<10000xi32, #tpu.memory_space<vmem>> -> memref<128xi32, #tpu.memory_space<vmem>>
    %dma_wait3A_49 = arith.constant 0 : i32
    %dma_wait3A_50 = arith.constant 0 : i32
    %dma_wait3A_51 = tpu.memref_slice %arg15[%dma_wait3A_49, %dma_wait3A_50] : memref<10240x32xf32, #tpu.memory_space<vmem_shared>> -> memref<10240x32xf32, #tpu.memory_space<vmem_shared>>
    tpu.wait_indirect_dma semaphore(%arg26 : memref<!tpu.dma_semaphore, #tpu.memory_space<semaphore_mem>>) src(%arg13 : memref<128x32xf32, #tpu.memory_space<vmem>>) dst(%dma_wait3A_51 : memref<10240x32xf32, #tpu.memory_space<vmem_shared>>)
    %dma_wait3A_52 = arith.constant 9856 : i32
    %dma_wait3A_53 = tpu.memref_slice %arg7[%dma_wait3A_52] : memref<10000xi32, #tpu.memory_space<vmem>> -> memref<128xi32, #tpu.memory_space<vmem>>
    %dma_wait3A_54 = arith.constant 0 : i32
    %dma_wait3A_55 = arith.constant 0 : i32
    %dma_wait3A_56 = tpu.memref_slice %arg15[%dma_wait3A_54, %dma_wait3A_55] : memref<10240x32xf32, #tpu.memory_space<vmem_shared>> -> memref<10240x32xf32, #tpu.memory_space<vmem_shared>>
    tpu.wait_indirect_dma semaphore(%arg27 : memref<!tpu.dma_semaphore, #tpu.memory_space<semaphore_mem>>) src(%arg14 : memref<128x32xf32, #tpu.memory_space<vmem>>) dst(%dma_wait3A_56 : memref<10240x32xf32, #tpu.memory_space<vmem_shared>>)
    %barrier3A_57 = arith.constant 0 : index
    tpu.barrier barrier_id(%barrier3A_57)
    %mul3A_58 = arith.constant 640 : i32
    %mul3A_59 = arith.muli %arg1, %mul3A_58 : i32
    %mul3A_60 = arith.constant 640 : i32
    %mul3A_61 = arith.muli %arg1, %mul3A_60 : i32
    "tpu.region"() ({
      %run_scoped3A = tpu.sem_alloc : memref<!tpu.dma_semaphore, #tpu.memory_space<semaphore_mem>>
      %dma_start3A_62 = arith.constant 0 : i32
      %dma_start3A_63 = tpu.memref_slice %arg5[%arg0, %mul3A_61, %dma_start3A_62] : memref<2x10240x32xf32, #tpu.memory_space<hbm>> -> memref<1x640x32xf32, #tpu.memory_space<hbm>>
      %dma_start3A_64 = tpu.memref_squeeze %dma_start3A_63 : memref<1x640x32xf32, #tpu.memory_space<hbm>> -> memref<640x32xf32, #tpu.memory_space<hbm>>
      %dma_start3A_65 = arith.constant 0 : i32
      %dma_start3A_66 = tpu.memref_slice %arg15[%mul3A_59, %dma_start3A_65] : memref<10240x32xf32, #tpu.memory_space<vmem_shared>> -> memref<640x32xf32, #tpu.memory_space<vmem_shared>>
      tpu.enqueue_dma source(%dma_start3A_66 : memref<640x32xf32, #tpu.memory_space<vmem_shared>>) target(%dma_start3A_64 : memref<640x32xf32, #tpu.memory_space<hbm>>) target_semaphore(%run_scoped3A : memref<!tpu.dma_semaphore, #tpu.memory_space<semaphore_mem>>)
      %dma_wait3A_67 = arith.constant 0 : i32
      %dma_wait3A_68 = tpu.memref_slice %arg5[%arg0, %mul3A_61, %dma_wait3A_67] : memref<2x10240x32xf32, #tpu.memory_space<hbm>> -> memref<1x640x32xf32, #tpu.memory_space<hbm>>
      %dma_wait3A_69 = tpu.memref_squeeze %dma_wait3A_68 : memref<1x640x32xf32, #tpu.memory_space<hbm>> -> memref<640x32xf32, #tpu.memory_space<hbm>>
      %dma_wait3A_70 = arith.constant 0 : i32
      %dma_wait3A_71 = tpu.memref_slice %arg15[%mul3A_59, %dma_wait3A_70] : memref<10240x32xf32, #tpu.memory_space<vmem_shared>> -> memref<640x32xf32, #tpu.memory_space<vmem_shared>>
      tpu.wait_dma2 semaphore(%run_scoped3A : memref<!tpu.dma_semaphore, #tpu.memory_space<semaphore_mem>>) src(%dma_wait3A_71 : memref<640x32xf32, #tpu.memory_space<vmem_shared>>) dst(%dma_wait3A_69 : memref<640x32xf32, #tpu.memory_space<hbm>>)
      tpu.yield
    }) : () -> ()
    return
  }
}

module attributes {stable_mosaic.version = 14 : i64} {
  func.func @_slice_body(%arg0: i32, %arg1: memref<2x320000xi32, #tpu.memory_space<vmem>>, %arg2: memref<320000xi32, #tpu.memory_space<vmem>>, %arg3: memref<320000xi32, #tpu.memory_space<vmem>>) attributes {dimension_semantics = [#tpu.dimension_semantics<arbitrary>], iteration_bounds = array<i64: 1>, scalar_prefetch = 0 : i64, scratch_operands = 0 : i64, tpu.core_type = #tpu.core_type<tc>, window_params = [{pipeline_mode = #tpu.pipeline_mode<synchronous>, transform_indices = @transform_0, window_bounds = array<i64: 2, 320000>}, {pipeline_mode = #tpu.pipeline_mode<synchronous>, transform_indices = @transform_1, window_bounds = array<i64: 320000>}, {pipeline_mode = #tpu.pipeline_mode<synchronous>, transform_indices = @transform_2, window_bounds = array<i64: 320000>}]} {
    %get3A = arith.constant 0 : index
    %get3A_0 = arith.constant 0 : index
    %get3A_1 = vector.load %arg1[%get3A, %get3A_0] : memref<2x320000xi32, #tpu.memory_space<vmem>>, vector<1x320000xi32>
    %get3A_2 = vector.shape_cast %get3A_1 : vector<1x320000xi32> to vector<320000xi32>
    %swap3A = arith.constant 0 : index
    %swap3A_3 = vector.load %arg2[%swap3A] : memref<320000xi32, #tpu.memory_space<vmem>>, vector<320000xi32>
    tpu.vector_store %arg2[%swap3A], %get3A_2 {strides = array<i32>} : memref<320000xi32, #tpu.memory_space<vmem>>, vector<320000xi32>,
    %get3A_4 = arith.constant 1 : index
    %get3A_5 = arith.constant 0 : index
    %get3A_6 = vector.load %arg1[%get3A_4, %get3A_5] : memref<2x320000xi32, #tpu.memory_space<vmem>>, vector<1x320000xi32>
    %get3A_7 = vector.shape_cast %get3A_6 : vector<1x320000xi32> to vector<320000xi32>
    %swap3A_8 = arith.constant 0 : index
    %swap3A_9 = vector.load %arg3[%swap3A_8] : memref<320000xi32, #tpu.memory_space<vmem>>, vector<320000xi32>
    tpu.vector_store %arg3[%swap3A_8], %get3A_7 {strides = array<i32>} : memref<320000xi32, #tpu.memory_space<vmem>>, vector<320000xi32>,
    return
  }
  func.func @transform_0(%arg0: i32) -> (i32, i32) {
    %c0_i32 = arith.constant 0 : i32
    %c0_i32_0 = arith.constant 0 : i32
    %c0_i32_1 = arith.constant 0 : i32
    return %c0_i32, %c0_i32_0 : i32, i32
  }
  func.func @transform_1(%arg0: i32) -> i32 {
    %c0_i32 = arith.constant 0 : i32
    %c0_i32_0 = arith.constant 0 : i32
    return %c0_i32 : i32
  }
  func.func @transform_2(%arg0: i32) -> i32 {
    %c0_i32 = arith.constant 0 : i32
    %c0_i32_0 = arith.constant 0 : i32
    return %c0_i32 : i32
  }
}

module attributes {stable_mosaic.version = 14 : i64} {
  func.func @_prep1_body(%arg0: i32, %arg1: memref<256x512xf32, #tpu.memory_space<vmem>>, %arg2: memref<512x256xf32, #tpu.memory_space<vmem>>, %arg3: memref<2x256x32xf32, #tpu.memory_space<vmem>>, %arg4: memref<256x256xf32, #tpu.memory_space<vmem>>) attributes {dimension_semantics = [#tpu.dimension_semantics<arbitrary>], iteration_bounds = array<i64: 10>, scalar_prefetch = 0 : i64, scratch_operands = 0 : i64, tpu.core_type = #tpu.core_type<tc>, window_params = [{transform_indices = @transform_0, window_bounds = array<i64: 256, 512>}, {pipeline_mode = #tpu.pipeline_mode<synchronous>, transform_indices = @transform_1, window_bounds = array<i64: 512, 256>}, {transform_indices = @transform_2, window_bounds = array<i64: 2, 256, 32>}, {transform_indices = @transform_3, window_bounds = array<i64: 256, 256>}]} {
    %get3A = arith.constant 0 : index
    %get3A_0 = arith.constant 0 : index
    %get3A_1 = vector.load %arg1[%get3A, %get3A_0] : memref<256x512xf32, #tpu.memory_space<vmem>>, vector<256x512xf32>
    %get3A_2 = arith.constant 0 : index
    %get3A_3 = arith.constant 0 : index
    %get3A_4 = vector.load %arg2[%get3A_2, %get3A_3] : memref<512x256xf32, #tpu.memory_space<vmem>>, vector<512x256xf32>
    %dot_general3A = arith.constant dense<0.000000e+00> : vector<256x256xf32>
    %dot_general3A_5 = tpu.matmul %get3A_1, %get3A_4, %dot_general3A {dimension_numbers = #tpu.dot_dimension_numbers<[1], [0], [0], [1], [0, 0, 1, 1], [], []>, transpose_lhs_hint = false} : vector<256x512xf32>, vector<512x256xf32>, vector<256x256xf32> -> vector<256x256xf32>
    %iota3A = tpu.iota {dimensions = array<i32: 1>} : vector<256x256xi32>
    %jit3A = arith.constant 64 : i32
    %div3A = vector.broadcast %jit3A : i32 to vector<256x256xi32>
    %div3A_6 = arith.divsi %iota3A, %div3A : vector<256x256xi32>
    %sign3A = arith.constant 0 : i32
    %sign3A_7 = vector.broadcast %sign3A : i32 to vector<256x256xi32>
    %sign3A_8 = arith.cmpi sgt, %iota3A, %sign3A_7 : vector<256x256xi32>
    %sign3A_9 = arith.extui %sign3A_8 : vector<256x256xi1> to vector<256x256xi32>
    %sign3A_10 = arith.constant 0 : i32
    %sign3A_11 = vector.broadcast %sign3A_10 : i32 to vector<256x256xi32>
    %sign3A_12 = arith.cmpi slt, %iota3A, %sign3A_11 : vector<256x256xi32>
    %sign3A_13 = arith.extui %sign3A_12 : vector<256x256xi1> to vector<256x256xi32>
    %sign3A_14 = arith.subi %sign3A_9, %sign3A_13 : vector<256x256xi32>
    %sign3A_15 = arith.constant 0 : i32
    %sign3A_16 = arith.cmpi sgt, %jit3A, %sign3A_15 : i32
    %sign3A_17 = arith.extui %sign3A_16 : i1 to i32
    %sign3A_18 = arith.constant 0 : i32
    %sign3A_19 = arith.cmpi slt, %jit3A, %sign3A_18 : i32
    %sign3A_20 = arith.extui %sign3A_19 : i1 to i32
    %sign3A_21 = arith.subi %sign3A_17, %sign3A_20 : i32
    %ne3A = vector.broadcast %sign3A_21 : i32 to vector<256x256xi32>
    %ne3A_22 = arith.cmpi ne, %sign3A_14, %ne3A : vector<256x256xi32>
    %rem3A = vector.broadcast %jit3A : i32 to vector<256x256xi32>
    %rem3A_23 = arith.remsi %iota3A, %rem3A : vector<256x256xi32>
    %ne3A_24 = arith.constant 0 : i32
    %ne3A_25 = vector.broadcast %ne3A_24 : i32 to vector<256x256xi32>
    %ne3A_26 = arith.cmpi ne, %rem3A_23, %ne3A_25 : vector<256x256xi32>
    %and3A = arith.andi %ne3A_22, %ne3A_26 : vector<256x256xi1>
    %sub3A = arith.constant 1 : i32
    %sub3A_27 = vector.broadcast %sub3A : i32 to vector<256x256xi32>
    %sub3A_28 = arith.subi %div3A_6, %sub3A_27 : vector<256x256xi32>
    %select_n3A = arith.select %and3A, %sub3A_28, %div3A_6 : vector<256x256xi1>, vector<256x256xi32>
    %broadcast_in_dim3A = arith.constant 0.000000e+00 : f32
    %broadcast_in_dim3A_29 = vector.broadcast %broadcast_in_dim3A : f32 to vector<256x256xf32>
    %get3A_30 = arith.constant 0 : index
    %get3A_31 = arith.constant 0 : index
    %get3A_32 = arith.constant 0 : index
    %get3A_33 = vector.load %arg3[%get3A_30, %get3A_31, %get3A_32] : memref<2x256x32xf32, #tpu.memory_space<vmem>>, vector<1x256x1xf32>
    %get3A_34 = vector.shape_cast %get3A_33 : vector<1x256x1xf32> to vector<256x1xf32>
    %get3A_35 = arith.constant 1 : index
    %get3A_36 = arith.constant 0 : index
    %get3A_37 = arith.constant 0 : index
    %get3A_38 = vector.load %arg3[%get3A_35, %get3A_36, %get3A_37] : memref<2x256x32xf32, #tpu.memory_space<vmem>>, vector<1x256x1xf32>
    %get3A_39 = vector.shape_cast %get3A_38 : vector<1x256x1xf32> to vector<256x1xf32>
    %add3A = arith.addf %get3A_34, %get3A_39 : vector<256x1xf32>
    %add3A_40 = arith.constant 1.000000e+00 : f32
    %add3A_41 = vector.broadcast %add3A_40 : f32 to vector<256x1xf32>
    %add3A_42 = arith.addf %add3A, %add3A_41 : vector<256x1xf32>
    %rsqrt3A = math.rsqrt %add3A_42 : vector<256x1xf32>
    %eq3A = arith.constant 0 : i32
    %eq3A_43 = vector.broadcast %eq3A : i32 to vector<256x256xi32>
    %eq3A_44 = arith.cmpi eq, %select_n3A, %eq3A_43 : vector<256x256xi32>
    %broadcast_in_dim3A_45 = vector.shape_cast %rsqrt3A : vector<256x1xf32> to vector<256x1xf32>
    %broadcast_in_dim3A_46 = vector.broadcast %broadcast_in_dim3A_45 : vector<256x1xf32> to vector<256x256xf32>
    %select_n3A_47 = arith.select %eq3A_44, %broadcast_in_dim3A_46, %broadcast_in_dim3A_29 : vector<256x256xi1>, vector<256x256xf32>
    %get3A_48 = arith.constant 0 : index
    %get3A_49 = arith.constant 0 : index
    %get3A_50 = arith.constant 8 : index
    %get3A_51 = vector.load %arg3[%get3A_48, %get3A_49, %get3A_50] : memref<2x256x32xf32, #tpu.memory_space<vmem>>, vector<1x256x1xf32>
    %get3A_52 = vector.shape_cast %get3A_51 : vector<1x256x1xf32> to vector<256x1xf32>
    %get3A_53 = arith.constant 1 : index
    %get3A_54 = arith.constant 0 : index
    %get3A_55 = arith.constant 8 : index
    %get3A_56 = vector.load %arg3[%get3A_53, %get3A_54, %get3A_55] : memref<2x256x32xf32, #tpu.memory_space<vmem>>, vector<1x256x1xf32>
    %get3A_57 = vector.shape_cast %get3A_56 : vector<1x256x1xf32> to vector<256x1xf32>
    %add3A_58 = arith.addf %get3A_52, %get3A_57 : vector<256x1xf32>
    %add3A_59 = arith.constant 1.000000e+00 : f32
    %add3A_60 = vector.broadcast %add3A_59 : f32 to vector<256x1xf32>
    %add3A_61 = arith.addf %add3A_58, %add3A_60 : vector<256x1xf32>
    %rsqrt3A_62 = math.rsqrt %add3A_61 : vector<256x1xf32>
    %eq3A_63 = arith.constant 1 : i32
    %eq3A_64 = vector.broadcast %eq3A_63 : i32 to vector<256x256xi32>
    %eq3A_65 = arith.cmpi eq, %select_n3A, %eq3A_64 : vector<256x256xi32>
    %broadcast_in_dim3A_66 = vector.shape_cast %rsqrt3A_62 : vector<256x1xf32> to vector<256x1xf32>
    %broadcast_in_dim3A_67 = vector.broadcast %broadcast_in_dim3A_66 : vector<256x1xf32> to vector<256x256xf32>
    %select_n3A_68 = arith.select %eq3A_65, %broadcast_in_dim3A_67, %select_n3A_47 : vector<256x256xi1>, vector<256x256xf32>
    %get3A_69 = arith.constant 0 : index
    %get3A_70 = arith.constant 0 : index
    %get3A_71 = arith.constant 16 : index
    %get3A_72 = vector.load %arg3[%get3A_69, %get3A_70, %get3A_71] : memref<2x256x32xf32, #tpu.memory_space<vmem>>, vector<1x256x1xf32>
    %get3A_73 = vector.shape_cast %get3A_72 : vector<1x256x1xf32> to vector<256x1xf32>
    %get3A_74 = arith.constant 1 : index
    %get3A_75 = arith.constant 0 : index
    %get3A_76 = arith.constant 16 : index
    %get3A_77 = vector.load %arg3[%get3A_74, %get3A_75, %get3A_76] : memref<2x256x32xf32, #tpu.memory_space<vmem>>, vector<1x256x1xf32>
    %get3A_78 = vector.shape_cast %get3A_77 : vector<1x256x1xf32> to vector<256x1xf32>
    %add3A_79 = arith.addf %get3A_73, %get3A_78 : vector<256x1xf32>
    %add3A_80 = arith.constant 1.000000e+00 : f32
    %add3A_81 = vector.broadcast %add3A_80 : f32 to vector<256x1xf32>
    %add3A_82 = arith.addf %add3A_79, %add3A_81 : vector<256x1xf32>
    %rsqrt3A_83 = math.rsqrt %add3A_82 : vector<256x1xf32>
    %eq3A_84 = arith.constant 2 : i32
    %eq3A_85 = vector.broadcast %eq3A_84 : i32 to vector<256x256xi32>
    %eq3A_86 = arith.cmpi eq, %select_n3A, %eq3A_85 : vector<256x256xi32>
    %broadcast_in_dim3A_87 = vector.shape_cast %rsqrt3A_83 : vector<256x1xf32> to vector<256x1xf32>
    %broadcast_in_dim3A_88 = vector.broadcast %broadcast_in_dim3A_87 : vector<256x1xf32> to vector<256x256xf32>
    %select_n3A_89 = arith.select %eq3A_86, %broadcast_in_dim3A_88, %select_n3A_68 : vector<256x256xi1>, vector<256x256xf32>
    %get3A_90 = arith.constant 0 : index
    %get3A_91 = arith.constant 0 : index
    %get3A_92 = arith.constant 24 : index
    %get3A_93 = vector.load %arg3[%get3A_90, %get3A_91, %get3A_92] : memref<2x256x32xf32, #tpu.memory_space<vmem>>, vector<1x256x1xf32>
    %get3A_94 = vector.shape_cast %get3A_93 : vector<1x256x1xf32> to vector<256x1xf32>
    %get3A_95 = arith.constant 1 : index
    %get3A_96 = arith.constant 0 : index
    %get3A_97 = arith.constant 24 : index
    %get3A_98 = vector.load %arg3[%get3A_95, %get3A_96, %get3A_97] : memref<2x256x32xf32, #tpu.memory_space<vmem>>, vector<1x256x1xf32>
    %get3A_99 = vector.shape_cast %get3A_98 : vector<1x256x1xf32> to vector<256x1xf32>
    %add3A_100 = arith.addf %get3A_94, %get3A_99 : vector<256x1xf32>
    %add3A_101 = arith.constant 1.000000e+00 : f32
    %add3A_102 = vector.broadcast %add3A_101 : f32 to vector<256x1xf32>
    %add3A_103 = arith.addf %add3A_100, %add3A_102 : vector<256x1xf32>
    %rsqrt3A_104 = math.rsqrt %add3A_103 : vector<256x1xf32>
    %eq3A_105 = arith.constant 3 : i32
    %eq3A_106 = vector.broadcast %eq3A_105 : i32 to vector<256x256xi32>
    %eq3A_107 = arith.cmpi eq, %select_n3A, %eq3A_106 : vector<256x256xi32>
    %broadcast_in_dim3A_108 = vector.shape_cast %rsqrt3A_104 : vector<256x1xf32> to vector<256x1xf32>
    %broadcast_in_dim3A_109 = vector.broadcast %broadcast_in_dim3A_108 : vector<256x1xf32> to vector<256x256xf32>
    %select_n3A_110 = arith.select %eq3A_107, %broadcast_in_dim3A_109, %select_n3A_89 : vector<256x256xi1>, vector<256x256xf32>
    %mul3A = arith.mulf %dot_general3A_5, %select_n3A_110 : vector<256x256xf32>
    %swap3A = arith.constant 0 : index
    %swap3A_111 = arith.constant 0 : index
    %swap3A_112 = vector.load %arg4[%swap3A, %swap3A_111] : memref<256x256xf32, #tpu.memory_space<vmem>>, vector<256x256xf32>
    tpu.vector_store %arg4[%swap3A, %swap3A_111], %mul3A {strides = array<i32>} : memref<256x256xf32, #tpu.memory_space<vmem>>, vector<256x256xf32>,
    return
  }
  func.func @transform_0(%arg0: i32) -> (i32, i32) {
    %c0_i32 = arith.constant 0 : i32
    %c0_i32_0 = arith.constant 0 : i32
    return %arg0, %c0_i32 : i32, i32
  }
  func.func @transform_1(%arg0: i32) -> (i32, i32) {
    %c0_i32 = arith.constant 0 : i32
    %c0_i32_0 = arith.constant 0 : i32
    %c0_i32_1 = arith.constant 0 : i32
    return %c0_i32, %c0_i32_0 : i32, i32
  }
  func.func @transform_2(%arg0: i32) -> (i32, i32, i32) {
    %c0_i32 = arith.constant 0 : i32
    %c0_i32_0 = arith.constant 0 : i32
    %c0_i32_1 = arith.constant 0 : i32
    return %c0_i32, %arg0, %c0_i32_0 : i32, i32, i32
  }
  func.func @transform_3(%arg0: i32) -> (i32, i32) {
    %c0_i32 = arith.constant 0 : i32
    %c0_i32_0 = arith.constant 0 : i32
    return %arg0, %c0_i32 : i32, i32
  }
}

module attributes {stable_mosaic.version = 14 : i64} {
  func.func @_mid_body(%arg0: i32, %arg1: memref<2x256x256xf32, #tpu.memory_space<vmem>>, %arg2: memref<256x256xf32, #tpu.memory_space<vmem>>, %arg3: memref<2x256x32xf32, #tpu.memory_space<vmem>>, %arg4: memref<256x128xf32, #tpu.memory_space<vmem>>, %arg5: memref<1x256xf32, #tpu.memory_space<vmem>>, %arg6: memref<256x128xf32, #tpu.memory_space<vmem>>) attributes {dimension_semantics = [#tpu.dimension_semantics<arbitrary>], iteration_bounds = array<i64: 10>, scalar_prefetch = 0 : i64, scratch_operands = 0 : i64, tpu.core_type = #tpu.core_type<tc>, window_params = [{transform_indices = @transform_0, window_bounds = array<i64: 2, 256, 256>}, {transform_indices = @transform_1, window_bounds = array<i64: 256, 256>}, {transform_indices = @transform_2, window_bounds = array<i64: 2, 256, 32>}, {pipeline_mode = #tpu.pipeline_mode<synchronous>, transform_indices = @transform_3, window_bounds = array<i64: 256, 128>}, {pipeline_mode = #tpu.pipeline_mode<synchronous>, transform_indices = @transform_4, window_bounds = array<i64: 1, 256>}, {transform_indices = @transform_5, window_bounds = array<i64: 256, 128>}]} {
    %get3A = arith.constant 0 : index
    %get3A_0 = arith.constant 0 : index
    %get3A_1 = arith.constant 0 : index
    %get3A_2 = vector.load %arg1[%get3A, %get3A_0, %get3A_1] : memref<2x256x256xf32, #tpu.memory_space<vmem>>, vector<1x256x256xf32>
    %get3A_3 = vector.shape_cast %get3A_2 : vector<1x256x256xf32> to vector<256x256xf32>
    %get3A_4 = arith.constant 1 : index
    %get3A_5 = arith.constant 0 : index
    %get3A_6 = arith.constant 0 : index
    %get3A_7 = vector.load %arg1[%get3A_4, %get3A_5, %get3A_6] : memref<2x256x256xf32, #tpu.memory_space<vmem>>, vector<1x256x256xf32>
    %get3A_8 = vector.shape_cast %get3A_7 : vector<1x256x256xf32> to vector<256x256xf32>
    %add3A = arith.addf %get3A_3, %get3A_8 : vector<256x256xf32>
    %iota3A = tpu.iota {dimensions = array<i32: 1>} : vector<256x256xi32>
    %jit3A = arith.constant 64 : i32
    %div3A = vector.broadcast %jit3A : i32 to vector<256x256xi32>
    %div3A_9 = arith.divsi %iota3A, %div3A : vector<256x256xi32>
    %sign3A = arith.constant 0 : i32
    %sign3A_10 = vector.broadcast %sign3A : i32 to vector<256x256xi32>
    %sign3A_11 = arith.cmpi sgt, %iota3A, %sign3A_10 : vector<256x256xi32>
    %sign3A_12 = arith.extui %sign3A_11 : vector<256x256xi1> to vector<256x256xi32>
    %sign3A_13 = arith.constant 0 : i32
    %sign3A_14 = vector.broadcast %sign3A_13 : i32 to vector<256x256xi32>
    %sign3A_15 = arith.cmpi slt, %iota3A, %sign3A_14 : vector<256x256xi32>
    %sign3A_16 = arith.extui %sign3A_15 : vector<256x256xi1> to vector<256x256xi32>
    %sign3A_17 = arith.subi %sign3A_12, %sign3A_16 : vector<256x256xi32>
    %sign3A_18 = arith.constant 0 : i32
    %sign3A_19 = arith.cmpi sgt, %jit3A, %sign3A_18 : i32
    %sign3A_20 = arith.extui %sign3A_19 : i1 to i32
    %sign3A_21 = arith.constant 0 : i32
    %sign3A_22 = arith.cmpi slt, %jit3A, %sign3A_21 : i32
    %sign3A_23 = arith.extui %sign3A_22 : i1 to i32
    %sign3A_24 = arith.subi %sign3A_20, %sign3A_23 : i32
    %ne3A = vector.broadcast %sign3A_24 : i32 to vector<256x256xi32>
    %ne3A_25 = arith.cmpi ne, %sign3A_17, %ne3A : vector<256x256xi32>
    %rem3A = vector.broadcast %jit3A : i32 to vector<256x256xi32>
    %rem3A_26 = arith.remsi %iota3A, %rem3A : vector<256x256xi32>
    %ne3A_27 = arith.constant 0 : i32
    %ne3A_28 = vector.broadcast %ne3A_27 : i32 to vector<256x256xi32>
    %ne3A_29 = arith.cmpi ne, %rem3A_26, %ne3A_28 : vector<256x256xi32>
    %and3A = arith.andi %ne3A_25, %ne3A_29 : vector<256x256xi1>
    %sub3A = arith.constant 1 : i32
    %sub3A_30 = vector.broadcast %sub3A : i32 to vector<256x256xi32>
    %sub3A_31 = arith.subi %div3A_9, %sub3A_30 : vector<256x256xi32>
    %select_n3A = arith.select %and3A, %sub3A_31, %div3A_9 : vector<256x256xi1>, vector<256x256xi32>
    %broadcast_in_dim3A = arith.constant 0.000000e+00 : f32
    %broadcast_in_dim3A_32 = vector.broadcast %broadcast_in_dim3A : f32 to vector<256x256xf32>
    %get3A_33 = arith.constant 0 : index
    %get3A_34 = arith.constant 0 : index
    %get3A_35 = arith.constant 0 : index
    %get3A_36 = vector.load %arg3[%get3A_33, %get3A_34, %get3A_35] : memref<2x256x32xf32, #tpu.memory_space<vmem>>, vector<1x256x1xf32>
    %get3A_37 = vector.shape_cast %get3A_36 : vector<1x256x1xf32> to vector<256x1xf32>
    %get3A_38 = arith.constant 1 : index
    %get3A_39 = arith.constant 0 : index
    %get3A_40 = arith.constant 0 : index
    %get3A_41 = vector.load %arg3[%get3A_38, %get3A_39, %get3A_40] : memref<2x256x32xf32, #tpu.memory_space<vmem>>, vector<1x256x1xf32>
    %get3A_42 = vector.shape_cast %get3A_41 : vector<1x256x1xf32> to vector<256x1xf32>
    %add3A_43 = arith.addf %get3A_37, %get3A_42 : vector<256x1xf32>
    %add3A_44 = arith.constant 1.000000e+00 : f32
    %add3A_45 = vector.broadcast %add3A_44 : f32 to vector<256x1xf32>
    %add3A_46 = arith.addf %add3A_43, %add3A_45 : vector<256x1xf32>
    %rsqrt3A = math.rsqrt %add3A_46 : vector<256x1xf32>
    %eq3A = arith.constant 0 : i32
    %eq3A_47 = vector.broadcast %eq3A : i32 to vector<256x256xi32>
    %eq3A_48 = arith.cmpi eq, %select_n3A, %eq3A_47 : vector<256x256xi32>
    %broadcast_in_dim3A_49 = vector.shape_cast %rsqrt3A : vector<256x1xf32> to vector<256x1xf32>
    %broadcast_in_dim3A_50 = vector.broadcast %broadcast_in_dim3A_49 : vector<256x1xf32> to vector<256x256xf32>
    %select_n3A_51 = arith.select %eq3A_48, %broadcast_in_dim3A_50, %broadcast_in_dim3A_32 : vector<256x256xi1>, vector<256x256xf32>
    %get3A_52 = arith.constant 0 : index
    %get3A_53 = arith.constant 0 : index
    %get3A_54 = arith.constant 8 : index
    %get3A_55 = vector.load %arg3[%get3A_52, %get3A_53, %get3A_54] : memref<2x256x32xf32, #tpu.memory_space<vmem>>, vector<1x256x1xf32>
    %get3A_56 = vector.shape_cast %get3A_55 : vector<1x256x1xf32> to vector<256x1xf32>
    %get3A_57 = arith.constant 1 : index
    %get3A_58 = arith.constant 0 : index
    %get3A_59 = arith.constant 8 : index
    %get3A_60 = vector.load %arg3[%get3A_57, %get3A_58, %get3A_59] : memref<2x256x32xf32, #tpu.memory_space<vmem>>, vector<1x256x1xf32>
    %get3A_61 = vector.shape_cast %get3A_60 : vector<1x256x1xf32> to vector<256x1xf32>
    %add3A_62 = arith.addf %get3A_56, %get3A_61 : vector<256x1xf32>
    %add3A_63 = arith.constant 1.000000e+00 : f32
    %add3A_64 = vector.broadcast %add3A_63 : f32 to vector<256x1xf32>
    %add3A_65 = arith.addf %add3A_62, %add3A_64 : vector<256x1xf32>
    %rsqrt3A_66 = math.rsqrt %add3A_65 : vector<256x1xf32>
    %eq3A_67 = arith.constant 1 : i32
    %eq3A_68 = vector.broadcast %eq3A_67 : i32 to vector<256x256xi32>
    %eq3A_69 = arith.cmpi eq, %select_n3A, %eq3A_68 : vector<256x256xi32>
    %broadcast_in_dim3A_70 = vector.shape_cast %rsqrt3A_66 : vector<256x1xf32> to vector<256x1xf32>
    %broadcast_in_dim3A_71 = vector.broadcast %broadcast_in_dim3A_70 : vector<256x1xf32> to vector<256x256xf32>
    %select_n3A_72 = arith.select %eq3A_69, %broadcast_in_dim3A_71, %select_n3A_51 : vector<256x256xi1>, vector<256x256xf32>
    %get3A_73 = arith.constant 0 : index
    %get3A_74 = arith.constant 0 : index
    %get3A_75 = arith.constant 16 : index
    %get3A_76 = vector.load %arg3[%get3A_73, %get3A_74, %get3A_75] : memref<2x256x32xf32, #tpu.memory_space<vmem>>, vector<1x256x1xf32>
    %get3A_77 = vector.shape_cast %get3A_76 : vector<1x256x1xf32> to vector<256x1xf32>
    %get3A_78 = arith.constant 1 : index
    %get3A_79 = arith.constant 0 : index
    %get3A_80 = arith.constant 16 : index
    %get3A_81 = vector.load %arg3[%get3A_78, %get3A_79, %get3A_80] : memref<2x256x32xf32, #tpu.memory_space<vmem>>, vector<1x256x1xf32>
    %get3A_82 = vector.shape_cast %get3A_81 : vector<1x256x1xf32> to vector<256x1xf32>
    %add3A_83 = arith.addf %get3A_77, %get3A_82 : vector<256x1xf32>
    %add3A_84 = arith.constant 1.000000e+00 : f32
    %add3A_85 = vector.broadcast %add3A_84 : f32 to vector<256x1xf32>
    %add3A_86 = arith.addf %add3A_83, %add3A_85 : vector<256x1xf32>
    %rsqrt3A_87 = math.rsqrt %add3A_86 : vector<256x1xf32>
    %eq3A_88 = arith.constant 2 : i32
    %eq3A_89 = vector.broadcast %eq3A_88 : i32 to vector<256x256xi32>
    %eq3A_90 = arith.cmpi eq, %select_n3A, %eq3A_89 : vector<256x256xi32>
    %broadcast_in_dim3A_91 = vector.shape_cast %rsqrt3A_87 : vector<256x1xf32> to vector<256x1xf32>
    %broadcast_in_dim3A_92 = vector.broadcast %broadcast_in_dim3A_91 : vector<256x1xf32> to vector<256x256xf32>
    %select_n3A_93 = arith.select %eq3A_90, %broadcast_in_dim3A_92, %select_n3A_72 : vector<256x256xi1>, vector<256x256xf32>
    %get3A_94 = arith.constant 0 : index
    %get3A_95 = arith.constant 0 : index
    %get3A_96 = arith.constant 24 : index
    %get3A_97 = vector.load %arg3[%get3A_94, %get3A_95, %get3A_96] : memref<2x256x32xf32, #tpu.memory_space<vmem>>, vector<1x256x1xf32>
    %get3A_98 = vector.shape_cast %get3A_97 : vector<1x256x1xf32> to vector<256x1xf32>
    %get3A_99 = arith.constant 1 : index
    %get3A_100 = arith.constant 0 : index
    %get3A_101 = arith.constant 24 : index
    %get3A_102 = vector.load %arg3[%get3A_99, %get3A_100, %get3A_101] : memref<2x256x32xf32, #tpu.memory_space<vmem>>, vector<1x256x1xf32>
    %get3A_103 = vector.shape_cast %get3A_102 : vector<1x256x1xf32> to vector<256x1xf32>
    %add3A_104 = arith.addf %get3A_98, %get3A_103 : vector<256x1xf32>
    %add3A_105 = arith.constant 1.000000e+00 : f32
    %add3A_106 = vector.broadcast %add3A_105 : f32 to vector<256x1xf32>
    %add3A_107 = arith.addf %add3A_104, %add3A_106 : vector<256x1xf32>
    %rsqrt3A_108 = math.rsqrt %add3A_107 : vector<256x1xf32>
    %eq3A_109 = arith.constant 3 : i32
    %eq3A_110 = vector.broadcast %eq3A_109 : i32 to vector<256x256xi32>
    %eq3A_111 = arith.cmpi eq, %select_n3A, %eq3A_110 : vector<256x256xi32>
    %broadcast_in_dim3A_112 = vector.shape_cast %rsqrt3A_108 : vector<256x1xf32> to vector<256x1xf32>
    %broadcast_in_dim3A_113 = vector.broadcast %broadcast_in_dim3A_112 : vector<256x1xf32> to vector<256x256xf32>
    %select_n3A_114 = arith.select %eq3A_111, %broadcast_in_dim3A_113, %select_n3A_93 : vector<256x256xi1>, vector<256x256xf32>
    %get3A_115 = arith.constant 0 : index
    %get3A_116 = arith.constant 0 : index
    %get3A_117 = vector.load %arg2[%get3A_115, %get3A_116] : memref<256x256xf32, #tpu.memory_space<vmem>>, vector<256x256xf32>
    %add3A_118 = arith.addf %add3A, %get3A_117 : vector<256x256xf32>
    %mul3A = arith.mulf %select_n3A_114, %add3A_118 : vector<256x256xf32>
    %get3A_119 = arith.constant 0 : index
    %get3A_120 = arith.constant 0 : index
    %get3A_121 = vector.load %arg5[%get3A_119, %get3A_120] : memref<1x256xf32, #tpu.memory_space<vmem>>, vector<1x256xf32>
    %add3A_122 = vector.broadcast %get3A_121 : vector<1x256xf32> to vector<256x256xf32>
    %add3A_123 = arith.addf %mul3A, %add3A_122 : vector<256x256xf32>
    %max3A = arith.constant 0.000000e+00 : f32
    %max3A_124 = vector.broadcast %max3A : f32 to vector<256x256xf32>
    %max3A_125 = arith.maximumf %add3A_123, %max3A_124 : vector<256x256xf32>
    %get3A_126 = arith.constant 0 : index
    %get3A_127 = arith.constant 0 : index
    %get3A_128 = vector.load %arg4[%get3A_126, %get3A_127] : memref<256x128xf32, #tpu.memory_space<vmem>>, vector<256x128xf32>
    %dot_general3A = arith.constant dense<0.000000e+00> : vector<256x128xf32>
    %dot_general3A_129 = tpu.matmul %max3A_125, %get3A_128, %dot_general3A {dimension_numbers = #tpu.dot_dimension_numbers<[1], [0], [0], [1], [0, 0, 1, 1], [], []>, transpose_lhs_hint = false} : vector<256x256xf32>, vector<256x128xf32>, vector<256x128xf32> -> vector<256x128xf32>
    %iota3A_130 = tpu.iota {dimensions = array<i32: 1>} : vector<256x128xi32>
    %jit3A_131 = arith.constant 32 : i32
    %div3A_132 = vector.broadcast %jit3A_131 : i32 to vector<256x128xi32>
    %div3A_133 = arith.divsi %iota3A_130, %div3A_132 : vector<256x128xi32>
    %sign3A_134 = arith.constant 0 : i32
    %sign3A_135 = vector.broadcast %sign3A_134 : i32 to vector<256x128xi32>
    %sign3A_136 = arith.cmpi sgt, %iota3A_130, %sign3A_135 : vector<256x128xi32>
    %sign3A_137 = arith.extui %sign3A_136 : vector<256x128xi1> to vector<256x128xi32>
    %sign3A_138 = arith.constant 0 : i32
    %sign3A_139 = vector.broadcast %sign3A_138 : i32 to vector<256x128xi32>
    %sign3A_140 = arith.cmpi slt, %iota3A_130, %sign3A_139 : vector<256x128xi32>
    %sign3A_141 = arith.extui %sign3A_140 : vector<256x128xi1> to vector<256x128xi32>
    %sign3A_142 = arith.subi %sign3A_137, %sign3A_141 : vector<256x128xi32>
    %sign3A_143 = arith.constant 0 : i32
    %sign3A_144 = arith.cmpi sgt, %jit3A_131, %sign3A_143 : i32
    %sign3A_145 = arith.extui %sign3A_144 : i1 to i32
    %sign3A_146 = arith.constant 0 : i32
    %sign3A_147 = arith.cmpi slt, %jit3A_131, %sign3A_146 : i32
    %sign3A_148 = arith.extui %sign3A_147 : i1 to i32
    %sign3A_149 = arith.subi %sign3A_145, %sign3A_148 : i32
    %ne3A_150 = vector.broadcast %sign3A_149 : i32 to vector<256x128xi32>
    %ne3A_151 = arith.cmpi ne, %sign3A_142, %ne3A_150 : vector<256x128xi32>
    %rem3A_152 = vector.broadcast %jit3A_131 : i32 to vector<256x128xi32>
    %rem3A_153 = arith.remsi %iota3A_130, %rem3A_152 : vector<256x128xi32>
    %ne3A_154 = arith.constant 0 : i32
    %ne3A_155 = vector.broadcast %ne3A_154 : i32 to vector<256x128xi32>
    %ne3A_156 = arith.cmpi ne, %rem3A_153, %ne3A_155 : vector<256x128xi32>
    %and3A_157 = arith.andi %ne3A_151, %ne3A_156 : vector<256x128xi1>
    %sub3A_158 = arith.constant 1 : i32
    %sub3A_159 = vector.broadcast %sub3A_158 : i32 to vector<256x128xi32>
    %sub3A_160 = arith.subi %div3A_133, %sub3A_159 : vector<256x128xi32>
    %select_n3A_161 = arith.select %and3A_157, %sub3A_160, %div3A_133 : vector<256x128xi1>, vector<256x128xi32>
    %broadcast_in_dim3A_162 = arith.constant 0.000000e+00 : f32
    %broadcast_in_dim3A_163 = vector.broadcast %broadcast_in_dim3A_162 : f32 to vector<256x128xf32>
    %get3A_164 = arith.constant 0 : index
    %get3A_165 = arith.constant 0 : index
    %get3A_166 = arith.constant 0 : index
    %get3A_167 = vector.load %arg3[%get3A_164, %get3A_165, %get3A_166] : memref<2x256x32xf32, #tpu.memory_space<vmem>>, vector<1x256x1xf32>
    %get3A_168 = vector.shape_cast %get3A_167 : vector<1x256x1xf32> to vector<256x1xf32>
    %get3A_169 = arith.constant 1 : index
    %get3A_170 = arith.constant 0 : index
    %get3A_171 = arith.constant 0 : index
    %get3A_172 = vector.load %arg3[%get3A_169, %get3A_170, %get3A_171] : memref<2x256x32xf32, #tpu.memory_space<vmem>>, vector<1x256x1xf32>
    %get3A_173 = vector.shape_cast %get3A_172 : vector<1x256x1xf32> to vector<256x1xf32>
    %add3A_174 = arith.addf %get3A_168, %get3A_173 : vector<256x1xf32>
    %add3A_175 = arith.constant 1.000000e+00 : f32
    %add3A_176 = vector.broadcast %add3A_175 : f32 to vector<256x1xf32>
    %add3A_177 = arith.addf %add3A_174, %add3A_176 : vector<256x1xf32>
    %rsqrt3A_178 = math.rsqrt %add3A_177 : vector<256x1xf32>
    %eq3A_179 = arith.constant 0 : i32
    %eq3A_180 = vector.broadcast %eq3A_179 : i32 to vector<256x128xi32>
    %eq3A_181 = arith.cmpi eq, %select_n3A_161, %eq3A_180 : vector<256x128xi32>
    %broadcast_in_dim3A_182 = vector.shape_cast %rsqrt3A_178 : vector<256x1xf32> to vector<256x1xf32>
    %broadcast_in_dim3A_183 = vector.broadcast %broadcast_in_dim3A_182 : vector<256x1xf32> to vector<256x128xf32>
    %select_n3A_184 = arith.select %eq3A_181, %broadcast_in_dim3A_183, %broadcast_in_dim3A_163 : vector<256x128xi1>, vector<256x128xf32>
    %get3A_185 = arith.constant 0 : index
    %get3A_186 = arith.constant 0 : index
    %get3A_187 = arith.constant 8 : index
    %get3A_188 = vector.load %arg3[%get3A_185, %get3A_186, %get3A_187] : memref<2x256x32xf32, #tpu.memory_space<vmem>>, vector<1x256x1xf32>
    %get3A_189 = vector.shape_cast %get3A_188 : vector<1x256x1xf32> to vector<256x1xf32>
    %get3A_190 = arith.constant 1 : index
    %get3A_191 = arith.constant 0 : index
    %get3A_192 = arith.constant 8 : index
    %get3A_193 = vector.load %arg3[%get3A_190, %get3A_191, %get3A_192] : memref<2x256x32xf32, #tpu.memory_space<vmem>>, vector<1x256x1xf32>
    %get3A_194 = vector.shape_cast %get3A_193 : vector<1x256x1xf32> to vector<256x1xf32>
    %add3A_195 = arith.addf %get3A_189, %get3A_194 : vector<256x1xf32>
    %add3A_196 = arith.constant 1.000000e+00 : f32
    %add3A_197 = vector.broadcast %add3A_196 : f32 to vector<256x1xf32>
    %add3A_198 = arith.addf %add3A_195, %add3A_197 : vector<256x1xf32>
    %rsqrt3A_199 = math.rsqrt %add3A_198 : vector<256x1xf32>
    %eq3A_200 = arith.constant 1 : i32
    %eq3A_201 = vector.broadcast %eq3A_200 : i32 to vector<256x128xi32>
    %eq3A_202 = arith.cmpi eq, %select_n3A_161, %eq3A_201 : vector<256x128xi32>
    %broadcast_in_dim3A_203 = vector.shape_cast %rsqrt3A_199 : vector<256x1xf32> to vector<256x1xf32>
    %broadcast_in_dim3A_204 = vector.broadcast %broadcast_in_dim3A_203 : vector<256x1xf32> to vector<256x128xf32>
    %select_n3A_205 = arith.select %eq3A_202, %broadcast_in_dim3A_204, %select_n3A_184 : vector<256x128xi1>, vector<256x128xf32>
    %get3A_206 = arith.constant 0 : index
    %get3A_207 = arith.constant 0 : index
    %get3A_208 = arith.constant 16 : index
    %get3A_209 = vector.load %arg3[%get3A_206, %get3A_207, %get3A_208] : memref<2x256x32xf32, #tpu.memory_space<vmem>>, vector<1x256x1xf32>
    %get3A_210 = vector.shape_cast %get3A_209 : vector<1x256x1xf32> to vector<256x1xf32>
    %get3A_211 = arith.constant 1 : index
    %get3A_212 = arith.constant 0 : index
    %get3A_213 = arith.constant 16 : index
    %get3A_214 = vector.load %arg3[%get3A_211, %get3A_212, %get3A_213] : memref<2x256x32xf32, #tpu.memory_space<vmem>>, vector<1x256x1xf32>
    %get3A_215 = vector.shape_cast %get3A_214 : vector<1x256x1xf32> to vector<256x1xf32>
    %add3A_216 = arith.addf %get3A_210, %get3A_215 : vector<256x1xf32>
    %add3A_217 = arith.constant 1.000000e+00 : f32
    %add3A_218 = vector.broadcast %add3A_217 : f32 to vector<256x1xf32>
    %add3A_219 = arith.addf %add3A_216, %add3A_218 : vector<256x1xf32>
    %rsqrt3A_220 = math.rsqrt %add3A_219 : vector<256x1xf32>
    %eq3A_221 = arith.constant 2 : i32
    %eq3A_222 = vector.broadcast %eq3A_221 : i32 to vector<256x128xi32>
    %eq3A_223 = arith.cmpi eq, %select_n3A_161, %eq3A_222 : vector<256x128xi32>
    %broadcast_in_dim3A_224 = vector.shape_cast %rsqrt3A_220 : vector<256x1xf32> to vector<256x1xf32>
    %broadcast_in_dim3A_225 = vector.broadcast %broadcast_in_dim3A_224 : vector<256x1xf32> to vector<256x128xf32>
    %select_n3A_226 = arith.select %eq3A_223, %broadcast_in_dim3A_225, %select_n3A_205 : vector<256x128xi1>, vector<256x128xf32>
    %get3A_227 = arith.constant 0 : index
    %get3A_228 = arith.constant 0 : index
    %get3A_229 = arith.constant 24 : index
    %get3A_230 = vector.load %arg3[%get3A_227, %get3A_228, %get3A_229] : memref<2x256x32xf32, #tpu.memory_space<vmem>>, vector<1x256x1xf32>
    %get3A_231 = vector.shape_cast %get3A_230 : vector<1x256x1xf32> to vector<256x1xf32>
    %get3A_232 = arith.constant 1 : index
    %get3A_233 = arith.constant 0 : index
    %get3A_234 = arith.constant 24 : index
    %get3A_235 = vector.load %arg3[%get3A_232, %get3A_233, %get3A_234] : memref<2x256x32xf32, #tpu.memory_space<vmem>>, vector<1x256x1xf32>
    %get3A_236 = vector.shape_cast %get3A_235 : vector<1x256x1xf32> to vector<256x1xf32>
    %add3A_237 = arith.addf %get3A_231, %get3A_236 : vector<256x1xf32>
    %add3A_238 = arith.constant 1.000000e+00 : f32
    %add3A_239 = vector.broadcast %add3A_238 : f32 to vector<256x1xf32>
    %add3A_240 = arith.addf %add3A_237, %add3A_239 : vector<256x1xf32>
    %rsqrt3A_241 = math.rsqrt %add3A_240 : vector<256x1xf32>
    %eq3A_242 = arith.constant 3 : i32
    %eq3A_243 = vector.broadcast %eq3A_242 : i32 to vector<256x128xi32>
    %eq3A_244 = arith.cmpi eq, %select_n3A_161, %eq3A_243 : vector<256x128xi32>
    %broadcast_in_dim3A_245 = vector.shape_cast %rsqrt3A_241 : vector<256x1xf32> to vector<256x1xf32>
    %broadcast_in_dim3A_246 = vector.broadcast %broadcast_in_dim3A_245 : vector<256x1xf32> to vector<256x128xf32>
    %select_n3A_247 = arith.select %eq3A_244, %broadcast_in_dim3A_246, %select_n3A_226 : vector<256x128xi1>, vector<256x128xf32>
    %mul3A_248 = arith.mulf %dot_general3A_129, %select_n3A_247 : vector<256x128xf32>
    %swap3A = arith.constant 0 : index
    %swap3A_249 = arith.constant 0 : index
    %swap3A_250 = vector.load %arg6[%swap3A, %swap3A_249] : memref<256x128xf32, #tpu.memory_space<vmem>>, vector<256x128xf32>
    tpu.vector_store %arg6[%swap3A, %swap3A_249], %mul3A_248 {strides = array<i32>} : memref<256x128xf32, #tpu.memory_space<vmem>>, vector<256x128xf32>,
    return
  }
  func.func @transform_0(%arg0: i32) -> (i32, i32, i32) {
    %c0_i32 = arith.constant 0 : i32
    %c0_i32_0 = arith.constant 0 : i32
    %c0_i32_1 = arith.constant 0 : i32
    return %c0_i32, %arg0, %c0_i32_0 : i32, i32, i32
  }
  func.func @transform_1(%arg0: i32) -> (i32, i32) {
    %c0_i32 = arith.constant 0 : i32
    %c0_i32_0 = arith.constant 0 : i32
    return %arg0, %c0_i32 : i32, i32
  }
  func.func @transform_2(%arg0: i32) -> (i32, i32, i32) {
    %c0_i32 = arith.constant 0 : i32
    %c0_i32_0 = arith.constant 0 : i32
    %c0_i32_1 = arith.constant 0 : i32
    return %c0_i32, %arg0, %c0_i32_0 : i32, i32, i32
  }
  func.func @transform_3(%arg0: i32) -> (i32, i32) {
    %c0_i32 = arith.constant 0 : i32
    %c0_i32_0 = arith.constant 0 : i32
    %c0_i32_1 = arith.constant 0 : i32
    return %c0_i32, %c0_i32_0 : i32, i32
  }
  func.func @transform_4(%arg0: i32) -> (i32, i32) {
    %c0_i32 = arith.constant 0 : i32
    %c0_i32_0 = arith.constant 0 : i32
    %c0_i32_1 = arith.constant 0 : i32
    return %c0_i32, %c0_i32_0 : i32, i32
  }
  func.func @transform_5(%arg0: i32) -> (i32, i32) {
    %c0_i32 = arith.constant 0 : i32
    %c0_i32_0 = arith.constant 0 : i32
    return %arg0, %c0_i32 : i32, i32
  }
}

module attributes {stable_mosaic.version = 14 : i64} {
  func.func @_fin_body(%arg0: i32, %arg1: memref<2x256x128xf32, #tpu.memory_space<vmem>>, %arg2: memref<256x128xf32, #tpu.memory_space<vmem>>, %arg3: memref<2x256x32xf32, #tpu.memory_space<vmem>>, %arg4: memref<128x4xf32, #tpu.memory_space<vmem>>, %arg5: memref<1x128xf32, #tpu.memory_space<vmem>>, %arg6: memref<1x1xf32, #tpu.memory_space<vmem>>, %arg7: memref<256x4xf32, #tpu.memory_space<vmem>>) attributes {dimension_semantics = [#tpu.dimension_semantics<arbitrary>], iteration_bounds = array<i64: 10>, scalar_prefetch = 0 : i64, scratch_operands = 0 : i64, tpu.core_type = #tpu.core_type<tc>, window_params = [{transform_indices = @transform_0, window_bounds = array<i64: 2, 256, 128>}, {transform_indices = @transform_1, window_bounds = array<i64: 256, 128>}, {transform_indices = @transform_2, window_bounds = array<i64: 2, 256, 32>}, {pipeline_mode = #tpu.pipeline_mode<synchronous>, transform_indices = @transform_3, window_bounds = array<i64: 128, 4>}, {pipeline_mode = #tpu.pipeline_mode<synchronous>, transform_indices = @transform_4, window_bounds = array<i64: 1, 128>}, {pipeline_mode = #tpu.pipeline_mode<synchronous>, transform_indices = @transform_5, window_bounds = array<i64: 1, 1>}, {transform_indices = @transform_6, window_bounds = array<i64: 256, 4>}]} {
    %get3A = arith.constant 0 : index
    %get3A_0 = arith.constant 0 : index
    %get3A_1 = arith.constant 0 : index
    %get3A_2 = vector.load %arg1[%get3A, %get3A_0, %get3A_1] : memref<2x256x128xf32, #tpu.memory_space<vmem>>, vector<1x256x128xf32>
    %get3A_3 = vector.shape_cast %get3A_2 : vector<1x256x128xf32> to vector<256x128xf32>
    %get3A_4 = arith.constant 1 : index
    %get3A_5 = arith.constant 0 : index
    %get3A_6 = arith.constant 0 : index
    %get3A_7 = vector.load %arg1[%get3A_4, %get3A_5, %get3A_6] : memref<2x256x128xf32, #tpu.memory_space<vmem>>, vector<1x256x128xf32>
    %get3A_8 = vector.shape_cast %get3A_7 : vector<1x256x128xf32> to vector<256x128xf32>
    %add3A = arith.addf %get3A_3, %get3A_8 : vector<256x128xf32>
    %iota3A = tpu.iota {dimensions = array<i32: 1>} : vector<256x128xi32>
    %jit3A = arith.constant 32 : i32
    %div3A = vector.broadcast %jit3A : i32 to vector<256x128xi32>
    %div3A_9 = arith.divsi %iota3A, %div3A : vector<256x128xi32>
    %sign3A = arith.constant 0 : i32
    %sign3A_10 = vector.broadcast %sign3A : i32 to vector<256x128xi32>
    %sign3A_11 = arith.cmpi sgt, %iota3A, %sign3A_10 : vector<256x128xi32>
    %sign3A_12 = arith.extui %sign3A_11 : vector<256x128xi1> to vector<256x128xi32>
    %sign3A_13 = arith.constant 0 : i32
    %sign3A_14 = vector.broadcast %sign3A_13 : i32 to vector<256x128xi32>
    %sign3A_15 = arith.cmpi slt, %iota3A, %sign3A_14 : vector<256x128xi32>
    %sign3A_16 = arith.extui %sign3A_15 : vector<256x128xi1> to vector<256x128xi32>
    %sign3A_17 = arith.subi %sign3A_12, %sign3A_16 : vector<256x128xi32>
    %sign3A_18 = arith.constant 0 : i32
    %sign3A_19 = arith.cmpi sgt, %jit3A, %sign3A_18 : i32
    %sign3A_20 = arith.extui %sign3A_19 : i1 to i32
    %sign3A_21 = arith.constant 0 : i32
    %sign3A_22 = arith.cmpi slt, %jit3A, %sign3A_21 : i32
    %sign3A_23 = arith.extui %sign3A_22 : i1 to i32
    %sign3A_24 = arith.subi %sign3A_20, %sign3A_23 : i32
    %ne3A = vector.broadcast %sign3A_24 : i32 to vector<256x128xi32>
    %ne3A_25 = arith.cmpi ne, %sign3A_17, %ne3A : vector<256x128xi32>
    %rem3A = vector.broadcast %jit3A : i32 to vector<256x128xi32>
    %rem3A_26 = arith.remsi %iota3A, %rem3A : vector<256x128xi32>
    %ne3A_27 = arith.constant 0 : i32
    %ne3A_28 = vector.broadcast %ne3A_27 : i32 to vector<256x128xi32>
    %ne3A_29 = arith.cmpi ne, %rem3A_26, %ne3A_28 : vector<256x128xi32>
    %and3A = arith.andi %ne3A_25, %ne3A_29 : vector<256x128xi1>
    %sub3A = arith.constant 1 : i32
    %sub3A_30 = vector.broadcast %sub3A : i32 to vector<256x128xi32>
    %sub3A_31 = arith.subi %div3A_9, %sub3A_30 : vector<256x128xi32>
    %select_n3A = arith.select %and3A, %sub3A_31, %div3A_9 : vector<256x128xi1>, vector<256x128xi32>
    %broadcast_in_dim3A = arith.constant 0.000000e+00 : f32
    %broadcast_in_dim3A_32 = vector.broadcast %broadcast_in_dim3A : f32 to vector<256x128xf32>
    %get3A_33 = arith.constant 0 : index
    %get3A_34 = arith.constant 0 : index
    %get3A_35 = arith.constant 0 : index
    %get3A_36 = vector.load %arg3[%get3A_33, %get3A_34, %get3A_35] : memref<2x256x32xf32, #tpu.memory_space<vmem>>, vector<1x256x1xf32>
    %get3A_37 = vector.shape_cast %get3A_36 : vector<1x256x1xf32> to vector<256x1xf32>
    %get3A_38 = arith.constant 1 : index
    %get3A_39 = arith.constant 0 : index
    %get3A_40 = arith.constant 0 : index
    %get3A_41 = vector.load %arg3[%get3A_38, %get3A_39, %get3A_40] : memref<2x256x32xf32, #tpu.memory_space<vmem>>, vector<1x256x1xf32>
    %get3A_42 = vector.shape_cast %get3A_41 : vector<1x256x1xf32> to vector<256x1xf32>
    %add3A_43 = arith.addf %get3A_37, %get3A_42 : vector<256x1xf32>
    %add3A_44 = arith.constant 1.000000e+00 : f32
    %add3A_45 = vector.broadcast %add3A_44 : f32 to vector<256x1xf32>
    %add3A_46 = arith.addf %add3A_43, %add3A_45 : vector<256x1xf32>
    %rsqrt3A = math.rsqrt %add3A_46 : vector<256x1xf32>
    %eq3A = arith.constant 0 : i32
    %eq3A_47 = vector.broadcast %eq3A : i32 to vector<256x128xi32>
    %eq3A_48 = arith.cmpi eq, %select_n3A, %eq3A_47 : vector<256x128xi32>
    %broadcast_in_dim3A_49 = vector.shape_cast %rsqrt3A : vector<256x1xf32> to vector<256x1xf32>
    %broadcast_in_dim3A_50 = vector.broadcast %broadcast_in_dim3A_49 : vector<256x1xf32> to vector<256x128xf32>
    %select_n3A_51 = arith.select %eq3A_48, %broadcast_in_dim3A_50, %broadcast_in_dim3A_32 : vector<256x128xi1>, vector<256x128xf32>
    %get3A_52 = arith.constant 0 : index
    %get3A_53 = arith.constant 0 : index
    %get3A_54 = arith.constant 8 : index
    %get3A_55 = vector.load %arg3[%get3A_52, %get3A_53, %get3A_54] : memref<2x256x32xf32, #tpu.memory_space<vmem>>, vector<1x256x1xf32>
    %get3A_56 = vector.shape_cast %get3A_55 : vector<1x256x1xf32> to vector<256x1xf32>
    %get3A_57 = arith.constant 1 : index
    %get3A_58 = arith.constant 0 : index
    %get3A_59 = arith.constant 8 : index
    %get3A_60 = vector.load %arg3[%get3A_57, %get3A_58, %get3A_59] : memref<2x256x32xf32, #tpu.memory_space<vmem>>, vector<1x256x1xf32>
    %get3A_61 = vector.shape_cast %get3A_60 : vector<1x256x1xf32> to vector<256x1xf32>
    %add3A_62 = arith.addf %get3A_56, %get3A_61 : vector<256x1xf32>
    %add3A_63 = arith.constant 1.000000e+00 : f32
    %add3A_64 = vector.broadcast %add3A_63 : f32 to vector<256x1xf32>
    %add3A_65 = arith.addf %add3A_62, %add3A_64 : vector<256x1xf32>
    %rsqrt3A_66 = math.rsqrt %add3A_65 : vector<256x1xf32>
    %eq3A_67 = arith.constant 1 : i32
    %eq3A_68 = vector.broadcast %eq3A_67 : i32 to vector<256x128xi32>
    %eq3A_69 = arith.cmpi eq, %select_n3A, %eq3A_68 : vector<256x128xi32>
    %broadcast_in_dim3A_70 = vector.shape_cast %rsqrt3A_66 : vector<256x1xf32> to vector<256x1xf32>
    %broadcast_in_dim3A_71 = vector.broadcast %broadcast_in_dim3A_70 : vector<256x1xf32> to vector<256x128xf32>
    %select_n3A_72 = arith.select %eq3A_69, %broadcast_in_dim3A_71, %select_n3A_51 : vector<256x128xi1>, vector<256x128xf32>
    %get3A_73 = arith.constant 0 : index
    %get3A_74 = arith.constant 0 : index
    %get3A_75 = arith.constant 16 : index
    %get3A_76 = vector.load %arg3[%get3A_73, %get3A_74, %get3A_75] : memref<2x256x32xf32, #tpu.memory_space<vmem>>, vector<1x256x1xf32>
    %get3A_77 = vector.shape_cast %get3A_76 : vector<1x256x1xf32> to vector<256x1xf32>
    %get3A_78 = arith.constant 1 : index
    %get3A_79 = arith.constant 0 : index
    %get3A_80 = arith.constant 16 : index
    %get3A_81 = vector.load %arg3[%get3A_78, %get3A_79, %get3A_80] : memref<2x256x32xf32, #tpu.memory_space<vmem>>, vector<1x256x1xf32>
    %get3A_82 = vector.shape_cast %get3A_81 : vector<1x256x1xf32> to vector<256x1xf32>
    %add3A_83 = arith.addf %get3A_77, %get3A_82 : vector<256x1xf32>
    %add3A_84 = arith.constant 1.000000e+00 : f32
    %add3A_85 = vector.broadcast %add3A_84 : f32 to vector<256x1xf32>
    %add3A_86 = arith.addf %add3A_83, %add3A_85 : vector<256x1xf32>
    %rsqrt3A_87 = math.rsqrt %add3A_86 : vector<256x1xf32>
    %eq3A_88 = arith.constant 2 : i32
    %eq3A_89 = vector.broadcast %eq3A_88 : i32 to vector<256x128xi32>
    %eq3A_90 = arith.cmpi eq, %select_n3A, %eq3A_89 : vector<256x128xi32>
    %broadcast_in_dim3A_91 = vector.shape_cast %rsqrt3A_87 : vector<256x1xf32> to vector<256x1xf32>
    %broadcast_in_dim3A_92 = vector.broadcast %broadcast_in_dim3A_91 : vector<256x1xf32> to vector<256x128xf32>
    %select_n3A_93 = arith.select %eq3A_90, %broadcast_in_dim3A_92, %select_n3A_72 : vector<256x128xi1>, vector<256x128xf32>
    %get3A_94 = arith.constant 0 : index
    %get3A_95 = arith.constant 0 : index
    %get3A_96 = arith.constant 24 : index
    %get3A_97 = vector.load %arg3[%get3A_94, %get3A_95, %get3A_96] : memref<2x256x32xf32, #tpu.memory_space<vmem>>, vector<1x256x1xf32>
    %get3A_98 = vector.shape_cast %get3A_97 : vector<1x256x1xf32> to vector<256x1xf32>
    %get3A_99 = arith.constant 1 : index
    %get3A_100 = arith.constant 0 : index
    %get3A_101 = arith.constant 24 : index
    %get3A_102 = vector.load %arg3[%get3A_99, %get3A_100, %get3A_101] : memref<2x256x32xf32, #tpu.memory_space<vmem>>, vector<1x256x1xf32>
    %get3A_103 = vector.shape_cast %get3A_102 : vector<1x256x1xf32> to vector<256x1xf32>
    %add3A_104 = arith.addf %get3A_98, %get3A_103 : vector<256x1xf32>
    %add3A_105 = arith.constant 1.000000e+00 : f32
    %add3A_106 = vector.broadcast %add3A_105 : f32 to vector<256x1xf32>
    %add3A_107 = arith.addf %add3A_104, %add3A_106 : vector<256x1xf32>
    %rsqrt3A_108 = math.rsqrt %add3A_107 : vector<256x1xf32>
    %eq3A_109 = arith.constant 3 : i32
    %eq3A_110 = vector.broadcast %eq3A_109 : i32 to vector<256x128xi32>
    %eq3A_111 = arith.cmpi eq, %select_n3A, %eq3A_110 : vector<256x128xi32>
    %broadcast_in_dim3A_112 = vector.shape_cast %rsqrt3A_108 : vector<256x1xf32> to vector<256x1xf32>
    %broadcast_in_dim3A_113 = vector.broadcast %broadcast_in_dim3A_112 : vector<256x1xf32> to vector<256x128xf32>
    %select_n3A_114 = arith.select %eq3A_111, %broadcast_in_dim3A_113, %select_n3A_93 : vector<256x128xi1>, vector<256x128xf32>
    %get3A_115 = arith.constant 0 : index
    %get3A_116 = arith.constant 0 : index
    %get3A_117 = vector.load %arg2[%get3A_115, %get3A_116] : memref<256x128xf32, #tpu.memory_space<vmem>>, vector<256x128xf32>
    %add3A_118 = arith.addf %add3A, %get3A_117 : vector<256x128xf32>
    %mul3A = arith.mulf %select_n3A_114, %add3A_118 : vector<256x128xf32>
    %get3A_119 = arith.constant 0 : index
    %get3A_120 = arith.constant 0 : index
    %get3A_121 = vector.load %arg5[%get3A_119, %get3A_120] : memref<1x128xf32, #tpu.memory_space<vmem>>, vector<1x128xf32>
    %add3A_122 = vector.broadcast %get3A_121 : vector<1x128xf32> to vector<256x128xf32>
    %add3A_123 = arith.addf %mul3A, %add3A_122 : vector<256x128xf32>
    %max3A = arith.constant 0.000000e+00 : f32
    %max3A_124 = vector.broadcast %max3A : f32 to vector<256x128xf32>
    %max3A_125 = arith.maximumf %add3A_123, %max3A_124 : vector<256x128xf32>
    %get3A_126 = arith.constant 0 : index
    %get3A_127 = arith.constant 0 : index
    %get3A_128 = vector.load %arg4[%get3A_126, %get3A_127] : memref<128x4xf32, #tpu.memory_space<vmem>>, vector<128x4xf32>
    %dot_general3A = arith.constant dense<0.000000e+00> : vector<256x4xf32>
    %dot_general3A_129 = tpu.matmul %max3A_125, %get3A_128, %dot_general3A {dimension_numbers = #tpu.dot_dimension_numbers<[1], [0], [0], [1], [0, 0, 1, 1], [], []>, transpose_lhs_hint = false} : vector<256x128xf32>, vector<128x4xf32>, vector<256x4xf32> -> vector<256x4xf32>
    %get3A_130 = arith.constant 0 : index
    %get3A_131 = arith.constant 0 : index
    %get3A_132 = vector.load %arg6[%get3A_130, %get3A_131] : memref<1x1xf32, #tpu.memory_space<vmem>>, vector<1x1xf32>
    %add3A_133 = vector.broadcast %get3A_132 : vector<1x1xf32> to vector<256x4xf32>
    %add3A_134 = arith.addf %dot_general3A_129, %add3A_133 : vector<256x4xf32>
    %logistic3A = arith.negf %add3A_134 : vector<256x4xf32>
    %logistic3A_135 = math.exp %logistic3A : vector<256x4xf32>
    %logistic3A_136 = arith.constant 1.000000e+00 : f32
    %logistic3A_137 = vector.broadcast %logistic3A_136 : f32 to vector<256x4xf32>
    %logistic3A_138 = arith.addf %logistic3A_137, %logistic3A_135 : vector<256x4xf32>
    %logistic3A_139 = arith.divf %logistic3A_137, %logistic3A_138 : vector<256x4xf32>
    %swap3A = arith.constant 0 : index
    %swap3A_140 = arith.constant 0 : index
    %swap3A_141 = vector.load %arg7[%swap3A, %swap3A_140] : memref<256x4xf32, #tpu.memory_space<vmem>>, vector<256x4xf32>
    tpu.vector_store %arg7[%swap3A, %swap3A_140], %logistic3A_139 {strides = array<i32>} : memref<256x4xf32, #tpu.memory_space<vmem>>, vector<256x4xf32>,
    return
  }
  func.func @transform_0(%arg0: i32) -> (i32, i32, i32) {
    %c0_i32 = arith.constant 0 : i32
    %c0_i32_0 = arith.constant 0 : i32
    %c0_i32_1 = arith.constant 0 : i32
    return %c0_i32, %arg0, %c0_i32_0 : i32, i32, i32
  }
  func.func @transform_1(%arg0: i32) -> (i32, i32) {
    %c0_i32 = arith.constant 0 : i32
    %c0_i32_0 = arith.constant 0 : i32
    return %arg0, %c0_i32 : i32, i32
  }
  func.func @transform_2(%arg0: i32) -> (i32, i32, i32) {
    %c0_i32 = arith.constant 0 : i32
    %c0_i32_0 = arith.constant 0 : i32
    %c0_i32_1 = arith.constant 0 : i32
    return %c0_i32, %arg0, %c0_i32_0 : i32, i32, i32
  }
  func.func @transform_3(%arg0: i32) -> (i32, i32) {
    %c0_i32 = arith.constant 0 : i32
    %c0_i32_0 = arith.constant 0 : i32
    %c0_i32_1 = arith.constant 0 : i32
    return %c0_i32, %c0_i32_0 : i32, i32
  }
  func.func @transform_4(%arg0: i32) -> (i32, i32) {
    %c0_i32 = arith.constant 0 : i32
    %c0_i32_0 = arith.constant 0 : i32
    %c0_i32_1 = arith.constant 0 : i32
    return %c0_i32, %c0_i32_0 : i32, i32
  }
  func.func @transform_5(%arg0: i32) -> (i32, i32) {
    %c0_i32 = arith.constant 0 : i32
    %c0_i32_0 = arith.constant 0 : i32
    %c0_i32_1 = arith.constant 0 : i32
    return %c0_i32, %c0_i32_0 : i32, i32
  }
  func.func @transform_6(%arg0: i32) -> (i32, i32) {
    %c0_i32 = arith.constant 0 : i32
    %c0_i32_0 = arith.constant 0 : i32
    return %arg0, %c0_i32 : i32, i32
  }
}

</mosaic_0001>

<sc_bundles>
// kernel: kernel.12.cloned.1.call-start
scs
__scs_entry_jumppad:
0x0: {  	(pc) =	sbr.rel $0x88, $3  }
0x1: {  	(tag) =	ssettag $0x0;
	lr =	simm.s32 $0x1  }
0x2: {  	[smem:$0x3F99] =	sst lr;
	_ =	strace $0xD0000000  }
0x3: {  	_ = 	snop  }
0x4: {  	_ = 	snop  }
0x5: {  	_ = 	snop  }
0x6: {  	_ = 	snop  }
0x7: {  	_ = 	snop  }
__scs_overlays_trampoline_lowered:
0x8: {  	[smem:$0x3FA8] =	sst s0  }
0x9: {  	[smem:$0x3FA9] =	sst s1  }
0xa: {  	[smem:$0x3FAA] =	sst s2  }
0xb: {  	[smem:$0x3FAB] =	sst s3  }
0xc: {  	[smem:$0x3FAC] =	sst s4  }
0xd: {  	[smem:$0x3FAD] =	sst s5  }
0xe: {  	[smem:$0x3FAE] =	sst s6  }
0xf: {  	[smem:$0x3FAF] =	sst s7  }
0x10: {  	[smem:$0x3FB0] =	sst s8  }
0x11: {  	[smem:$0x3FB1] =	sst s9;
	s0 =	simm.s32 @!p0 $0x0  }
0x12: {  	s1 =	sld [smem:$0x3F97];
	s0 =	simm.s32 @p0 $0x1  }
0x13: {  	[smem:$0x3FB2] =	sst s0;
	s0 =	simm.s32 @!p1 $0x0  }
0x14: {  	s2 =	sld [smem:$0x3F96];
	s0 =	simm.s32 @p1 $0x1  }
0x15: {  	[smem:$0x3FB3] =	sst s0;
	s0 =	simm.s32 @!p2 $0x0  }
0x16: {  	s3 =	sld [smem:$0x3FDB];
	s0 =	simm.s32 @p2 $0x1  }
0x17: {  	s4 =	simm.s32 $0x1BF5;
	[smem:$0x3FB5] =	sst s0  }
0x18: {  	s0 =	sld [smem:$0x3F98];
	_ =	swait.ge [sflag:s4], $0x0  }
0x19: {  	s7 =	sld [smem:$0x3F99]  }
0x1a: {  	s8 =	sadd.s32 $0xFFFFE003, lr  }
0x1b: {  	s9 =	sadd.s32 $0xFFFFFEF7, lr;
	s5 =	simm.s32 $0xFFFFFFFF;
	p2 =	slt.u32 s8, $0xFFFFF086  }
0x1c: {  	p1 =	slt.u32 s9, $0xF7A;
	s5 =	simm.s32 @!p2 $0x0  }
0x1d: {  	s5 =	simm.s32 @p1 $0x1;
	p0 =	seq.s32 s7, s2  }
0x1e: {  	s7 =	smul.u32 @!p0 $0xF7A, s2;
	p2 =	seq.s32 @!p0 s5, $0x0  }
0x1f: {  	s9 =	smul.u32 $0xF7A, s1;
	s8 =	simm.s32 @!p0 $0x1BF5;
	p2 =	por !p2, p0  }
0x20: {  	[sflag:s8] =	ssyncset.s32 @!p0 $0xFFFFF086;
	s6 =	sadd.s32 @!p0 s3, s7;
	s7 =	simm.s32 @!p0 $0x108  }
0x21: {  	s3 =	sadd.s32 s3, s9;
	s6 =	sadd.s32 @!p0 $0x88, s6;
	s7 =	simm.s32 @p2 $0x1082  }
0x22: {  	[simem:s7], [sflag:s8] =	dma.local @!p0 [hbm:s6], $0xF7A  }
0x23: {  	s9 =	sor.u32 $0xD0000000, s2;
	s6 =	simm.s32 $0x108;
	_ =	swait.ge @!p0 [sflag:s8], $0x0  }
0x24: {  	s3 =	sadd.s32 $0x88, s3;
	s6 =	simm.s32 @!p1 $0x1082;
	[sflag:s4] =	ssyncset.s32 $0xFFFFF086  }
0x25: {  	[simem:s6], [sflag:s4] =	dma.local [hbm:s3], $0xF7A  }
0x26: {  	[smem:$0x3F99] =	sst s1;
	(tag) =	ssettag s2;
	_ =	strace s9  }
0x27: {  	s1 =	sld [smem:$0x3FA9]  }
0x28: {  	s2 =	sld [smem:$0x3FAA]  }
0x29: {  	s4 =	sld [smem:$0x3FAC]  }
0x2a: {  	p0 =	seq.s32 s5, $0x0;
	s5 =	sld [smem:$0x3FAD]  }
0x2b: {  	s6 =	sld [smem:$0x3FAE]  }
0x2c: {  	s7 =	sld [smem:$0x3FAF]  }
0x2d: {  	s3 =	simm.s32 $0x108;
	s8 =	sld [smem:$0x3FB0]  }
0x2e: {  	s3 =	simm.s32 @!p0 $0x1082;
	s9 =	sld [smem:$0x3FB1]  }
0x2f: {  	lr =	sadd.s32 s0, s3;
	s0 =	sld [smem:$0x3FA8]  }
0x30: {  	s3 =	sld [smem:$0x3FAB]  }
0x31: {  	[smem:$0x3FB4] =	sst s10  }
0x32: {  	s10 =	sld [smem:$0x3FB2];
	_ =	sdelay $0x3  }
0x33: {  	p0 =	seq.s32 s10, $0x1;
	s10 =	sld [smem:$0x3FB4];
	_ =	sdelay $0x3  }
0x34: {  	[smem:$0x3FB4] =	sst s10  }
0x35: {  	s10 =	sld [smem:$0x3FB3];
	_ =	sdelay $0x3  }
0x36: {  	p1 =	seq.s32 s10, $0x1;
	s10 =	sld [smem:$0x3FB4];
	_ =	sdelay $0x3  }
0x37: {  	[smem:$0x3FB4] =	sst s10  }
0x38: {  	s10 =	sld [smem:$0x3FB5]  }
0x39: {  	_ = 	snop;
	(pc) =	sbr.ind lr, $3  }
0x3a: {  	_ = 	snop  }
0x3b: {  	_ = 	snop  }
0x3c: {  	p2 =	seq.s32 s10, $0x1;
	s10 =	sld [smem:$0x3FB4]  }
0x3d: {  	_ =	shalt  }
0x3e: {  	_ =	shalt  }
0x3f: {  	_ =	shalt  }
0x40: {  	_ =	shalt  }
0x41: {  	_ =	shalt  }
0x42: {  	_ =	shalt  }
0x43: {  	_ =	shalt  }
0x44: {  	_ =	shalt  }
0x45: {  	_ =	shalt  }
0x46: {  	_ =	shalt  }
0x47: {  	_ =	shalt  }
0x48: {  	_ =	shalt  }
0x49: {  	_ =	shalt  }
0x4a: {  	_ =	shalt  }
0x4b: {  	_ =	shalt  }
0x4c: {  	_ =	shalt  }
0x4d: {  	_ =	shalt  }
0x4e: {  	_ =	shalt  }
0x4f: {  	_ =	shalt  }
0x50: {  	_ =	shalt  }
0x51: {  	_ =	shalt  }
0x52: {  	_ =	shalt  }
0x53: {  	_ =	shalt  }
0x54: {  	_ =	shalt  }
0x55: {  	_ =	shalt  }
0x56: {  	_ =	shalt  }
0x57: {  	_ =	shalt  }
0x58: {  	_ =	shalt  }
0x59: {  	_ =	shalt  }
0x5a: {  	_ =	shalt  }
0x5b: {  	_ =	shalt  }
0x5c: {  	_ =	shalt  }
0x5d: {  	_ =	shalt  }
0x5e: {  	_ =	shalt  }
0x5f: {  	_ =	shalt  }
0x60: {  	_ =	shalt  }
0x61: {  	_ =	shalt  }
0x62: {  	_ =	shalt  }
0x63: {  	_ =	shalt  }
0x64: {  	_ =	shalt  }
0x65: {  	_ =	shalt  }
0x66: {  	_ =	shalt  }
0x67: {  	_ =	shalt  }
0x68: {  	_ =	shalt  }
0x69: {  	_ =	shalt  }
0x6a: {  	_ =	shalt  }
0x6b: {  	_ =	shalt  }
0x6c: {  	_ =	shalt  }
0x6d: {  	_ =	shalt  }
0x6e: {  	_ =	shalt  }
0x6f: {  	_ =	shalt  }
0x70: {  	_ =	shalt  }
0x71: {  	_ =	shalt  }
0x72: {  	_ =	shalt  }
0x73: {  	_ =	shalt  }
0x74: {  	_ =	shalt  }
0x75: {  	_ =	shalt  }
0x76: {  	_ =	shalt  }
0x77: {  	_ =	shalt  }
0x78: {  	_ =	shalt  }
0x79: {  	_ =	shalt  }
0x7a: {  	_ =	shalt  }
0x7b: {  	_ =	shalt  }
0x7c: {  	_ =	shalt  }
0x7d: {  	_ =	shalt  }
0x7e: {  	_ =	shalt  }
0x7f: {  	_ =	shalt  }
0x80: {  	_ =	shalt  }
0x81: {  	_ =	shalt  }
0x82: {  	_ =	shalt  }
0x83: {  	_ =	shalt  }
0x84: {  	_ =	shalt  }
0x85: {  	_ =	shalt  }
0x86: {  	_ =	shalt  }
0x87: {  	_ =	shalt  }
.Lfunc_end0:
.L_simem_size_0:
called_computation.1_lowered:
.L_overlay_start_0:
0x88: {  	s2 =	sld [smem:$0x3FD9]  }
0x89: {  	s3 =	sld [smem:$0x3FFE];
	_ =	sdelay $0x1  }
0x8a: {  	s1 =	srdreg.scid  }
0x8b: {  	s0 =	sand.u32 $0x1, s1  }
0x8c: {  	s16 =	sshll.u32 s0, $0xA;
	s2 =	sadd.s32 s3, s2  }
0x8d: {  	s2 =	sadd.s32 s2, s16  }
0x8e: {  	[smem:$0x3FC0] =	sst s2  }
0x8f: {  	_ = 	snop  }
0x90: {  	(tm) =	ssettm $0x1  }
0x91: {  	s17 =	sld [smem:$0x3FFB];
	_ =	sdelay $0x3  }
0x92: {  	_ =	strace s17  }
0x93: {  	s2 =	sld [smem:$0x3FFC];
	_ =	sdelay $0x3  }
0x94: {  	_ =	strace s2  }
0x95: {  	s2 =	sld [smem:$0x3FFD];
	_ =	sdelay $0x3  }
0x96: {  	_ =	strace s2  }
0x97: {  	_ =	strace $0x8FFFFFFF  }
0x98: {  	s18 =	sld [smem:$0x3FDB];
	_ =	sdelay $0x1  }
0x99: {  	s19 =	simm.s32 $_scs_section_size  }
0x9a: {  	s4 =	simm.s32 $_size__tile_overlayer_lowered;
	s5 =	simm.s32 $_tile_overlayer_lowered  }
0x9b: {  	s22 =	simm.s32 $0x1BFF;
	s21 =	sshll.u32 s5, $0x1;
	s2 =	sadd.s32 s19, s18  }
0x9c: {  	s6 =	simm.s32 $0x0;
	s20 =	sshll.u32 s4, $0x1;
	s4 =	sadd.s32 s21, s2  }
0x9d: {  	[timem:s6], [sflag:s22] =	dma.local [hbm:s4], s20  }
0x9e: {  	_ =	swait.ge [sflag:s22], s20  }
0x9f: {  	s3 =	ssub.s32 $0x0, s20;
	[sflag:s22] =	ssyncset.done $0x0  }
0xa0: {  	[sflag:s22] =	ssyncadd.s32 s3;
	_ =	sdelay $0x1  }
0xa1: {  	s23 =	simm.s32 $0x1B8B  }
0xa2: {  	_ =	swait.ge [sflag:s23], $0x1  }
0xa3: {  	[sflag:s23] =	ssyncset.done $0x0  }
0xa4: {  	s25 =	simm.s32 $0x1B8E;
	s24 =	sld [smem:$0x3FFE];
	[sflag:s23] =	ssyncadd.s32 $0xFFFFFFFF  }
0xa5: {  	s26 =	simm.s32 $execute0_lowered;
	[smem:$0x3FD2] =	sst s25  }
0xa6: {  	s4 =	sshll.u32 s26, $0x1;
	_ =	strace $0x80000049;
	[dreg:$0x1] =	wrdreg $0xFFFFFFFF  }
0xa7: {  	s28 =	simm.s32 $_size_execute0_lowered;
	s2 =	sadd.s32 s2, s4;
	[dreg:$0x0] =	wrdreg $0x0  }
0xa8: {  	s4 =	sshll.u32 s28, $0x1;
	[dreg:$0x2] =	wrdreg s2  }
0xa9: {  	[dreg:$0x3] =	wrdreg s4  }
0xaa: {  	[dreg:$0x4] =	wrdreg $0xC0  }
0xab: {  	_ =	task [dreg:s6], $0x5FFFF  }
0xac: {  	[dreg:$0x1] =	wrdreg $0xFFFFFFFF  }
0xad: {  	[dreg:$0x0] =	wrdreg $0x60  }
0xae: {  	[dreg:$0x2] =	wrdreg s24  }
0xaf: {  	[dreg:$0x3] =	wrdreg $0x112200  }
0xb0: {  	[dreg:$0x4] =	wrdreg $0x9  }
0xb1: {  	_ =	task.clear_ibuf [dreg:s6], $0x5FFFF;
	_ =	strace $0x90000049  }
0xb2: {  	s29 =	simm.s32 $0x9;
	_ =	strace $0x8000004B  }
0xb3: {  	_ =	swait.ge [sflag:s29], $0x1  }
0xb4: {  	[sflag:s29] =	ssyncadd.s32 $0xFFFFFFFF  }
0xb5: {  	_ =	strace $0x9000004B  }
0xb6: {  	_ =	sfence  }
0xb7: {  	s30 =	sld [smem:$0x0];
	_ =	sdelay $0x2  }
0xb8: {  	s31 =	sshll.u32 s1, $0xD;
	s1 =	sshrl.u32 s1, $0x2  }
0xb9: {  	s3 =	sand.u32 $0x4000, s31;
	s1 =	sadd.s32 s1, s30  }
0xba: {  	s0 =	sor.u32 s3, s0;
	s1 =	sshll.u32 s1, $0x11  }
0xbb: {  	s0 =	sor.u32 s1, s0  }
0xbc: {  	s0 =	sadd.s32 $0x8F2B, s0  }
0xbd: {  	[sflag:s0] =	ssyncadd.remote.s32 $0x1  }
0xbe: {  	_ =	sfence.sel $0xFFFF  }
0xbf: {  	[dreg:$0x0] =	wrdreg $0xFFFFFFFF;
	(pc) =	sbr.abs _section_cstart, $3  }
0xc0: {  	[dreg:$0x1] =	wrdreg $0xFFFFFFFF  }
0xc1: {  	_ =	task.clear_ibuf [dreg:s6], $0x2FFFF;
	_ =	strace $0x9FFFFFFF  }
0xc2: {  	(tm) =	ssettm $0x7FFFFFFF  }
0xc3: {  	_ =	shalt  }
tec
execute0_lowered:
.L_overlay_start_1:
0x0: {  	(tag) =	ssettag $0x1  }
0x1: {  	s0 =	srdreg.scid;
	s5 =	rddreg [dreg:$0x0]  }
0x2: {  	s8 =	stileid.u32;
	s2 =	rddreg [dreg:$0x1];
	s3 =	simm.s32 $0x0  }
0x3: {  	s14 =	simm.s32 $0x5220;
	s15 =	simm.s32 $0xD;
	s17 =	simm.s32 $0x80  }
0x4: {  	s18 =	simm.s32 $0x7220;
	s0 =	sand.u32 $0x1, s0;
	s6 =	smul.u32 $0xA000, s8  }
0x5: {  	s31 =	simm.s32 $0xD220;
	s1 =	sshll.u32 s0, $0x4;
	s7 =	smul.u32 $0xA0000, s0  }
0x6: {  	s0 =	ssub.s32 $0x2, s0;
	s1 =	sor.u32 s8, s1;
	s8 =	smul.u32 $0x28000, s8  }
0x7: {  	s28 =	simm.s32 $0x4;
	[smem:$0x7FF] =	sst s3;
	s9 =	sshrl.u32 s0, $0x1  }
0x8: {  	_ =	strace $0x8000004A;
	s0 =	ssub.s32 s0, s9;
	s8 =	sshrl.u32 s8, $0x2  }
0x9: {  	[dreg:$0x3] =	wrdreg s31;
	s0 =	smax.u32 s0, $0x1;
	s8 =	sadd.s32 s8, s2  }
0xa: {  	s29 =	simm.s32 $0x9;
	[dreg:$0xb] =	wrdreg s0;
	s21 =	sadd.s32 $0x2000, s8  }
0xb: {  	s1 =	smul.u32 $0x4E2, s1;
	s22 =	sadd.s32 $0x4000, s8;
	[dreg:$0x4] =	wrdreg s21  }
0xc: {  	s7 =	sadd.s32 s6, s7;
	s23 =	sadd.s32 $0x6000, s8;
	[dreg:$0x5] =	wrdreg s22  }
0xd: {  	s1 =	sadd.s32 s1, s5;
	s24 =	sadd.s32 $0x8000, s8;
	[dreg:$0x6] =	wrdreg s23  }
0xe: {  	s7 =	sshrl.u32 s7, $0x3;
	s25 =	sadd.s32 $0xC400, s1;
	[dreg:$0x7] =	wrdreg s24  }
0xf: {  	s7 =	sadd.s32 s7, s5;
	s1 =	sadd.s32 $0x2600, s1;
	[dreg:$0x8] =	wrdreg s25  }
0x10: {  	s30 =	simm.s32 $0x6;
	s26 =	sadd.s32 $0x2A200, s7;
	[dreg:$0x9] =	wrdreg s1  }
0x11: {  	s4 =	sadd.s32 $0x16200, s5;
	s5 =	sadd.s32 s6, s2;
	[dreg:$0xa] =	wrdreg s26  }
0x12: {  	s22 =	simm.s32 $0xB220;
	s23 =	simm.s32 $0x1;
	s24 =	simm.s32 $0xF220  }
0x13: {  	v0 =	vimm.f32 $0.0e+00;
	s25 =	simm.s32 $0x2;
	s26 =	simm.s32 $0x7;
	s21 =	simm.s32 $0xC  }
.LBB2_1:
0x14: {  	s1 =	simm.s32 $0x100;
	s0 =	simm.s32 $0x0  }
.LBB2_2:
0x15: {  	p0 =	sne.s32 s1, $0x7F00;
	[tilespmem:s0+$0x5250] =	vst v0;
	s6 =	smov.u32 s1;
	s1 =	sadd.s32 $0x100, s1  }
.Ltmp0:
0x16: {  	[tilespmem:s0+$0x5240] =	vst v0;
	(pc) =	sbr.rel @p0 .LBB2_2-.Ltmp0, $3  }
0x17: {  	[tilespmem:s0+$0x5220] =	vst v0  }
0x18: {  	[tilespmem:s0+$0x5230] =	vst v0;
	_ =	sdelay $0x1  }
0x19: {  	s0 =	sshra.s32 s6, $0x2  }
0x1a: {  	[tilespmem:s0+$0x5250] =	vst v0  }
0x1b: {  	[tilespmem:s0+$0x5240] =	vst v0  }
0x1c: {  	[tilespmem:s0+$0x5220] =	vst v0  }
0x1d: {  	[tilespmem:s0+$0x5230] =	vst v0  }
0x1e: {  	[spmem:s5] =	stream.linear.scatter [tilespmem:s14], [sflag:$0xD], $0x2000, $0x38;
	[tilespmem:$0x1B220] =	vst v63  }
0x1f: {  	_ =	swait.ge [sflag:s15], $0x2000  }
0x20: {  	[sflag:s15] =	ssyncset.done $0x0  }
0x21: {  	s20 =	rddreg [dreg:$0x4];
	[sflag:s15] =	ssyncadd.s32 $0xFFFFE000  }
0x22: {  	[spmem:s20] =	stream.linear.scatter [tilespmem:s14], [sflag:$0xD], $0x2000, $0x38;
	[tilespmem:$0x1B220] =	vst v63  }
0x23: {  	_ =	swait.ge [sflag:s15], $0x2000  }
0x24: {  	[sflag:s15] =	ssyncset.done $0x0  }
0x25: {  	s31 =	rddreg [dreg:$0x5];
	[sflag:s15] =	ssyncadd.s32 $0xFFFFE000  }
0x26: {  	[spmem:s31] =	stream.linear.scatter [tilespmem:s14], [sflag:$0xD], $0x2000, $0x38;
	[tilespmem:$0x1B220] =	vst v63  }
0x27: {  	_ =	swait.ge [sflag:s15], $0x2000  }
0x28: {  	[sflag:s15] =	ssyncset.done $0x0  }
0x29: {  	s1 =	rddreg [dreg:$0x6];
	[sflag:s15] =	ssyncadd.s32 $0xFFFFE000  }
0x2a: {  	[spmem:s1] =	stream.linear.scatter [tilespmem:s14], [sflag:$0xD], $0x2000, $0x38;
	[tilespmem:$0x1B220] =	vst v63  }
0x2b: {  	_ =	swait.ge [sflag:s15], $0x2000  }
0x2c: {  	[sflag:s15] =	ssyncset.done $0x0  }
0x2d: {  	s6 =	rddreg [dreg:$0x7];
	[sflag:s15] =	ssyncadd.s32 $0xFFFFE000  }
0x2e: {  	[spmem:s6] =	stream.linear.scatter [tilespmem:s14], [sflag:$0xD], $0x2000, $0x38;
	[tilespmem:$0x1B220] =	vst v63  }
0x2f: {  	_ =	swait.ge [sflag:s15], $0x2000  }
0x30: {  	[sflag:s15] =	ssyncset.done $0x0  }
0x31: {  	s7 =	simm.s32 $0x0;
	s1 =	rddreg [dreg:$0x8];
	[sflag:s15] =	ssyncadd.s32 $0xFFFFE000  }
0x32: {  	[tilespmem:s7], [sflag:$0xD] =	stream.linear.gather [hbm4b:s1+s7], $0x2710, $0x38;
	[tilespmem:$0x1B220] =	vst v63  }
0x33: {  	_ =	swait.ge [sflag:s15], $0x2710  }
0x34: {  	[sflag:s15] =	ssyncset.done $0x0  }
0x35: {  	s6 =	simm.s32 $0x2710;
	s8 =	rddreg [dreg:$0x9];
	[sflag:s15] =	ssyncadd.s32 $0xFFFFD8F0  }
0x36: {  	[tilespmem:s6], [sflag:$0xD] =	stream.linear.gather [hbm4b:s8+s7], $0x2710, $0x38;
	[tilespmem:$0x1B220] =	vst v63  }
0x37: {  	_ =	swait.ge [sflag:s15], $0x2710  }
0x38: {  	[sflag:s15] =	ssyncset.done $0x0  }
0x39: {  	[sflag:s15] =	ssyncadd.s32 $0xFFFFD8F0  }
0x3a: {  	[tilespmem:s14], [sflag:$0x1] =	stream.indirect.gather [hbm4b:s4+s17], $0x40, s7, s17, $0xb8;
	[tilespmem:$0x1B220] =	vst v63  }
0x3b: {  	_ = 	snop  }
0x3c: {  	[tilespmem:s18], [sflag:$0x2] =	stream.indirect.gather [hbm4b:s4+s17], $0x40, s17, s17, $0xb8;
	[tilespmem:$0x1B220] =	vst v63  }
0x3d: {  	s9 =	simm.s32 $0x100;
	s10 =	simm.s32 $0x9220  }
0x3e: {  	[tilespmem:s10], [sflag:$0x3] =	stream.indirect.gather [hbm4b:s4+s17], $0x40, s9, s17, $0xb8;
	[tilespmem:$0x1B220] =	vst v63  }
0x3f: {  	s11 =	simm.s32 $0x180;
	p0 =	por $0x1, $0x1  }
0x40: {  	[tilespmem:s22], [sflag:$0x4] =	stream.indirect.gather [hbm4b:s4+s17], $0x40, s11, s17, $0xb8;
	[tilespmem:$0x1B220] =	vst v63  }
0x41: {  	s0 =	simm.s32 @!p0 $0xB;
	[bflag:$0x0] =	sbarrier.arrive $0xFFFF  }
0x42: {  	_ =	swait.ge @!p0 [sflag:s0], $0x2000  }
0x43: {  	[sflag:s0] =	ssyncset.done @!p0 $0x0  }
0x44: {  	s13 =	simm.s32 $0x200;
	s12 =	rddreg [dreg:$0x3];
	[sflag:s0] =	ssyncadd.s32 @!p0 $0xFFFFE000  }
0x45: {  	[tilespmem:s12], [sflag:$0x5] =	stream.indirect.gather [hbm4b:s4+s17], $0x40, s13, s17, $0xb8;
	[tilespmem:$0x1B220] =	vst v63  }
0x46: {  	_ =	swait.ge [sflag:s23], $0x2000  }
0x47: {  	[sflag:s23] =	ssyncset.done $0x0  }
0x48: {  	s16 =	simm.s32 $0x2710;
	s1 =	simm.s32 @!p0 $0xC;
	[sflag:s23] =	ssyncadd.s32 $0xFFFFE000  }
0x49: {  	[spmem:s2] =	stream.indirect.scatter.add.f32 [tilespmem:s14], [sflag:$0x7], $0x40, s16, s17, $0xb8;
	[tilespmem:$0x1B220] =	vst v63  }
0x4a: {  	_ =	swait.ge @!p0 [sflag:s1], $0x2000  }
0x4b: {  	[sflag:s1] =	ssyncset.done @!p0 $0x0  }
0x4c: {  	s19 =	simm.s32 $0x280;
	[sflag:s1] =	ssyncadd.s32 @!p0 $0xFFFFE000  }
0x4d: {  	[tilespmem:s24], [sflag:$0x6] =	stream.indirect.gather [hbm4b:s4+s17], $0x40, s19, s17, $0xb8;
	[tilespmem:$0x1B220] =	vst v63  }
0x4e: {  	_ =	swait.ge [sflag:s25], $0x2000  }
0x4f: {  	[sflag:s25] =	ssyncset.done $0x0  }
0x50: {  	s20 =	simm.s32 $0x2790;
	[sflag:s25] =	ssyncadd.s32 $0xFFFFE000  }
0x51: {  	[spmem:s2] =	stream.indirect.scatter.add.f32 [tilespmem:s18], [sflag:$0x8], $0x40, s20, s17, $0xb8;
	[tilespmem:$0x1B220] =	vst v63  }
0x52: {  	_ =	swait.ge [sflag:s26], $0x2000  }
0x53: {  	p0 =	por $0x0, $0x0;
	[sflag:s26] =	ssyncset.done $0x0  }
0x54: {  	s0 =	simm.s32 @p0 $0x3;
	[sflag:s26] =	ssyncadd.s32 $0xFFFFE000  }
0x55: {  	_ =	swait.ge @p0 [sflag:s0], $0x2000  }
0x56: {  	s1 =	simm.s32 @p0 $0x2810;
	s6 =	simm.s32 @p0 $0x8;
	[sflag:s0] =	ssyncset.done @p0 $0x0  }
0x57: {  	s7 =	simm.s32 @p0 $0x9220;
	[sflag:s0] =	ssyncadd.s32 @p0 $0xFFFFE000;
	s0 =	simm.s32 @p0 $0x80  }
0x58: {  	[spmem:s2] =	stream.indirect.scatter.add.f32 @p0 [tilespmem:s7], [sflag:$0x9], $0x40, s1, s0, $0xb8;
	[tilespmem:$0x1B220] =	vst v63  }
0x59: {  	_ =	swait.ge @p0 [sflag:s6], $0x2000  }
0x5a: {  	s8 =	simm.s32 @!p0 $0x5220;
	s1 =	simm.s32 @!p0 $0x300;
	[sflag:s6] =	ssyncset.done @p0 $0x0  }
0x5b: {  	s7 =	simm.s32 @!p0 $0x3;
	[sflag:s6] =	ssyncadd.s32 @p0 $0xFFFFE000;
	s6 =	simm.s32 @!p0 $0x80  }
0x5c: {  	[tilespmem:s8], [sflag:$0x1] =	stream.indirect.gather @!p0 [hbm4b:s4+s6], $0x40, s1, s6, $0xb8;
	[tilespmem:$0x1B220] =	vst v63  }
0x5d: {  	_ =	swait.ge @!p0 [sflag:s7], $0x2000  }
0x5e: {  	s1 =	simm.s32 @!p0 $0x2810;
	[sflag:s7] =	ssyncset.done @!p0 $0x0  }
0x5f: {  	s8 =	simm.s32 @!p0 $0x8;
	[sflag:s7] =	ssyncadd.s32 @!p0 $0xFFFFE000;
	s7 =	simm.s32 @!p0 $0x9220  }
0x60: {  	[spmem:s2] =	stream.indirect.scatter.add.f32 @!p0 [tilespmem:s7], [sflag:$0x9], $0x40, s1, s6, $0xb8;
	[tilespmem:$0x1B220] =	vst v63  }
0x61: {  	_ =	swait.ge @!p0 [sflag:s8], $0x2000  }
0x62: {  	[sflag:s8] =	ssyncset.done @!p0 $0x0  }
0x63: {  	s1 =	simm.s32 @!p0 $0x380;
	[sflag:s8] =	ssyncadd.s32 @!p0 $0xFFFFE000;
	s8 =	simm.s32 @!p0 $0x7220  }
0x64: {  	[tilespmem:s8], [sflag:$0x2] =	stream.indirect.gather @!p0 [hbm4b:s4+s6], $0x40, s1, s6, $0xb8;
	[tilespmem:$0x1B220] =	vst v63  }
0x65: {  	_ =	swait.ge [sflag:s28], $0x2000  }
0x66: {  	[sflag:s28] =	ssyncset.done $0x0  }
0x67: {  	s31 =	simm.s32 $0x2890;
	[sflag:s28] =	ssyncadd.s32 $0xFFFFE000  }
0x68: {  	[spmem:s2] =	stream.indirect.scatter.add.f32 [tilespmem:s22], [sflag:$0xA], $0x40, s31, s17, $0xb8;
	[tilespmem:$0x1B220] =	vst v63  }
0x69: {  	_ =	swait.ge [sflag:s29], $0x2000  }
0x6a: {  	[sflag:s29] =	ssyncset.done $0x0  }
0x6b: {  	s1 =	simm.s32 @p0 $0x5;
	[sflag:s29] =	ssyncadd.s32 $0xFFFFE000  }
0x6c: {  	_ =	swait.ge @p0 [sflag:s1], $0x2000  }
0x6d: {  	[sflag:s1] =	ssyncset.done @p0 $0x0  }
0x6e: {  	s8 =	simm.s32 @p0 $0x2910;
	[sflag:s1] =	ssyncadd.s32 @p0 $0xFFFFE000;
	s1 =	simm.s32 @p0 $0xD220  }
0x6f: {  	[spmem:s2] =	stream.indirect.scatter.add.f32 @p0 [tilespmem:s1], [sflag:$0xB], $0x40, s8, s0, $0xb8;
	[tilespmem:$0x1B220] =	vst v63  }
0x70: {  	s0 =	simm.s32 @p0 $0xA  }
0x71: {  	_ =	swait.ge @p0 [sflag:s0], $0x2000  }
0x72: {  	[sflag:s0] =	ssyncset.done @p0 $0x0  }
0x73: {  	[sflag:s0] =	ssyncadd.s32 @p0 $0xFFFFE000;
	s0 =	simm.s32 @!p0 $0x400  }
0x74: {  	[tilespmem:s7], [sflag:$0x3] =	stream.indirect.gather @!p0 [hbm4b:s4+s6], $0x40, s0, s6, $0xb8;
	[tilespmem:$0x1B220] =	vst v63  }
0x75: {  	s0 =	simm.s32 @!p0 $0x5  }
0x76: {  	_ =	swait.ge @!p0 [sflag:s0], $0x2000  }
0x77: {  	[sflag:s0] =	ssyncset.done @!p0 $0x0  }
0x78: {  	s1 =	simm.s32 @!p0 $0x2910;
	[sflag:s0] =	ssyncadd.s32 @!p0 $0xFFFFE000;
	s0 =	simm.s32 @!p0 $0xD220  }
0x79: {  	[spmem:s2] =	stream.indirect.scatter.add.f32 @!p0 [tilespmem:s0], [sflag:$0xB], $0x40, s1, s6, $0xb8;
	[tilespmem:$0x1B220] =	vst v63  }
0x7a: {  	s0 =	simm.s32 @!p0 $0xA  }
0x7b: {  	_ =	swait.ge @!p0 [sflag:s0], $0x2000  }
0x7c: {  	[sflag:s0] =	ssyncset.done @!p0 $0x0  }
0x7d: {  	s1 =	simm.s32 @!p0 $0x480;
	[sflag:s0] =	ssyncadd.s32 @!p0 $0xFFFFE000;
	s0 =	simm.s32 @!p0 $0xB220  }
0x7e: {  	[tilespmem:s0], [sflag:$0x4] =	stream.indirect.gather @!p0 [hbm4b:s4+s6], $0x40, s1, s6, $0xb8;
	[tilespmem:$0x1B220] =	vst v63  }
0x7f: {  	p1 =	por $0x0, $0x0;
	s19 =	simm.s32 $0x1800;
	_ =	swait.ge [sflag:s30], $0x2000  }
0x80: {  	s1 =	simm.s32 $0xC00;
	s0 =	simm.s32 $0x2990;
	[sflag:s30] =	ssyncset.done $0x0  }
.LBB2_4:
0x81: {  	s7 =	simm.s32 @!p1 $0xB;
	[sflag:s30] =	ssyncadd.s32 $0xFFFFE000  }
0x82: {  	[spmem:s2] =	stream.indirect.scatter.add.f32 [tilespmem:s24], [sflag:$0xC], $0x40, s0, s17, $0xb8;
	[tilespmem:$0x1B220] =	vst v63  }
0x83: {  	_ =	swait.ge @!p1 [sflag:s7], $0x2000  }
0x84: {  	s0 =	sshra.s32 s1, $0x2;
	[sflag:s7] =	ssyncset.done @!p1 $0x0  }
0x85: {  	s12 =	sadd.s32 $0x200, s0;
	s8 =	rddreg [dreg:$0x3];
	[sflag:s7] =	ssyncadd.s32 @!p1 $0xFFFFE000  }
0x86: {  	[tilespmem:s8], [sflag:$0x5] =	stream.indirect.gather [hbm4b:s4+s17], $0x40, s12, s17, $0xb8;
	[tilespmem:$0x1B220] =	vst v63  }
0x87: {  	_ =	swait.ge [sflag:s23], $0x2000  }
0x88: {  	[sflag:s23] =	ssyncset.done $0x0  }
0x89: {  	s13 =	sadd.s32 $0x2710, s0;
	s8 =	simm.s32 @!p1 $0xC;
	[sflag:s23] =	ssyncadd.s32 $0xFFFFE000  }
0x8a: {  	[spmem:s2] =	stream.indirect.scatter.add.f32 [tilespmem:s14], [sflag:$0x7], $0x40, s13, s17, $0xb8;
	[tilespmem:$0x1B220] =	vst v63  }
0x8b: {  	_ =	swait.ge @!p1 [sflag:s8], $0x2000  }
0x8c: {  	[sflag:s8] =	ssyncset.done @!p1 $0x0  }
0x8d: {  	s16 =	sadd.s32 $0x280, s0;
	[sflag:s8] =	ssyncadd.s32 @!p1 $0xFFFFE000  }
0x8e: {  	[tilespmem:s24], [sflag:$0x6] =	stream.indirect.gather [hbm4b:s4+s17], $0x40, s16, s17, $0xb8;
	[tilespmem:$0x1B220] =	vst v63  }
0x8f: {  	_ =	swait.ge [sflag:s25], $0x2000  }
0x90: {  	[sflag:s25] =	ssyncset.done $0x0  }
0x91: {  	s20 =	sadd.s32 $0x2790, s0;
	[sflag:s25] =	ssyncadd.s32 $0xFFFFE000  }
0x92: {  	[spmem:s2] =	stream.indirect.scatter.add.f32 [tilespmem:s18], [sflag:$0x8], $0x40, s20, s17, $0xb8;
	[tilespmem:$0x1B220] =	vst v63  }
0x93: {  	_ =	swait.ge [sflag:s26], $0x2000  }
0x94: {  	s6 =	smov.u32 s19;
	p1 =	seq.s32 s1, $0x9000;
	[sflag:s26] =	ssyncset.done $0x0  }
0x95: {  	s7 =	simm.s32 @p1 $0x3;
	s8 =	sshra.s32 @p1 s1, $0x2;
	[sflag:s26] =	ssyncadd.s32 $0xFFFFE000  }
0x96: {  	s1 =	sshra.s32 @!p1 s1, $0x2;
	s11 =	simm.s32 @p1 $0x8;
	_ =	swait.ge @p1 [sflag:s7], $0x2000  }
0x97: {  	s9 =	simm.s32 @p1 $0x80;
	s16 =	simm.s32 @!p1 $0x3;
	[sflag:s7] =	ssyncset.done @p1 $0x0  }
0x98: {  	s10 =	sadd.s32 @p1 $0x2810, s8;
	[sflag:s7] =	ssyncadd.s32 @p1 $0xFFFFE000;
	s7 =	simm.s32 @p1 $0x9220  }
0x99: {  	[spmem:s2] =	stream.indirect.scatter.add.f32 @p1 [tilespmem:s7], [sflag:$0x9], $0x40, s10, s9, $0xb8;
	[tilespmem:$0x1B220] =	vst v63  }
0x9a: {  	s12 =	sadd.s32 @!p1 $0x300, s1;
	s13 =	sadd.s32 @!p1 $0x2810, s1;
	_ =	swait.ge @p1 [sflag:s11], $0x2000  }
0x9b: {  	s31 =	sadd.s32 @!p1 $0x380, s1;
	s20 =	sadd.s32 @p1 $0x2910, s8;
	[sflag:s11] =	ssyncset.done @p1 $0x0  }
0x9c: {  	s8 =	simm.s32 @!p1 $0x5220;
	s7 =	simm.s32 @!p1 $0x80;
	[sflag:s11] =	ssyncadd.s32 @p1 $0xFFFFE000  }
0x9d: {  	[tilespmem:s8], [sflag:$0x1] =	stream.indirect.gather @!p1 [hbm4b:s4+s7], $0x40, s12, s7, $0xb8;
	[tilespmem:$0x1B220] =	vst v63  }
0x9e: {  	s10 =	sadd.s32 @!p1 $0x2910, s1;
	s11 =	sadd.s32 @!p1 $0x400, s1;
	_ =	swait.ge @!p1 [sflag:s16], $0x2000  }
0x9f: {  	s8 =	sadd.s32 @!p1 $0x480, s1;
	s1 =	smov.u32 s6;
	[sflag:s16] =	ssyncset.done @!p1 $0x0  }
0xa0: {  	s6 =	simm.s32 @!p1 $0x9220;
	s12 =	simm.s32 @!p1 $0x8;
	[sflag:s16] =	ssyncadd.s32 @!p1 $0xFFFFE000  }
0xa1: {  	[spmem:s2] =	stream.indirect.scatter.add.f32 @!p1 [tilespmem:s6], [sflag:$0x9], $0x40, s13, s7, $0xb8;
	[tilespmem:$0x1B220] =	vst v63  }
0xa2: {  	_ =	swait.ge @!p1 [sflag:s12], $0x2000  }
0xa3: {  	[sflag:s12] =	ssyncset.done @!p1 $0x0  }
0xa4: {  	[sflag:s12] =	ssyncadd.s32 @!p1 $0xFFFFE000;
	s12 =	simm.s32 @!p1 $0x7220  }
0xa5: {  	[tilespmem:s12], [sflag:$0x2] =	stream.indirect.gather @!p1 [hbm4b:s4+s7], $0x40, s31, s7, $0xb8;
	[tilespmem:$0x1B220] =	vst v63  }
0xa6: {  	_ =	swait.ge [sflag:s28], $0x2000  }
0xa7: {  	[sflag:s28] =	ssyncset.done $0x0  }
0xa8: {  	s31 =	sadd.s32 $0x2890, s0;
	[sflag:s28] =	ssyncadd.s32 $0xFFFFE000  }
0xa9: {  	[spmem:s2] =	stream.indirect.scatter.add.f32 [tilespmem:s22], [sflag:$0xA], $0x40, s31, s17, $0xb8;
	[tilespmem:$0x1B220] =	vst v63  }
0xaa: {  	_ =	swait.ge [sflag:s29], $0x2000  }
0xab: {  	[sflag:s29] =	ssyncset.done $0x0  }
0xac: {  	s12 =	simm.s32 @p1 $0x5;
	[sflag:s29] =	ssyncadd.s32 $0xFFFFE000  }
0xad: {  	_ =	swait.ge @p1 [sflag:s12], $0x2000  }
0xae: {  	[sflag:s12] =	ssyncset.done @p1 $0x0  }
0xaf: {  	s13 =	simm.s32 @p1 $0xA;
	[sflag:s12] =	ssyncadd.s32 @p1 $0xFFFFE000;
	s12 =	simm.s32 @p1 $0xD220  }
0xb0: {  	[spmem:s2] =	stream.indirect.scatter.add.f32 @p1 [tilespmem:s12], [sflag:$0xB], $0x40, s20, s9, $0xb8;
	[tilespmem:$0x1B220] =	vst v63  }
0xb1: {  	_ =	swait.ge @p1 [sflag:s13], $0x2000  }
0xb2: {  	[sflag:s13] =	ssyncset.done @p1 $0x0  }
0xb3: {  	s9 =	simm.s32 @!p1 $0x5;
	[sflag:s13] =	ssyncadd.s32 @p1 $0xFFFFE000  }
0xb4: {  	[tilespmem:s6], [sflag:$0x3] =	stream.indirect.gather @!p1 [hbm4b:s4+s7], $0x40, s11, s7, $0xb8;
	[tilespmem:$0x1B220] =	vst v63  }
0xb5: {  	_ =	swait.ge @!p1 [sflag:s9], $0x2000  }
0xb6: {  	s19 =	sadd.s32 $0xC00, s19;
	[sflag:s9] =	ssyncset.done @!p1 $0x0  }
0xb7: {  	s6 =	simm.s32 @!p1 $0xD220;
	[sflag:s9] =	ssyncadd.s32 @!p1 $0xFFFFE000;
	s9 =	simm.s32 @!p1 $0xA  }
0xb8: {  	[spmem:s2] =	stream.indirect.scatter.add.f32 @!p1 [tilespmem:s6], [sflag:$0xB], $0x40, s10, s7, $0xb8;
	[tilespmem:$0x1B220] =	vst v63  }
0xb9: {  	p0 =	sne.s32 s19, $0x9C00;
	_ =	swait.ge @!p1 [sflag:s9], $0x2000  }
.Ltmp1:
0xba: {  	[sflag:s9] =	ssyncset.done @!p1 $0x0;
	(pc) =	sbr.rel @p0 .LBB2_4-.Ltmp1, $4  }
0xbb: {  	s6 =	simm.s32 @!p1 $0xB220;
	[sflag:s9] =	ssyncadd.s32 @!p1 $0xFFFFE000  }
0xbc: {  	[tilespmem:s6], [sflag:$0x4] =	stream.indirect.gather @!p1 [hbm4b:s4+s7], $0x40, s8, s7, $0xb8;
	[tilespmem:$0x1B220] =	vst v63  }
0xbd: {  	_ =	swait.ge [sflag:s30], $0x2000  }
0xbe: {  	s0 =	sadd.s32 $0x2990, s0;
	p1 =	seq.s32 s1, $0x0;
	[sflag:s30] =	ssyncset.done $0x0  }
0xbf: {  	s6 =	simm.s32 @!p1 $0xB;
	[sflag:s30] =	ssyncadd.s32 $0xFFFFE000  }
0xc0: {  	[spmem:s2] =	stream.indirect.scatter.add.f32 [tilespmem:s24], [sflag:$0xC], $0x40, s0, s17, $0xb8;
	[tilespmem:$0x1B220] =	vst v63  }
0xc1: {  	_ =	swait.ge @!p1 [sflag:s6], $0x2000  }
0xc2: {  	s12 =	sshra.s32 s1, $0x2;
	[sflag:s6] =	ssyncset.done @!p1 $0x0  }
0xc3: {  	s13 =	sadd.s32 $0x200, s12;
	s7 =	rddreg [dreg:$0x3];
	[sflag:s6] =	ssyncadd.s32 @!p1 $0xFFFFE000  }
0xc4: {  	[tilespmem:s7], [sflag:$0x5] =	stream.indirect.gather [hbm4b:s4+s17], $0x40, s13, s17, $0xb8;
	[tilespmem:$0x1B220] =	vst v63  }
0xc5: {  	_ =	swait.ge [sflag:s23], $0x2000  }
0xc6: {  	[sflag:s23] =	ssyncset.done $0x0  }
0xc7: {  	s16 =	sadd.s32 $0x2710, s12;
	s7 =	simm.s32 @!p1 $0xC;
	[sflag:s23] =	ssyncadd.s32 $0xFFFFE000  }
0xc8: {  	[spmem:s2] =	stream.indirect.scatter.add.f32 [tilespmem:s14], [sflag:$0x7], $0x40, s16, s17, $0xb8;
	[tilespmem:$0x1B220] =	vst v63  }
0xc9: {  	_ =	swait.ge @!p1 [sflag:s7], $0x2000  }
0xca: {  	[sflag:s7] =	ssyncset.done @!p1 $0x0  }
0xcb: {  	s19 =	sadd.s32 $0x280, s12;
	[sflag:s7] =	ssyncadd.s32 @!p1 $0xFFFFE000  }
0xcc: {  	[tilespmem:s24], [sflag:$0x6] =	stream.indirect.gather [hbm4b:s4+s17], $0x40, s19, s17, $0xb8;
	[tilespmem:$0x1B220] =	vst v63  }
0xcd: {  	_ =	swait.ge [sflag:s25], $0x2000  }
0xce: {  	[sflag:s25] =	ssyncset.done $0x0  }
0xcf: {  	s20 =	sadd.s32 $0x2790, s12;
	[sflag:s25] =	ssyncadd.s32 $0xFFFFE000  }
0xd0: {  	[spmem:s2] =	stream.indirect.scatter.add.f32 [tilespmem:s18], [sflag:$0x8], $0x40, s20, s17, $0xb8;
	[tilespmem:$0x1B220] =	vst v63  }
0xd1: {  	_ =	swait.ge [sflag:s26], $0x2000  }
0xd2: {  	p0 =	seq.s32 s1, $0x9000;
	[sflag:s26] =	ssyncset.done $0x0  }
0xd3: {  	s6 =	simm.s32 @p0 $0x3;
	[sflag:s26] =	ssyncadd.s32 $0xFFFFE000  }
0xd4: {  	s9 =	simm.s32 @p0 $0x8;
	_ =	swait.ge @p0 [sflag:s6], $0x2000  }
0xd5: {  	s10 =	simm.s32 @p0 $0x9220;
	s7 =	sshra.s32 @p0 s1, $0x2;
	[sflag:s6] =	ssyncset.done @p0 $0x0  }
0xd6: {  	s8 =	sadd.s32 @p0 $0x2810, s7;
	[sflag:s6] =	ssyncadd.s32 @p0 $0xFFFFE000;
	s6 =	simm.s32 @p0 $0x80  }
0xd7: {  	[spmem:s2] =	stream.indirect.scatter.add.f32 @p0 [tilespmem:s10], [sflag:$0x9], $0x40, s8, s6, $0xb8;
	[tilespmem:$0x1B220] =	vst v63  }
0xd8: {  	s1 =	sshra.s32 @!p0 s1, $0x2;
	_ =	swait.ge @p0 [sflag:s9], $0x2000  }
0xd9: {  	s11 =	simm.s32 @!p0 $0x5220;
	s8 =	sadd.s32 @!p0 $0x300, s1;
	[sflag:s9] =	ssyncset.done @p0 $0x0  }
0xda: {  	s10 =	simm.s32 @!p0 $0x3;
	[sflag:s9] =	ssyncadd.s32 @p0 $0xFFFFE000;
	s9 =	simm.s32 @!p0 $0x80  }
0xdb: {  	[tilespmem:s11], [sflag:$0x1] =	stream.indirect.gather @!p0 [hbm4b:s4+s9], $0x40, s8, s9, $0xb8;
	[tilespmem:$0x1B220] =	vst v63  }
0xdc: {  	_ =	swait.ge @!p0 [sflag:s10], $0x2000  }
0xdd: {  	s8 =	sadd.s32 @!p0 $0x2810, s1;
	[sflag:s10] =	ssyncset.done @!p0 $0x0  }
0xde: {  	s11 =	simm.s32 @!p0 $0x8;
	[sflag:s10] =	ssyncadd.s32 @!p0 $0xFFFFE000;
	s10 =	simm.s32 @!p0 $0x9220  }
0xdf: {  	[spmem:s2] =	stream.indirect.scatter.add.f32 @!p0 [tilespmem:s10], [sflag:$0x9], $0x40, s8, s9, $0xb8;
	[tilespmem:$0x1B220] =	vst v63  }
0xe0: {  	_ =	swait.ge @!p0 [sflag:s11], $0x2000  }
0xe1: {  	[sflag:s11] =	ssyncset.done @!p0 $0x0  }
0xe2: {  	s8 =	sadd.s32 @!p0 $0x380, s1;
	[sflag:s11] =	ssyncadd.s32 @!p0 $0xFFFFE000;
	s11 =	simm.s32 @!p0 $0x7220  }
0xe3: {  	[tilespmem:s11], [sflag:$0x2] =	stream.indirect.gather @!p0 [hbm4b:s4+s9], $0x40, s8, s9, $0xb8;
	[tilespmem:$0x1B220] =	vst v63  }
0xe4: {  	_ =	swait.ge [sflag:s28], $0x2000  }
0xe5: {  	[sflag:s28] =	ssyncset.done $0x0  }
0xe6: {  	s31 =	sadd.s32 $0x2890, s12;
	[sflag:s28] =	ssyncadd.s32 $0xFFFFE000  }
0xe7: {  	[spmem:s2] =	stream.indirect.scatter.add.f32 [tilespmem:s22], [sflag:$0xA], $0x40, s31, s17, $0xb8;
	[tilespmem:$0x1B220] =	vst v63  }
0xe8: {  	_ =	swait.ge [sflag:s29], $0x2000  }
0xe9: {  	[sflag:s29] =	ssyncset.done $0x0  }
0xea: {  	s8 =	simm.s32 @p0 $0x5;
	[sflag:s29] =	ssyncadd.s32 $0xFFFFE000  }
0xeb: {  	_ =	swait.ge @p0 [sflag:s8], $0x2000  }
0xec: {  	[sflag:s8] =	ssyncset.done @p0 $0x0  }
0xed: {  	s7 =	sadd.s32 @p0 $0x2910, s7;
	[sflag:s8] =	ssyncadd.s32 @p0 $0xFFFFE000;
	s8 =	simm.s32 @p0 $0xD220  }
0xee: {  	[spmem:s2] =	stream.indirect.scatter.add.f32 @p0 [tilespmem:s8], [sflag:$0xB], $0x40, s7, s6, $0xb8;
	[tilespmem:$0x1B220] =	vst v63  }
0xef: {  	s6 =	simm.s32 @p0 $0xA  }
0xf0: {  	_ =	swait.ge @p0 [sflag:s6], $0x2000  }
0xf1: {  	[sflag:s6] =	ssyncset.done @p0 $0x0  }
0xf2: {  	[sflag:s6] =	ssyncadd.s32 @p0 $0xFFFFE000;
	s6 =	sadd.s32 @!p0 $0x400, s1  }
0xf3: {  	[tilespmem:s10], [sflag:$0x3] =	stream.indirect.gather @!p0 [hbm4b:s4+s9], $0x40, s6, s9, $0xb8;
	[tilespmem:$0x1B220] =	vst v63  }
0xf4: {  	s6 =	simm.s32 @!p0 $0x5  }
0xf5: {  	_ =	swait.ge @!p0 [sflag:s6], $0x2000  }
0xf6: {  	[sflag:s6] =	ssyncset.done @!p0 $0x0  }
0xf7: {  	s7 =	sadd.s32 @!p0 $0x2910, s1;
	[sflag:s6] =	ssyncadd.s32 @!p0 $0xFFFFE000;
	s6 =	simm.s32 @!p0 $0xD220  }
0xf8: {  	[spmem:s2] =	stream.indirect.scatter.add.f32 @!p0 [tilespmem:s6], [sflag:$0xB], $0x40, s7, s9, $0xb8;
	[tilespmem:$0x1B220] =	vst v63  }
0xf9: {  	s6 =	simm.s32 @!p0 $0xA  }
0xfa: {  	_ =	swait.ge @!p0 [sflag:s6], $0x2000  }
0xfb: {  	[sflag:s6] =	ssyncset.done @!p0 $0x0  }
0xfc: {  	s1 =	sadd.s32 @!p0 $0x480, s1;
	[sflag:s6] =	ssyncadd.s32 @!p0 $0xFFFFE000;
	s6 =	simm.s32 @!p0 $0xB220  }
0xfd: {  	[tilespmem:s6], [sflag:$0x4] =	stream.indirect.gather @!p0 [hbm4b:s4+s9], $0x40, s1, s9, $0xb8;
	[tilespmem:$0x1B220] =	vst v63  }
0xfe: {  	_ =	swait.ge [sflag:s30], $0x2000  }
0xff: {  	[sflag:s30] =	ssyncset.done $0x0  }
0x100: {  	s0 =	sadd.s32 $0x2990, s12;
	[sflag:s30] =	ssyncadd.s32 $0xFFFFE000  }
0x101: {  	[spmem:s2] =	stream.indirect.scatter.add.f32 [tilespmem:s24], [sflag:$0xC], $0x40, s0, s17, $0xb8;
	[tilespmem:$0x1B220] =	vst v63  }
0x102: {  	s11 =	simm.s32 $0x4E20;
	s10 =	simm.s32 $0x2700;
	s9 =	simm.s32 $0x10  }
0x103: {  	[tilespmem:s11], [sflag:$0xD] =	stream.indirect.gather [hbm4b:s4+s9], $0x40, s10, s9, $0xb8;
	[tilespmem:$0x1B220] =	vst v63  }
0x104: {  	_ =	swait.ge [sflag:s15], $0x400  }
0x105: {  	[sflag:s15] =	ssyncset.done $0x0  }
0x106: {  	s12 =	simm.s32 $0x4E10;
	[sflag:s15] =	ssyncadd.s32 $0xFFFFFC00  }
0x107: {  	[spmem:s2] =	stream.indirect.scatter.add.f32 [tilespmem:s11], [sflag:$0xD], $0x40, s12, s9, $0xb8;
	[tilespmem:$0x1B220] =	vst v63  }
0x108: {  	_ =	swait.ge [sflag:s15], $0x400  }
0x109: {  	[sflag:s15] =	ssyncset.done $0x0  }
0x10a: {  	s13 =	simm.s32 $0xB;
	[sflag:s15] =	ssyncadd.s32 $0xFFFFFC00  }
0x10b: {  	_ =	swait.ge [sflag:s13], $0x2000  }
0x10c: {  	[sflag:s13] =	ssyncset.done $0x0  }
0x10d: {  	[sflag:s13] =	ssyncadd.s32 $0xFFFFE000  }
0x10e: {  	_ =	swait.ge [sflag:s21], $0x2000  }
0x10f: {  	[sflag:s21] =	ssyncset.done $0x0  }
0x110: {  	s16 =	stileid.u32;
	[sflag:s21] =	ssyncadd.s32 $0xFFFFE000  }
0x111: {  	s0 =	sshll.u32 s16, $0x6;
	[bflag:$0x0] =	sbarrier.arrive $0xFFFF  }
0x112: {  	s19 =	sshrl.u32 s5, $0x3;
	s0 =	sor.u32 $0x1C0D, s0;
	s20 =	rddreg [dreg:$0xa]  }
0x113: {  	[hbm:s20], [sflag:s0] =	dma.local [spmem:s19], $0x1400  }
0x114: {  	_ =	swait.ge [sflag:s15], $0x1400  }
0x115: {  	s3 =	sadd.s32 $0x1, s3;
	s31 =	rddreg [dreg:$0xb]  }
0x116: {  	p0 =	sne.s32 s3, s31  }
.Ltmp2:
0x117: {  	_ = 	snop;
	(pc) =	sbr.rel @p0 .LBB2_1-.Ltmp2, $3  }
0x118: {  	_ =	sdelay $0x1  }
0x119: {  	[sflag:s15] =	ssyncset.done $0x0  }
0x11a: {  	[sflag:s15] =	ssyncadd.s32 $0xFFFFEC00  }
0x11b: {  	_ =	sfence.sel $0x180000  }
0x11c: {  	[bflag:$0x0] =	sbarrier.arrive $0xFFFF  }
0x11d: {  	_ =	strace $0x9000004A  }
0x11e: {  	s0 =	stileid.u32;
	[bflag:$0x2] =	sbarrier.arrive $0xFFFF  }
0x11f: {  	p0 =	sne.s32 s0, $0x0;
	s0 =	rddreg [dreg:$0x2]  }
0x120: {  	s0 =	sadd.s32 @!p0 $0x100000, s0  }
0x121: {  	[sflag:s0] =	ssyncadd.tile.s32 @!p0 $0x1;
	_ =	shalt  }
.Lfunc_end2:
_tile_overlayer_lowered:
.L_overlay_start_2:
0x122: {  	(tag) =	ssettag $0x2  }
0x123: {  	s0 =	rddreg [dreg:$0x0];
	s2 =	stileid.u32  }
0x124: {  	s1 =	rddreg [dreg:$0x1];
	p0 =	sne.s32 s2, $0x0  }
0x125: {  	s3 =	rddreg [dreg:$0x2];
	[bflag:$0x3] =	sbarrier.arrive $0xFFFF;
	s2 =	simm.s32 @!p0 $0x1C0D  }
0x126: {  	[timem:s3], [sflag:s2] =	dma.local @!p0 [hbm:s0], s1  }
0x127: {  	s0 =	simm.s32 @!p0 $0xD  }
0x128: {  	_ =	swait.ge @!p0 [sflag:s0], s1  }
0x129: {  	s1 =	ssub.s32 @!p0 $0x0, s1;
	[sflag:s0] =	ssyncset.done @!p0 $0x0  }
0x12a: {  	[sflag:s0] =	ssyncadd.s32 @!p0 s1  }
0x12b: {  	[bflag:$0x3] =	sbarrier.arrive $0xFFFF  }
0x12c: {  	_ =	shalt  }

// kernel: kernel.15.cloned.1.call-start
scs
__scs_entry_jumppad:
0x0: {  	(pc) =	sbr.rel $0x88, $3  }
0x1: {  	(tag) =	ssettag $0x0;
	lr =	simm.s32 $0x1  }
0x2: {  	[smem:$0x3F99] =	sst lr;
	_ =	strace $0xD0000000  }
0x3: {  	_ = 	snop  }
0x4: {  	_ = 	snop  }
0x5: {  	_ = 	snop  }
0x6: {  	_ = 	snop  }
0x7: {  	_ = 	snop  }
__scs_overlays_trampoline_lowered:
0x8: {  	[smem:$0x3FA8] =	sst s0  }
0x9: {  	[smem:$0x3FA9] =	sst s1  }
0xa: {  	[smem:$0x3FAA] =	sst s2  }
0xb: {  	[smem:$0x3FAB] =	sst s3  }
0xc: {  	[smem:$0x3FAC] =	sst s4  }
0xd: {  	[smem:$0x3FAD] =	sst s5  }
0xe: {  	[smem:$0x3FAE] =	sst s6  }
0xf: {  	[smem:$0x3FAF] =	sst s7  }
0x10: {  	[smem:$0x3FB0] =	sst s8  }
0x11: {  	[smem:$0x3FB1] =	sst s9;
	s0 =	simm.s32 @!p0 $0x0  }
0x12: {  	s1 =	sld [smem:$0x3F97];
	s0 =	simm.s32 @p0 $0x1  }
0x13: {  	[smem:$0x3FB2] =	sst s0;
	s0 =	simm.s32 @!p1 $0x0  }
0x14: {  	s2 =	sld [smem:$0x3F96];
	s0 =	simm.s32 @p1 $0x1  }
0x15: {  	[smem:$0x3FB3] =	sst s0;
	s0 =	simm.s32 @!p2 $0x0  }
0x16: {  	s3 =	sld [smem:$0x3FDB];
	s0 =	simm.s32 @p2 $0x1  }
0x17: {  	s4 =	simm.s32 $0x1BF5;
	[smem:$0x3FB5] =	sst s0  }
0x18: {  	s0 =	sld [smem:$0x3F98];
	_ =	swait.ge [sflag:s4], $0x0  }
0x19: {  	s7 =	sld [smem:$0x3F99]  }
0x1a: {  	s8 =	sadd.s32 $0xFFFFE003, lr  }
0x1b: {  	s9 =	sadd.s32 $0xFFFFFEF7, lr;
	s5 =	simm.s32 $0xFFFFFFFF;
	p2 =	slt.u32 s8, $0xFFFFF086  }
0x1c: {  	p1 =	slt.u32 s9, $0xF7A;
	s5 =	simm.s32 @!p2 $0x0  }
0x1d: {  	s5 =	simm.s32 @p1 $0x1;
	p0 =	seq.s32 s7, s2  }
0x1e: {  	s7 =	smul.u32 @!p0 $0xF7A, s2;
	p2 =	seq.s32 @!p0 s5, $0x0  }
0x1f: {  	s9 =	smul.u32 $0xF7A, s1;
	s8 =	simm.s32 @!p0 $0x1BF5;
	p2 =	por !p2, p0  }
0x20: {  	[sflag:s8] =	ssyncset.s32 @!p0 $0xFFFFF086;
	s6 =	sadd.s32 @!p0 s3, s7;
	s7 =	simm.s32 @!p0 $0x108  }
0x21: {  	s3 =	sadd.s32 s3, s9;
	s6 =	sadd.s32 @!p0 $0x88, s6;
	s7 =	simm.s32 @p2 $0x1082  }
0x22: {  	[simem:s7], [sflag:s8] =	dma.local @!p0 [hbm:s6], $0xF7A  }
0x23: {  	s9 =	sor.u32 $0xD0000000, s2;
	s6 =	simm.s32 $0x108;
	_ =	swait.ge @!p0 [sflag:s8], $0x0  }
0x24: {  	s3 =	sadd.s32 $0x88, s3;
	s6 =	simm.s32 @!p1 $0x1082;
	[sflag:s4] =	ssyncset.s32 $0xFFFFF086  }
0x25: {  	[simem:s6], [sflag:s4] =	dma.local [hbm:s3], $0xF7A  }
0x26: {  	[smem:$0x3F99] =	sst s1;
	(tag) =	ssettag s2;
	_ =	strace s9  }
0x27: {  	s1 =	sld [smem:$0x3FA9]  }
0x28: {  	s2 =	sld [smem:$0x3FAA]  }
0x29: {  	s4 =	sld [smem:$0x3FAC]  }
0x2a: {  	p0 =	seq.s32 s5, $0x0;
	s5 =	sld [smem:$0x3FAD]  }
0x2b: {  	s6 =	sld [smem:$0x3FAE]  }
0x2c: {  	s7 =	sld [smem:$0x3FAF]  }
0x2d: {  	s3 =	simm.s32 $0x108;
	s8 =	sld [smem:$0x3FB0]  }
0x2e: {  	s3 =	simm.s32 @!p0 $0x1082;
	s9 =	sld [smem:$0x3FB1]  }
0x2f: {  	lr =	sadd.s32 s0, s3;
	s0 =	sld [smem:$0x3FA8]  }
0x30: {  	s3 =	sld [smem:$0x3FAB]  }
0x31: {  	[smem:$0x3FB4] =	sst s10  }
0x32: {  	s10 =	sld [smem:$0x3FB2];
	_ =	sdelay $0x3  }
0x33: {  	p0 =	seq.s32 s10, $0x1;
	s10 =	sld [smem:$0x3FB4];
	_ =	sdelay $0x3  }
0x34: {  	[smem:$0x3FB4] =	sst s10  }
0x35: {  	s10 =	sld [smem:$0x3FB3];
	_ =	sdelay $0x3  }
0x36: {  	p1 =	seq.s32 s10, $0x1;
	s10 =	sld [smem:$0x3FB4];
	_ =	sdelay $0x3  }
0x37: {  	[smem:$0x3FB4] =	sst s10  }
0x38: {  	s10 =	sld [smem:$0x3FB5]  }
0x39: {  	_ = 	snop;
	(pc) =	sbr.ind lr, $3  }
0x3a: {  	_ = 	snop  }
0x3b: {  	_ = 	snop  }
0x3c: {  	p2 =	seq.s32 s10, $0x1;
	s10 =	sld [smem:$0x3FB4]  }
0x3d: {  	_ =	shalt  }
0x3e: {  	_ =	shalt  }
0x3f: {  	_ =	shalt  }
0x40: {  	_ =	shalt  }
0x41: {  	_ =	shalt  }
0x42: {  	_ =	shalt  }
0x43: {  	_ =	shalt  }
0x44: {  	_ =	shalt  }
0x45: {  	_ =	shalt  }
0x46: {  	_ =	shalt  }
0x47: {  	_ =	shalt  }
0x48: {  	_ =	shalt  }
0x49: {  	_ =	shalt  }
0x4a: {  	_ =	shalt  }
0x4b: {  	_ =	shalt  }
0x4c: {  	_ =	shalt  }
0x4d: {  	_ =	shalt  }
0x4e: {  	_ =	shalt  }
0x4f: {  	_ =	shalt  }
0x50: {  	_ =	shalt  }
0x51: {  	_ =	shalt  }
0x52: {  	_ =	shalt  }
0x53: {  	_ =	shalt  }
0x54: {  	_ =	shalt  }
0x55: {  	_ =	shalt  }
0x56: {  	_ =	shalt  }
0x57: {  	_ =	shalt  }
0x58: {  	_ =	shalt  }
0x59: {  	_ =	shalt  }
0x5a: {  	_ =	shalt  }
0x5b: {  	_ =	shalt  }
0x5c: {  	_ =	shalt  }
0x5d: {  	_ =	shalt  }
0x5e: {  	_ =	shalt  }
0x5f: {  	_ =	shalt  }
0x60: {  	_ =	shalt  }
0x61: {  	_ =	shalt  }
0x62: {  	_ =	shalt  }
0x63: {  	_ =	shalt  }
0x64: {  	_ =	shalt  }
0x65: {  	_ =	shalt  }
0x66: {  	_ =	shalt  }
0x67: {  	_ =	shalt  }
0x68: {  	_ =	shalt  }
0x69: {  	_ =	shalt  }
0x6a: {  	_ =	shalt  }
0x6b: {  	_ =	shalt  }
0x6c: {  	_ =	shalt  }
0x6d: {  	_ =	shalt  }
0x6e: {  	_ =	shalt  }
0x6f: {  	_ =	shalt  }
0x70: {  	_ =	shalt  }
0x71: {  	_ =	shalt  }
0x72: {  	_ =	shalt  }
0x73: {  	_ =	shalt  }
0x74: {  	_ =	shalt  }
0x75: {  	_ =	shalt  }
0x76: {  	_ =	shalt  }
0x77: {  	_ =	shalt  }
0x78: {  	_ =	shalt  }
0x79: {  	_ =	shalt  }
0x7a: {  	_ =	shalt  }
0x7b: {  	_ =	shalt  }
0x7c: {  	_ =	shalt  }
0x7d: {  	_ =	shalt  }
0x7e: {  	_ =	shalt  }
0x7f: {  	_ =	shalt  }
0x80: {  	_ =	shalt  }
0x81: {  	_ =	shalt  }
0x82: {  	_ =	shalt  }
0x83: {  	_ =	shalt  }
0x84: {  	_ =	shalt  }
0x85: {  	_ =	shalt  }
0x86: {  	_ =	shalt  }
0x87: {  	_ =	shalt  }
.Lfunc_end0:
.L_simem_size_0:
called_computation.2_lowered:
.L_overlay_start_0:
0x88: {  	s2 =	sld [smem:$0x3FD9]  }
0x89: {  	s3 =	sld [smem:$0x3FFE];
	_ =	sdelay $0x1  }
0x8a: {  	s1 =	srdreg.scid  }
0x8b: {  	s0 =	sand.u32 $0x1, s1  }
0x8c: {  	s16 =	sshll.u32 s0, $0xA;
	s2 =	sadd.s32 s3, s2  }
0x8d: {  	s2 =	sadd.s32 s2, s16  }
0x8e: {  	[smem:$0x3FC0] =	sst s2  }
0x8f: {  	_ = 	snop  }
0x90: {  	(tm) =	ssettm $0x1  }
0x91: {  	s17 =	sld [smem:$0x3FFB];
	_ =	sdelay $0x3  }
0x92: {  	_ =	strace s17  }
0x93: {  	s2 =	sld [smem:$0x3FFC];
	_ =	sdelay $0x3  }
0x94: {  	_ =	strace s2  }
0x95: {  	s2 =	sld [smem:$0x3FFD];
	_ =	sdelay $0x3  }
0x96: {  	_ =	strace s2  }
0x97: {  	_ =	strace $0x8FFFFFFF  }
0x98: {  	s18 =	sld [smem:$0x3FDB];
	_ =	sdelay $0x1  }
0x99: {  	s19 =	simm.s32 $_scs_section_size  }
0x9a: {  	s4 =	simm.s32 $_size__tile_overlayer_lowered;
	s5 =	simm.s32 $_tile_overlayer_lowered  }
0x9b: {  	s22 =	simm.s32 $0x1BFF;
	s21 =	sshll.u32 s5, $0x1;
	s2 =	sadd.s32 s19, s18  }
0x9c: {  	s6 =	simm.s32 $0x0;
	s20 =	sshll.u32 s4, $0x1;
	s4 =	sadd.s32 s21, s2  }
0x9d: {  	[timem:s6], [sflag:s22] =	dma.local [hbm:s4], s20  }
0x9e: {  	_ =	swait.ge [sflag:s22], s20  }
0x9f: {  	s3 =	ssub.s32 $0x0, s20;
	[sflag:s22] =	ssyncset.done $0x0  }
0xa0: {  	[sflag:s22] =	ssyncadd.s32 s3;
	_ =	sdelay $0x1  }
0xa1: {  	s23 =	simm.s32 $0x1B8B  }
0xa2: {  	_ =	swait.ge [sflag:s23], $0x1  }
0xa3: {  	[sflag:s23] =	ssyncset.done $0x0  }
0xa4: {  	s25 =	simm.s32 $0x1B8E;
	s24 =	sld [smem:$0x3FFE];
	[sflag:s23] =	ssyncadd.s32 $0xFFFFFFFF  }
0xa5: {  	s26 =	simm.s32 $execute0_lowered;
	[smem:$0x3FD2] =	sst s25  }
0xa6: {  	s4 =	sshll.u32 s26, $0x1;
	_ =	strace $0x8000004C;
	[dreg:$0x1] =	wrdreg $0xFFFFFFFF  }
0xa7: {  	s28 =	simm.s32 $_size_execute0_lowered;
	s2 =	sadd.s32 s2, s4;
	[dreg:$0x0] =	wrdreg $0x0  }
0xa8: {  	s4 =	sshll.u32 s28, $0x1;
	[dreg:$0x2] =	wrdreg s2  }
0xa9: {  	[dreg:$0x3] =	wrdreg s4  }
0xaa: {  	[dreg:$0x4] =	wrdreg $0xC0  }
0xab: {  	_ =	task [dreg:s6], $0x5FFFF  }
0xac: {  	[dreg:$0x1] =	wrdreg $0xFFFFFFFF  }
0xad: {  	[dreg:$0x0] =	wrdreg $0x60  }
0xae: {  	[dreg:$0x2] =	wrdreg s24  }
0xaf: {  	[dreg:$0x3] =	wrdreg $0xB0200  }
0xb0: {  	[dreg:$0x4] =	wrdreg $0x9  }
0xb1: {  	_ =	task.clear_ibuf [dreg:s6], $0x5FFFF;
	_ =	strace $0x9000004C  }
0xb2: {  	s29 =	simm.s32 $0x9;
	_ =	strace $0x8000004E  }
0xb3: {  	_ =	swait.ge [sflag:s29], $0x1  }
0xb4: {  	[sflag:s29] =	ssyncadd.s32 $0xFFFFFFFF  }
0xb5: {  	_ =	strace $0x9000004E  }
0xb6: {  	_ =	sfence  }
0xb7: {  	s30 =	sld [smem:$0x0];
	_ =	sdelay $0x2  }
0xb8: {  	s31 =	sshll.u32 s1, $0xD;
	s1 =	sshrl.u32 s1, $0x2  }
0xb9: {  	s3 =	sand.u32 $0x4000, s31;
	s1 =	sadd.s32 s1, s30  }
0xba: {  	s0 =	sor.u32 s3, s0;
	s1 =	sshll.u32 s1, $0x11  }
0xbb: {  	s0 =	sor.u32 s1, s0  }
0xbc: {  	s0 =	sadd.s32 $0x8F2B, s0  }
0xbd: {  	[sflag:s0] =	ssyncadd.remote.s32 $0x1  }
0xbe: {  	_ =	sfence.sel $0xFFFF  }
0xbf: {  	[dreg:$0x0] =	wrdreg $0xFFFFFFFF;
	(pc) =	sbr.abs _section_cstart, $3  }
0xc0: {  	[dreg:$0x1] =	wrdreg $0xFFFFFFFF  }
0xc1: {  	_ =	task.clear_ibuf [dreg:s6], $0x2FFFF;
	_ =	strace $0x9FFFFFFF  }
0xc2: {  	(tm) =	ssettm $0x7FFFFFFF  }
0xc3: {  	_ =	shalt  }
tec
execute0_lowered:
.L_overlay_start_1:
0x0: {  	(tag) =	ssettag $0x1  }
0x1: {  	s0 =	srdreg.scid;
	s5 =	rddreg [dreg:$0x0]  }
0x2: {  	s8 =	stileid.u32;
	s2 =	rddreg [dreg:$0x1];
	s3 =	simm.s32 $0x0  }
0x3: {  	s14 =	simm.s32 $0x5020;
	s15 =	simm.s32 $0xD;
	s17 =	simm.s32 $0x80  }
0x4: {  	s18 =	simm.s32 $0x6020;
	s0 =	sand.u32 $0x1, s0;
	s6 =	smul.u32 $0x5000, s8  }
0x5: {  	s31 =	simm.s32 $0x9020;
	s1 =	sshll.u32 s0, $0x4;
	s7 =	smul.u32 $0x50000, s0  }
0x6: {  	s0 =	ssub.s32 $0x2, s0;
	s1 =	sor.u32 s8, s1;
	s8 =	smul.u32 $0x14000, s8  }
0x7: {  	s28 =	simm.s32 $0x4;
	[smem:$0x7FF] =	sst s3;
	s9 =	sshrl.u32 s0, $0x1  }
0x8: {  	_ =	strace $0x8000004D;
	s0 =	ssub.s32 s0, s9;
	s8 =	sshrl.u32 s8, $0x2  }
0x9: {  	[dreg:$0x3] =	wrdreg s31;
	s0 =	smax.u32 s0, $0x1;
	s8 =	sadd.s32 s8, s2  }
0xa: {  	s29 =	simm.s32 $0x9;
	[dreg:$0xb] =	wrdreg s0;
	s21 =	sadd.s32 $0x1000, s8  }
0xb: {  	s1 =	smul.u32 $0x4E2, s1;
	s22 =	sadd.s32 $0x2000, s8;
	[dreg:$0x4] =	wrdreg s21  }
0xc: {  	s7 =	sadd.s32 s6, s7;
	s23 =	sadd.s32 $0x3000, s8;
	[dreg:$0x5] =	wrdreg s22  }
0xd: {  	s1 =	sadd.s32 s1, s5;
	s24 =	sadd.s32 $0x4000, s8;
	[dreg:$0x6] =	wrdreg s23  }
0xe: {  	s7 =	sshrl.u32 s7, $0x3;
	s25 =	sadd.s32 $0xC400, s1;
	[dreg:$0x7] =	wrdreg s24  }
0xf: {  	s7 =	sadd.s32 s7, s5;
	s1 =	sadd.s32 $0x2600, s1;
	[dreg:$0x8] =	wrdreg s25  }
0x10: {  	s30 =	simm.s32 $0x6;
	s26 =	sadd.s32 $0x20200, s7;
	[dreg:$0x9] =	wrdreg s1  }
0x11: {  	s4 =	sadd.s32 $0x16200, s5;
	s5 =	sadd.s32 s6, s2;
	[dreg:$0xa] =	wrdreg s26  }
0x12: {  	s22 =	simm.s32 $0x8020;
	s23 =	simm.s32 $0x1;
	s24 =	simm.s32 $0xA020  }
0x13: {  	v0 =	vimm.f32 $0.0e+00;
	s25 =	simm.s32 $0x2;
	s26 =	simm.s32 $0x7;
	s21 =	simm.s32 $0xC  }
.LBB2_1:
0x14: {  	s0 =	simm.s32 $0x80;
	s1 =	simm.s32 $0x0  }
.LBB2_2:
0x15: {  	p0 =	sne.s32 s0, $0x3F80;
	[tilespmem:s1+$0x5020] =	vst v0;
	s6 =	smov.u32 s0;
	s0 =	sadd.s32 $0x80, s0  }
.Ltmp0:
0x16: {  	[tilespmem:s1+$0x5030] =	vst v0;
	(pc) =	sbr.rel @p0 .LBB2_2-.Ltmp0, $2  }
0x17: {  	_ =	sdelay $0x2  }
0x18: {  	s1 =	sshra.s32 s6, $0x2  }
0x19: {  	[tilespmem:s1+$0x5020] =	vst v0  }
0x1a: {  	[tilespmem:s1+$0x5030] =	vst v0  }
0x1b: {  	[spmem:s5] =	stream.linear.scatter [tilespmem:s14], [sflag:$0xD], $0x1000, $0x38;
	[tilespmem:$0x10020] =	vst v63  }
0x1c: {  	_ =	swait.ge [sflag:s15], $0x1000  }
0x1d: {  	[sflag:s15] =	ssyncset.done $0x0  }
0x1e: {  	s0 =	rddreg [dreg:$0x4];
	[sflag:s15] =	ssyncadd.s32 $0xFFFFF000  }
0x1f: {  	[spmem:s0] =	stream.linear.scatter [tilespmem:s14], [sflag:$0xD], $0x1000, $0x38;
	[tilespmem:$0x10020] =	vst v63  }
0x20: {  	_ =	swait.ge [sflag:s15], $0x1000  }
0x21: {  	[sflag:s15] =	ssyncset.done $0x0  }
0x22: {  	s16 =	rddreg [dreg:$0x5];
	[sflag:s15] =	ssyncadd.s32 $0xFFFFF000  }
0x23: {  	[spmem:s16] =	stream.linear.scatter [tilespmem:s14], [sflag:$0xD], $0x1000, $0x38;
	[tilespmem:$0x10020] =	vst v63  }
0x24: {  	_ =	swait.ge [sflag:s15], $0x1000  }
0x25: {  	[sflag:s15] =	ssyncset.done $0x0  }
0x26: {  	s19 =	rddreg [dreg:$0x6];
	[sflag:s15] =	ssyncadd.s32 $0xFFFFF000  }
0x27: {  	[spmem:s19] =	stream.linear.scatter [tilespmem:s14], [sflag:$0xD], $0x1000, $0x38;
	[tilespmem:$0x10020] =	vst v63  }
0x28: {  	_ =	swait.ge [sflag:s15], $0x1000  }
0x29: {  	[sflag:s15] =	ssyncset.done $0x0  }
0x2a: {  	s20 =	rddreg [dreg:$0x7];
	[sflag:s15] =	ssyncadd.s32 $0xFFFFF000  }
0x2b: {  	[spmem:s20] =	stream.linear.scatter [tilespmem:s14], [sflag:$0xD], $0x1000, $0x38;
	[tilespmem:$0x10020] =	vst v63  }
0x2c: {  	_ =	swait.ge [sflag:s15], $0x1000  }
0x2d: {  	[sflag:s15] =	ssyncset.done $0x0  }
0x2e: {  	s31 =	simm.s32 $0x0;
	s7 =	rddreg [dreg:$0x8];
	[sflag:s15] =	ssyncadd.s32 $0xFFFFF000  }
0x2f: {  	[tilespmem:s31], [sflag:$0xD] =	stream.linear.gather [hbm4b:s7+s31], $0x2710, $0x38;
	[tilespmem:$0x10020] =	vst v63  }
0x30: {  	_ =	swait.ge [sflag:s15], $0x2710  }
0x31: {  	[sflag:s15] =	ssyncset.done $0x0  }
0x32: {  	s6 =	simm.s32 $0x2710;
	s8 =	rddreg [dreg:$0x9];
	[sflag:s15] =	ssyncadd.s32 $0xFFFFD8F0  }
0x33: {  	[tilespmem:s6], [sflag:$0xD] =	stream.linear.gather [hbm4b:s8+s31], $0x2710, $0x38;
	[tilespmem:$0x10020] =	vst v63  }
0x34: {  	_ =	swait.ge [sflag:s15], $0x2710  }
0x35: {  	[sflag:s15] =	ssyncset.done $0x0  }
0x36: {  	[sflag:s15] =	ssyncadd.s32 $0xFFFFD8F0  }
0x37: {  	[tilespmem:s14], [sflag:$0x1] =	stream.indirect.gather [hbm4b:s4+s17], $0x20, s31, s17, $0xb8;
	[tilespmem:$0x10020] =	vst v63  }
0x38: {  	_ = 	snop  }
0x39: {  	[tilespmem:s18], [sflag:$0x2] =	stream.indirect.gather [hbm4b:s4+s17], $0x20, s17, s17, $0xb8;
	[tilespmem:$0x10020] =	vst v63  }
0x3a: {  	s9 =	simm.s32 $0x100;
	s10 =	simm.s32 $0x7020  }
0x3b: {  	[tilespmem:s10], [sflag:$0x3] =	stream.indirect.gather [hbm4b:s4+s17], $0x20, s9, s17, $0xb8;
	[tilespmem:$0x10020] =	vst v63  }
0x3c: {  	s11 =	simm.s32 $0x180;
	p0 =	por $0x1, $0x1  }
0x3d: {  	[tilespmem:s22], [sflag:$0x4] =	stream.indirect.gather [hbm4b:s4+s17], $0x20, s11, s17, $0xb8;
	[tilespmem:$0x10020] =	vst v63  }
0x3e: {  	s0 =	simm.s32 @!p0 $0xB;
	[bflag:$0x0] =	sbarrier.arrive $0xFFFF  }
0x3f: {  	_ =	swait.ge @!p0 [sflag:s0], $0x1000  }
0x40: {  	[sflag:s0] =	ssyncset.done @!p0 $0x0  }
0x41: {  	s13 =	simm.s32 $0x200;
	s12 =	rddreg [dreg:$0x3];
	[sflag:s0] =	ssyncadd.s32 @!p0 $0xFFFFF000  }
0x42: {  	[tilespmem:s12], [sflag:$0x5] =	stream.indirect.gather [hbm4b:s4+s17], $0x20, s13, s17, $0xb8;
	[tilespmem:$0x10020] =	vst v63  }
0x43: {  	_ =	swait.ge [sflag:s23], $0x1000  }
0x44: {  	[sflag:s23] =	ssyncset.done $0x0  }
0x45: {  	s1 =	simm.s32 @!p0 $0xC;
	s16 =	simm.s32 $0x2710;
	[sflag:s23] =	ssyncadd.s32 $0xFFFFF000  }
0x46: {  	[spmem:s2] =	stream.indirect.scatter.add.f32 [tilespmem:s14], [sflag:$0x7], $0x20, s16, s17, $0xb8;
	[tilespmem:$0x10020] =	vst v63  }
0x47: {  	_ =	swait.ge @!p0 [sflag:s1], $0x1000  }
0x48: {  	[sflag:s1] =	ssyncset.done @!p0 $0x0  }
0x49: {  	s19 =	simm.s32 $0x280;
	[sflag:s1] =	ssyncadd.s32 @!p0 $0xFFFFF000  }
0x4a: {  	[tilespmem:s24], [sflag:$0x6] =	stream.indirect.gather [hbm4b:s4+s17], $0x20, s19, s17, $0xb8;
	[tilespmem:$0x10020] =	vst v63  }
0x4b: {  	_ =	swait.ge [sflag:s25], $0x1000  }
0x4c: {  	[sflag:s25] =	ssyncset.done $0x0  }
0x4d: {  	s20 =	simm.s32 $0x2790;
	[sflag:s25] =	ssyncadd.s32 $0xFFFFF000  }
0x4e: {  	[spmem:s2] =	stream.indirect.scatter.add.f32 [tilespmem:s18], [sflag:$0x8], $0x20, s20, s17, $0xb8;
	[tilespmem:$0x10020] =	vst v63  }
0x4f: {  	_ =	swait.ge [sflag:s26], $0x1000  }
0x50: {  	p0 =	por $0x0, $0x0;
	[sflag:s26] =	ssyncset.done $0x0  }
0x51: {  	s0 =	simm.s32 @p0 $0x3;
	[sflag:s26] =	ssyncadd.s32 $0xFFFFF000  }
0x52: {  	_ =	swait.ge @p0 [sflag:s0], $0x1000  }
0x53: {  	s1 =	simm.s32 @p0 $0x2810;
	s6 =	simm.s32 @p0 $0x8;
	[sflag:s0] =	ssyncset.done @p0 $0x0  }
0x54: {  	s7 =	simm.s32 @p0 $0x7020;
	[sflag:s0] =	ssyncadd.s32 @p0 $0xFFFFF000;
	s0 =	simm.s32 @p0 $0x80  }
0x55: {  	[spmem:s2] =	stream.indirect.scatter.add.f32 @p0 [tilespmem:s7], [sflag:$0x9], $0x20, s1, s0, $0xb8;
	[tilespmem:$0x10020] =	vst v63  }
0x56: {  	_ =	swait.ge @p0 [sflag:s6], $0x1000  }
0x57: {  	s8 =	simm.s32 @!p0 $0x5020;
	s1 =	simm.s32 @!p0 $0x300;
	[sflag:s6] =	ssyncset.done @p0 $0x0  }
0x58: {  	s7 =	simm.s32 @!p0 $0x3;
	[sflag:s6] =	ssyncadd.s32 @p0 $0xFFFFF000;
	s6 =	simm.s32 @!p0 $0x80  }
0x59: {  	[tilespmem:s8], [sflag:$0x1] =	stream.indirect.gather @!p0 [hbm4b:s4+s6], $0x20, s1, s6, $0xb8;
	[tilespmem:$0x10020] =	vst v63  }
0x5a: {  	_ =	swait.ge @!p0 [sflag:s7], $0x1000  }
0x5b: {  	s1 =	simm.s32 @!p0 $0x2810;
	[sflag:s7] =	ssyncset.done @!p0 $0x0  }
0x5c: {  	s8 =	simm.s32 @!p0 $0x8;
	[sflag:s7] =	ssyncadd.s32 @!p0 $0xFFFFF000;
	s7 =	simm.s32 @!p0 $0x7020  }
0x5d: {  	[spmem:s2] =	stream.indirect.scatter.add.f32 @!p0 [tilespmem:s7], [sflag:$0x9], $0x20, s1, s6, $0xb8;
	[tilespmem:$0x10020] =	vst v63  }
0x5e: {  	_ =	swait.ge @!p0 [sflag:s8], $0x1000  }
0x5f: {  	[sflag:s8] =	ssyncset.done @!p0 $0x0  }
0x60: {  	s1 =	simm.s32 @!p0 $0x380;
	[sflag:s8] =	ssyncadd.s32 @!p0 $0xFFFFF000;
	s8 =	simm.s32 @!p0 $0x6020  }
0x61: {  	[tilespmem:s8], [sflag:$0x2] =	stream.indirect.gather @!p0 [hbm4b:s4+s6], $0x20, s1, s6, $0xb8;
	[tilespmem:$0x10020] =	vst v63  }
0x62: {  	_ =	swait.ge [sflag:s28], $0x1000  }
0x63: {  	[sflag:s28] =	ssyncset.done $0x0  }
0x64: {  	s31 =	simm.s32 $0x2890;
	[sflag:s28] =	ssyncadd.s32 $0xFFFFF000  }
0x65: {  	[spmem:s2] =	stream.indirect.scatter.add.f32 [tilespmem:s22], [sflag:$0xA], $0x20, s31, s17, $0xb8;
	[tilespmem:$0x10020] =	vst v63  }
0x66: {  	_ =	swait.ge [sflag:s29], $0x1000  }
0x67: {  	[sflag:s29] =	ssyncset.done $0x0  }
0x68: {  	s1 =	simm.s32 @p0 $0x5;
	[sflag:s29] =	ssyncadd.s32 $0xFFFFF000  }
0x69: {  	_ =	swait.ge @p0 [sflag:s1], $0x1000  }
0x6a: {  	[sflag:s1] =	ssyncset.done @p0 $0x0  }
0x6b: {  	s8 =	simm.s32 @p0 $0x2910;
	[sflag:s1] =	ssyncadd.s32 @p0 $0xFFFFF000;
	s1 =	simm.s32 @p0 $0x9020  }
0x6c: {  	[spmem:s2] =	stream.indirect.scatter.add.f32 @p0 [tilespmem:s1], [sflag:$0xB], $0x20, s8, s0, $0xb8;
	[tilespmem:$0x10020] =	vst v63  }
0x6d: {  	s0 =	simm.s32 @p0 $0xA  }
0x6e: {  	_ =	swait.ge @p0 [sflag:s0], $0x1000  }
0x6f: {  	[sflag:s0] =	ssyncset.done @p0 $0x0  }
0x70: {  	[sflag:s0] =	ssyncadd.s32 @p0 $0xFFFFF000;
	s0 =	simm.s32 @!p0 $0x400  }
0x71: {  	[tilespmem:s7], [sflag:$0x3] =	stream.indirect.gather @!p0 [hbm4b:s4+s6], $0x20, s0, s6, $0xb8;
	[tilespmem:$0x10020] =	vst v63  }
0x72: {  	s0 =	simm.s32 @!p0 $0x5  }
0x73: {  	_ =	swait.ge @!p0 [sflag:s0], $0x1000  }
0x74: {  	[sflag:s0] =	ssyncset.done @!p0 $0x0  }
0x75: {  	s1 =	simm.s32 @!p0 $0x2910;
	[sflag:s0] =	ssyncadd.s32 @!p0 $0xFFFFF000;
	s0 =	simm.s32 @!p0 $0x9020  }
0x76: {  	[spmem:s2] =	stream.indirect.scatter.add.f32 @!p0 [tilespmem:s0], [sflag:$0xB], $0x20, s1, s6, $0xb8;
	[tilespmem:$0x10020] =	vst v63  }
0x77: {  	s0 =	simm.s32 @!p0 $0xA  }
0x78: {  	_ =	swait.ge @!p0 [sflag:s0], $0x1000  }
0x79: {  	[sflag:s0] =	ssyncset.done @!p0 $0x0  }
0x7a: {  	s1 =	simm.s32 @!p0 $0x480;
	[sflag:s0] =	ssyncadd.s32 @!p0 $0xFFFFF000;
	s0 =	simm.s32 @!p0 $0x8020  }
0x7b: {  	[tilespmem:s0], [sflag:$0x4] =	stream.indirect.gather @!p0 [hbm4b:s4+s6], $0x20, s1, s6, $0xb8;
	[tilespmem:$0x10020] =	vst v63  }
0x7c: {  	p1 =	por $0x0, $0x0;
	s19 =	simm.s32 $0x1800;
	_ =	swait.ge [sflag:s30], $0x1000  }
0x7d: {  	s1 =	simm.s32 $0xC00;
	s0 =	simm.s32 $0x2990;
	[sflag:s30] =	ssyncset.done $0x0  }
.LBB2_4:
0x7e: {  	s7 =	simm.s32 @!p1 $0xB;
	[sflag:s30] =	ssyncadd.s32 $0xFFFFF000  }
0x7f: {  	[spmem:s2] =	stream.indirect.scatter.add.f32 [tilespmem:s24], [sflag:$0xC], $0x20, s0, s17, $0xb8;
	[tilespmem:$0x10020] =	vst v63  }
0x80: {  	_ =	swait.ge @!p1 [sflag:s7], $0x1000  }
0x81: {  	s0 =	sshra.s32 s1, $0x2;
	[sflag:s7] =	ssyncset.done @!p1 $0x0  }
0x82: {  	s12 =	sadd.s32 $0x200, s0;
	s8 =	rddreg [dreg:$0x3];
	[sflag:s7] =	ssyncadd.s32 @!p1 $0xFFFFF000  }
0x83: {  	[tilespmem:s8], [sflag:$0x5] =	stream.indirect.gather [hbm4b:s4+s17], $0x20, s12, s17, $0xb8;
	[tilespmem:$0x10020] =	vst v63  }
0x84: {  	_ =	swait.ge [sflag:s23], $0x1000  }
0x85: {  	[sflag:s23] =	ssyncset.done $0x0  }
0x86: {  	s13 =	sadd.s32 $0x2710, s0;
	s8 =	simm.s32 @!p1 $0xC;
	[sflag:s23] =	ssyncadd.s32 $0xFFFFF000  }
0x87: {  	[spmem:s2] =	stream.indirect.scatter.add.f32 [tilespmem:s14], [sflag:$0x7], $0x20, s13, s17, $0xb8;
	[tilespmem:$0x10020] =	vst v63  }
0x88: {  	_ =	swait.ge @!p1 [sflag:s8], $0x1000  }
0x89: {  	[sflag:s8] =	ssyncset.done @!p1 $0x0  }
0x8a: {  	s16 =	sadd.s32 $0x280, s0;
	[sflag:s8] =	ssyncadd.s32 @!p1 $0xFFFFF000  }
0x8b: {  	[tilespmem:s24], [sflag:$0x6] =	stream.indirect.gather [hbm4b:s4+s17], $0x20, s16, s17, $0xb8;
	[tilespmem:$0x10020] =	vst v63  }
0x8c: {  	_ =	swait.ge [sflag:s25], $0x1000  }
0x8d: {  	[sflag:s25] =	ssyncset.done $0x0  }
0x8e: {  	s20 =	sadd.s32 $0x2790, s0;
	[sflag:s25] =	ssyncadd.s32 $0xFFFFF000  }
0x8f: {  	[spmem:s2] =	stream.indirect.scatter.add.f32 [tilespmem:s18], [sflag:$0x8], $0x20, s20, s17, $0xb8;
	[tilespmem:$0x10020] =	vst v63  }
0x90: {  	_ =	swait.ge [sflag:s26], $0x1000  }
0x91: {  	s6 =	smov.u32 s19;
	p1 =	seq.s32 s1, $0x9000;
	[sflag:s26] =	ssyncset.done $0x0  }
0x92: {  	s7 =	simm.s32 @p1 $0x3;
	s8 =	sshra.s32 @p1 s1, $0x2;
	[sflag:s26] =	ssyncadd.s32 $0xFFFFF000  }
0x93: {  	s1 =	sshra.s32 @!p1 s1, $0x2;
	s11 =	simm.s32 @p1 $0x8;
	_ =	swait.ge @p1 [sflag:s7], $0x1000  }
0x94: {  	s9 =	simm.s32 @p1 $0x80;
	s16 =	simm.s32 @!p1 $0x3;
	[sflag:s7] =	ssyncset.done @p1 $0x0  }
0x95: {  	s10 =	sadd.s32 @p1 $0x2810, s8;
	[sflag:s7] =	ssyncadd.s32 @p1 $0xFFFFF000;
	s7 =	simm.s32 @p1 $0x7020  }
0x96: {  	[spmem:s2] =	stream.indirect.scatter.add.f32 @p1 [tilespmem:s7], [sflag:$0x9], $0x20, s10, s9, $0xb8;
	[tilespmem:$0x10020] =	vst v63  }
0x97: {  	s12 =	sadd.s32 @!p1 $0x300, s1;
	s13 =	sadd.s32 @!p1 $0x2810, s1;
	_ =	swait.ge @p1 [sflag:s11], $0x1000  }
0x98: {  	s31 =	sadd.s32 @!p1 $0x380, s1;
	s20 =	sadd.s32 @p1 $0x2910, s8;
	[sflag:s11] =	ssyncset.done @p1 $0x0  }
0x99: {  	s8 =	simm.s32 @!p1 $0x5020;
	s7 =	simm.s32 @!p1 $0x80;
	[sflag:s11] =	ssyncadd.s32 @p1 $0xFFFFF000  }
0x9a: {  	[tilespmem:s8], [sflag:$0x1] =	stream.indirect.gather @!p1 [hbm4b:s4+s7], $0x20, s12, s7, $0xb8;
	[tilespmem:$0x10020] =	vst v63  }
0x9b: {  	s10 =	sadd.s32 @!p1 $0x2910, s1;
	s11 =	sadd.s32 @!p1 $0x400, s1;
	_ =	swait.ge @!p1 [sflag:s16], $0x1000  }
0x9c: {  	s8 =	sadd.s32 @!p1 $0x480, s1;
	s1 =	smov.u32 s6;
	[sflag:s16] =	ssyncset.done @!p1 $0x0  }
0x9d: {  	s6 =	simm.s32 @!p1 $0x7020;
	s12 =	simm.s32 @!p1 $0x8;
	[sflag:s16] =	ssyncadd.s32 @!p1 $0xFFFFF000  }
0x9e: {  	[spmem:s2] =	stream.indirect.scatter.add.f32 @!p1 [tilespmem:s6], [sflag:$0x9], $0x20, s13, s7, $0xb8;
	[tilespmem:$0x10020] =	vst v63  }
0x9f: {  	_ =	swait.ge @!p1 [sflag:s12], $0x1000  }
0xa0: {  	[sflag:s12] =	ssyncset.done @!p1 $0x0  }
0xa1: {  	[sflag:s12] =	ssyncadd.s32 @!p1 $0xFFFFF000;
	s12 =	simm.s32 @!p1 $0x6020  }
0xa2: {  	[tilespmem:s12], [sflag:$0x2] =	stream.indirect.gather @!p1 [hbm4b:s4+s7], $0x20, s31, s7, $0xb8;
	[tilespmem:$0x10020] =	vst v63  }
0xa3: {  	_ =	swait.ge [sflag:s28], $0x1000  }
0xa4: {  	[sflag:s28] =	ssyncset.done $0x0  }
0xa5: {  	s31 =	sadd.s32 $0x2890, s0;
	[sflag:s28] =	ssyncadd.s32 $0xFFFFF000  }
0xa6: {  	[spmem:s2] =	stream.indirect.scatter.add.f32 [tilespmem:s22], [sflag:$0xA], $0x20, s31, s17, $0xb8;
	[tilespmem:$0x10020] =	vst v63  }
0xa7: {  	_ =	swait.ge [sflag:s29], $0x1000  }
0xa8: {  	[sflag:s29] =	ssyncset.done $0x0  }
0xa9: {  	s12 =	simm.s32 @p1 $0x5;
	[sflag:s29] =	ssyncadd.s32 $0xFFFFF000  }
0xaa: {  	_ =	swait.ge @p1 [sflag:s12], $0x1000  }
0xab: {  	[sflag:s12] =	ssyncset.done @p1 $0x0  }
0xac: {  	s13 =	simm.s32 @p1 $0xA;
	[sflag:s12] =	ssyncadd.s32 @p1 $0xFFFFF000;
	s12 =	simm.s32 @p1 $0x9020  }
0xad: {  	[spmem:s2] =	stream.indirect.scatter.add.f32 @p1 [tilespmem:s12], [sflag:$0xB], $0x20, s20, s9, $0xb8;
	[tilespmem:$0x10020] =	vst v63  }
0xae: {  	_ =	swait.ge @p1 [sflag:s13], $0x1000  }
0xaf: {  	[sflag:s13] =	ssyncset.done @p1 $0x0  }
0xb0: {  	s9 =	simm.s32 @!p1 $0x5;
	[sflag:s13] =	ssyncadd.s32 @p1 $0xFFFFF000  }
0xb1: {  	[tilespmem:s6], [sflag:$0x3] =	stream.indirect.gather @!p1 [hbm4b:s4+s7], $0x20, s11, s7, $0xb8;
	[tilespmem:$0x10020] =	vst v63  }
0xb2: {  	_ =	swait.ge @!p1 [sflag:s9], $0x1000  }
0xb3: {  	s19 =	sadd.s32 $0xC00, s19;
	[sflag:s9] =	ssyncset.done @!p1 $0x0  }
0xb4: {  	s6 =	simm.s32 @!p1 $0x9020;
	[sflag:s9] =	ssyncadd.s32 @!p1 $0xFFFFF000;
	s9 =	simm.s32 @!p1 $0xA  }
0xb5: {  	[spmem:s2] =	stream.indirect.scatter.add.f32 @!p1 [tilespmem:s6], [sflag:$0xB], $0x20, s10, s7, $0xb8;
	[tilespmem:$0x10020] =	vst v63  }
0xb6: {  	p0 =	sne.s32 s19, $0x9C00;
	_ =	swait.ge @!p1 [sflag:s9], $0x1000  }
.Ltmp1:
0xb7: {  	[sflag:s9] =	ssyncset.done @!p1 $0x0;
	(pc) =	sbr.rel @p0 .LBB2_4-.Ltmp1, $4  }
0xb8: {  	s6 =	simm.s32 @!p1 $0x8020;
	[sflag:s9] =	ssyncadd.s32 @!p1 $0xFFFFF000  }
0xb9: {  	[tilespmem:s6], [sflag:$0x4] =	stream.indirect.gather @!p1 [hbm4b:s4+s7], $0x20, s8, s7, $0xb8;
	[tilespmem:$0x10020] =	vst v63  }
0xba: {  	_ =	swait.ge [sflag:s30], $0x1000  }
0xbb: {  	s0 =	sadd.s32 $0x2990, s0;
	p1 =	seq.s32 s1, $0x0;
	[sflag:s30] =	ssyncset.done $0x0  }
0xbc: {  	s6 =	simm.s32 @!p1 $0xB;
	[sflag:s30] =	ssyncadd.s32 $0xFFFFF000  }
0xbd: {  	[spmem:s2] =	stream.indirect.scatter.add.f32 [tilespmem:s24], [sflag:$0xC], $0x20, s0, s17, $0xb8;
	[tilespmem:$0x10020] =	vst v63  }
0xbe: {  	_ =	swait.ge @!p1 [sflag:s6], $0x1000  }
0xbf: {  	s12 =	sshra.s32 s1, $0x2;
	[sflag:s6] =	ssyncset.done @!p1 $0x0  }
0xc0: {  	s13 =	sadd.s32 $0x200, s12;
	s7 =	rddreg [dreg:$0x3];
	[sflag:s6] =	ssyncadd.s32 @!p1 $0xFFFFF000  }
0xc1: {  	[tilespmem:s7], [sflag:$0x5] =	stream.indirect.gather [hbm4b:s4+s17], $0x20, s13, s17, $0xb8;
	[tilespmem:$0x10020] =	vst v63  }
0xc2: {  	_ =	swait.ge [sflag:s23], $0x1000  }
0xc3: {  	[sflag:s23] =	ssyncset.done $0x0  }
0xc4: {  	s16 =	sadd.s32 $0x2710, s12;
	s7 =	simm.s32 @!p1 $0xC;
	[sflag:s23] =	ssyncadd.s32 $0xFFFFF000  }
0xc5: {  	[spmem:s2] =	stream.indirect.scatter.add.f32 [tilespmem:s14], [sflag:$0x7], $0x20, s16, s17, $0xb8;
	[tilespmem:$0x10020] =	vst v63  }
0xc6: {  	_ =	swait.ge @!p1 [sflag:s7], $0x1000  }
0xc7: {  	[sflag:s7] =	ssyncset.done @!p1 $0x0  }
0xc8: {  	s19 =	sadd.s32 $0x280, s12;
	[sflag:s7] =	ssyncadd.s32 @!p1 $0xFFFFF000  }
0xc9: {  	[tilespmem:s24], [sflag:$0x6] =	stream.indirect.gather [hbm4b:s4+s17], $0x20, s19, s17, $0xb8;
	[tilespmem:$0x10020] =	vst v63  }
0xca: {  	_ =	swait.ge [sflag:s25], $0x1000  }
0xcb: {  	[sflag:s25] =	ssyncset.done $0x0  }
0xcc: {  	s20 =	sadd.s32 $0x2790, s12;
	[sflag:s25] =	ssyncadd.s32 $0xFFFFF000  }
0xcd: {  	[spmem:s2] =	stream.indirect.scatter.add.f32 [tilespmem:s18], [sflag:$0x8], $0x20, s20, s17, $0xb8;
	[tilespmem:$0x10020] =	vst v63  }
0xce: {  	_ =	swait.ge [sflag:s26], $0x1000  }
0xcf: {  	p0 =	seq.s32 s1, $0x9000;
	[sflag:s26] =	ssyncset.done $0x0  }
0xd0: {  	s6 =	simm.s32 @p0 $0x3;
	[sflag:s26] =	ssyncadd.s32 $0xFFFFF000  }
0xd1: {  	s9 =	simm.s32 @p0 $0x8;
	_ =	swait.ge @p0 [sflag:s6], $0x1000  }
0xd2: {  	s10 =	simm.s32 @p0 $0x7020;
	s7 =	sshra.s32 @p0 s1, $0x2;
	[sflag:s6] =	ssyncset.done @p0 $0x0  }
0xd3: {  	s8 =	sadd.s32 @p0 $0x2810, s7;
	[sflag:s6] =	ssyncadd.s32 @p0 $0xFFFFF000;
	s6 =	simm.s32 @p0 $0x80  }
0xd4: {  	[spmem:s2] =	stream.indirect.scatter.add.f32 @p0 [tilespmem:s10], [sflag:$0x9], $0x20, s8, s6, $0xb8;
	[tilespmem:$0x10020] =	vst v63  }
0xd5: {  	s1 =	sshra.s32 @!p0 s1, $0x2;
	_ =	swait.ge @p0 [sflag:s9], $0x1000  }
0xd6: {  	s11 =	simm.s32 @!p0 $0x5020;
	s8 =	sadd.s32 @!p0 $0x300, s1;
	[sflag:s9] =	ssyncset.done @p0 $0x0  }
0xd7: {  	s10 =	simm.s32 @!p0 $0x3;
	[sflag:s9] =	ssyncadd.s32 @p0 $0xFFFFF000;
	s9 =	simm.s32 @!p0 $0x80  }
0xd8: {  	[tilespmem:s11], [sflag:$0x1] =	stream.indirect.gather @!p0 [hbm4b:s4+s9], $0x20, s8, s9, $0xb8;
	[tilespmem:$0x10020] =	vst v63  }
0xd9: {  	_ =	swait.ge @!p0 [sflag:s10], $0x1000  }
0xda: {  	s8 =	sadd.s32 @!p0 $0x2810, s1;
	[sflag:s10] =	ssyncset.done @!p0 $0x0  }
0xdb: {  	s11 =	simm.s32 @!p0 $0x8;
	[sflag:s10] =	ssyncadd.s32 @!p0 $0xFFFFF000;
	s10 =	simm.s32 @!p0 $0x7020  }
0xdc: {  	[spmem:s2] =	stream.indirect.scatter.add.f32 @!p0 [tilespmem:s10], [sflag:$0x9], $0x20, s8, s9, $0xb8;
	[tilespmem:$0x10020] =	vst v63  }
0xdd: {  	_ =	swait.ge @!p0 [sflag:s11], $0x1000  }
0xde: {  	[sflag:s11] =	ssyncset.done @!p0 $0x0  }
0xdf: {  	s8 =	sadd.s32 @!p0 $0x380, s1;
	[sflag:s11] =	ssyncadd.s32 @!p0 $0xFFFFF000;
	s11 =	simm.s32 @!p0 $0x6020  }
0xe0: {  	[tilespmem:s11], [sflag:$0x2] =	stream.indirect.gather @!p0 [hbm4b:s4+s9], $0x20, s8, s9, $0xb8;
	[tilespmem:$0x10020] =	vst v63  }
0xe1: {  	_ =	swait.ge [sflag:s28], $0x1000  }
0xe2: {  	[sflag:s28] =	ssyncset.done $0x0  }
0xe3: {  	s31 =	sadd.s32 $0x2890, s12;
	[sflag:s28] =	ssyncadd.s32 $0xFFFFF000  }
0xe4: {  	[spmem:s2] =	stream.indirect.scatter.add.f32 [tilespmem:s22], [sflag:$0xA], $0x20, s31, s17, $0xb8;
	[tilespmem:$0x10020] =	vst v63  }
0xe5: {  	_ =	swait.ge [sflag:s29], $0x1000  }
0xe6: {  	[sflag:s29] =	ssyncset.done $0x0  }
0xe7: {  	s8 =	simm.s32 @p0 $0x5;
	[sflag:s29] =	ssyncadd.s32 $0xFFFFF000  }
0xe8: {  	_ =	swait.ge @p0 [sflag:s8], $0x1000  }
0xe9: {  	[sflag:s8] =	ssyncset.done @p0 $0x0  }
0xea: {  	s7 =	sadd.s32 @p0 $0x2910, s7;
	[sflag:s8] =	ssyncadd.s32 @p0 $0xFFFFF000;
	s8 =	simm.s32 @p0 $0x9020  }
0xeb: {  	[spmem:s2] =	stream.indirect.scatter.add.f32 @p0 [tilespmem:s8], [sflag:$0xB], $0x20, s7, s6, $0xb8;
	[tilespmem:$0x10020] =	vst v63  }
0xec: {  	s6 =	simm.s32 @p0 $0xA  }
0xed: {  	_ =	swait.ge @p0 [sflag:s6], $0x1000  }
0xee: {  	[sflag:s6] =	ssyncset.done @p0 $0x0  }
0xef: {  	[sflag:s6] =	ssyncadd.s32 @p0 $0xFFFFF000;
	s6 =	sadd.s32 @!p0 $0x400, s1  }
0xf0: {  	[tilespmem:s10], [sflag:$0x3] =	stream.indirect.gather @!p0 [hbm4b:s4+s9], $0x20, s6, s9, $0xb8;
	[tilespmem:$0x10020] =	vst v63  }
0xf1: {  	s6 =	simm.s32 @!p0 $0x5  }
0xf2: {  	_ =	swait.ge @!p0 [sflag:s6], $0x1000  }
0xf3: {  	[sflag:s6] =	ssyncset.done @!p0 $0x0  }
0xf4: {  	s7 =	sadd.s32 @!p0 $0x2910, s1;
	[sflag:s6] =	ssyncadd.s32 @!p0 $0xFFFFF000;
	s6 =	simm.s32 @!p0 $0x9020  }
0xf5: {  	[spmem:s2] =	stream.indirect.scatter.add.f32 @!p0 [tilespmem:s6], [sflag:$0xB], $0x20, s7, s9, $0xb8;
	[tilespmem:$0x10020] =	vst v63  }
0xf6: {  	s6 =	simm.s32 @!p0 $0xA  }
0xf7: {  	_ =	swait.ge @!p0 [sflag:s6], $0x1000  }
0xf8: {  	[sflag:s6] =	ssyncset.done @!p0 $0x0  }
0xf9: {  	s1 =	sadd.s32 @!p0 $0x480, s1;
	[sflag:s6] =	ssyncadd.s32 @!p0 $0xFFFFF000;
	s6 =	simm.s32 @!p0 $0x8020  }
0xfa: {  	[tilespmem:s6], [sflag:$0x4] =	stream.indirect.gather @!p0 [hbm4b:s4+s9], $0x20, s1, s9, $0xb8;
	[tilespmem:$0x10020] =	vst v63  }
0xfb: {  	_ =	swait.ge [sflag:s30], $0x1000  }
0xfc: {  	[sflag:s30] =	ssyncset.done $0x0  }
0xfd: {  	s0 =	sadd.s32 $0x2990, s12;
	[sflag:s30] =	ssyncadd.s32 $0xFFFFF000  }
0xfe: {  	[spmem:s2] =	stream.indirect.scatter.add.f32 [tilespmem:s24], [sflag:$0xC], $0x20, s0, s17, $0xb8;
	[tilespmem:$0x10020] =	vst v63  }
0xff: {  	s11 =	simm.s32 $0x4E20;
	s10 =	simm.s32 $0x2700;
	s9 =	simm.s32 $0x10  }
0x100: {  	[tilespmem:s11], [sflag:$0xD] =	stream.indirect.gather [hbm4b:s4+s9], $0x20, s10, s9, $0xb8;
	[tilespmem:$0x10020] =	vst v63  }
0x101: {  	_ =	swait.ge [sflag:s15], $0x200  }
0x102: {  	[sflag:s15] =	ssyncset.done $0x0  }
0x103: {  	s12 =	simm.s32 $0x4E10;
	[sflag:s15] =	ssyncadd.s32 $0xFFFFFE00  }
0x104: {  	[spmem:s2] =	stream.indirect.scatter.add.f32 [tilespmem:s11], [sflag:$0xD], $0x20, s12, s9, $0xb8;
	[tilespmem:$0x10020] =	vst v63  }
0x105: {  	_ =	swait.ge [sflag:s15], $0x200  }
0x106: {  	[sflag:s15] =	ssyncset.done $0x0  }
0x107: {  	s13 =	simm.s32 $0xB;
	[sflag:s15] =	ssyncadd.s32 $0xFFFFFE00  }
0x108: {  	_ =	swait.ge [sflag:s13], $0x1000  }
0x109: {  	[sflag:s13] =	ssyncset.done $0x0  }
0x10a: {  	[sflag:s13] =	ssyncadd.s32 $0xFFFFF000  }
0x10b: {  	_ =	swait.ge [sflag:s21], $0x1000  }
0x10c: {  	[sflag:s21] =	ssyncset.done $0x0  }
0x10d: {  	s16 =	stileid.u32;
	[sflag:s21] =	ssyncadd.s32 $0xFFFFF000  }
0x10e: {  	s0 =	sshll.u32 s16, $0x6;
	[bflag:$0x0] =	sbarrier.arrive $0xFFFF  }
0x10f: {  	s19 =	sshrl.u32 s5, $0x3;
	s0 =	sor.u32 $0x1C0D, s0;
	s20 =	rddreg [dreg:$0xa]  }
0x110: {  	[hbm:s20], [sflag:s0] =	dma.local [spmem:s19], $0xA00  }
0x111: {  	_ =	swait.ge [sflag:s15], $0xA00  }
0x112: {  	s3 =	sadd.s32 $0x1, s3;
	s31 =	rddreg [dreg:$0xb]  }
0x113: {  	p0 =	sne.s32 s3, s31  }
.Ltmp2:
0x114: {  	_ = 	snop;
	(pc) =	sbr.rel @p0 .LBB2_1-.Ltmp2, $3  }
0x115: {  	_ =	sdelay $0x1  }
0x116: {  	[sflag:s15] =	ssyncset.done $0x0  }
0x117: {  	[sflag:s15] =	ssyncadd.s32 $0xFFFFF600  }
0x118: {  	_ =	sfence.sel $0x180000  }
0x119: {  	[bflag:$0x0] =	sbarrier.arrive $0xFFFF  }
0x11a: {  	_ =	strace $0x9000004D  }
0x11b: {  	s0 =	stileid.u32;
	[bflag:$0x2] =	sbarrier.arrive $0xFFFF  }
0x11c: {  	p0 =	sne.s32 s0, $0x0;
	s0 =	rddreg [dreg:$0x2]  }
0x11d: {  	s0 =	sadd.s32 @!p0 $0x100000, s0  }
0x11e: {  	[sflag:s0] =	ssyncadd.tile.s32 @!p0 $0x1;
	_ =	shalt  }
.Lfunc_end2:
_tile_overlayer_lowered:
.L_overlay_start_2:
0x11f: {  	(tag) =	ssettag $0x2  }
0x120: {  	s0 =	rddreg [dreg:$0x0];
	s2 =	stileid.u32  }
0x121: {  	s1 =	rddreg [dreg:$0x1];
	p0 =	sne.s32 s2, $0x0  }
0x122: {  	s3 =	rddreg [dreg:$0x2];
	[bflag:$0x3] =	sbarrier.arrive $0xFFFF;
	s2 =	simm.s32 @!p0 $0x1C0D  }
0x123: {  	[timem:s3], [sflag:s2] =	dma.local @!p0 [hbm:s0], s1  }
0x124: {  	s0 =	simm.s32 @!p0 $0xD  }
0x125: {  	_ =	swait.ge @!p0 [sflag:s0], s1  }
0x126: {  	s1 =	ssub.s32 @!p0 $0x0, s1;
	[sflag:s0] =	ssyncset.done @!p0 $0x0  }
0x127: {  	[sflag:s0] =	ssyncadd.s32 @!p0 s1  }
0x128: {  	[bflag:$0x3] =	sbarrier.arrive $0xFFFF  }
0x129: {  	_ =	shalt  }

// kernel: kernel.9.cloned.1.call-start
scs
__scs_entry_jumppad:
0x0: {  	(pc) =	sbr.rel $0x88, $3  }
0x1: {  	(tag) =	ssettag $0x0;
	lr =	simm.s32 $0x1  }
0x2: {  	[smem:$0x3F99] =	sst lr;
	_ =	strace $0xD0000000  }
0x3: {  	_ = 	snop  }
0x4: {  	_ = 	snop  }
0x5: {  	_ = 	snop  }
0x6: {  	_ = 	snop  }
0x7: {  	_ = 	snop  }
__scs_overlays_trampoline_lowered:
0x8: {  	[smem:$0x3FA8] =	sst s0  }
0x9: {  	[smem:$0x3FA9] =	sst s1  }
0xa: {  	[smem:$0x3FAA] =	sst s2  }
0xb: {  	[smem:$0x3FAB] =	sst s3  }
0xc: {  	[smem:$0x3FAC] =	sst s4  }
0xd: {  	[smem:$0x3FAD] =	sst s5  }
0xe: {  	[smem:$0x3FAE] =	sst s6  }
0xf: {  	[smem:$0x3FAF] =	sst s7  }
0x10: {  	[smem:$0x3FB0] =	sst s8  }
0x11: {  	[smem:$0x3FB1] =	sst s9;
	s0 =	simm.s32 @!p0 $0x0  }
0x12: {  	s1 =	sld [smem:$0x3F97];
	s0 =	simm.s32 @p0 $0x1  }
0x13: {  	[smem:$0x3FB2] =	sst s0;
	s0 =	simm.s32 @!p1 $0x0  }
0x14: {  	s2 =	sld [smem:$0x3F96];
	s0 =	simm.s32 @p1 $0x1  }
0x15: {  	[smem:$0x3FB3] =	sst s0;
	s0 =	simm.s32 @!p2 $0x0  }
0x16: {  	s3 =	sld [smem:$0x3FDB];
	s0 =	simm.s32 @p2 $0x1  }
0x17: {  	s4 =	simm.s32 $0x1BF5;
	[smem:$0x3FB5] =	sst s0  }
0x18: {  	s0 =	sld [smem:$0x3F98];
	_ =	swait.ge [sflag:s4], $0x0  }
0x19: {  	s7 =	sld [smem:$0x3F99]  }
0x1a: {  	s8 =	sadd.s32 $0xFFFFE003, lr  }
0x1b: {  	s9 =	sadd.s32 $0xFFFFFEF7, lr;
	s5 =	simm.s32 $0xFFFFFFFF;
	p2 =	slt.u32 s8, $0xFFFFF086  }
0x1c: {  	p1 =	slt.u32 s9, $0xF7A;
	s5 =	simm.s32 @!p2 $0x0  }
0x1d: {  	s5 =	simm.s32 @p1 $0x1;
	p0 =	seq.s32 s7, s2  }
0x1e: {  	s7 =	smul.u32 @!p0 $0xF7A, s2;
	p2 =	seq.s32 @!p0 s5, $0x0  }
0x1f: {  	s9 =	smul.u32 $0xF7A, s1;
	s8 =	simm.s32 @!p0 $0x1BF5;
	p2 =	por !p2, p0  }
0x20: {  	[sflag:s8] =	ssyncset.s32 @!p0 $0xFFFFF086;
	s6 =	sadd.s32 @!p0 s3, s7;
	s7 =	simm.s32 @!p0 $0x108  }
0x21: {  	s3 =	sadd.s32 s3, s9;
	s6 =	sadd.s32 @!p0 $0x88, s6;
	s7 =	simm.s32 @p2 $0x1082  }
0x22: {  	[simem:s7], [sflag:s8] =	dma.local @!p0 [hbm:s6], $0xF7A  }
0x23: {  	s9 =	sor.u32 $0xD0000000, s2;
	s6 =	simm.s32 $0x108;
	_ =	swait.ge @!p0 [sflag:s8], $0x0  }
0x24: {  	s3 =	sadd.s32 $0x88, s3;
	s6 =	simm.s32 @!p1 $0x1082;
	[sflag:s4] =	ssyncset.s32 $0xFFFFF086  }
0x25: {  	[simem:s6], [sflag:s4] =	dma.local [hbm:s3], $0xF7A  }
0x26: {  	[smem:$0x3F99] =	sst s1;
	(tag) =	ssettag s2;
	_ =	strace s9  }
0x27: {  	s1 =	sld [smem:$0x3FA9]  }
0x28: {  	s2 =	sld [smem:$0x3FAA]  }
0x29: {  	s4 =	sld [smem:$0x3FAC]  }
0x2a: {  	p0 =	seq.s32 s5, $0x0;
	s5 =	sld [smem:$0x3FAD]  }
0x2b: {  	s6 =	sld [smem:$0x3FAE]  }
0x2c: {  	s7 =	sld [smem:$0x3FAF]  }
0x2d: {  	s3 =	simm.s32 $0x108;
	s8 =	sld [smem:$0x3FB0]  }
0x2e: {  	s3 =	simm.s32 @!p0 $0x1082;
	s9 =	sld [smem:$0x3FB1]  }
0x2f: {  	lr =	sadd.s32 s0, s3;
	s0 =	sld [smem:$0x3FA8]  }
0x30: {  	s3 =	sld [smem:$0x3FAB]  }
0x31: {  	[smem:$0x3FB4] =	sst s10  }
0x32: {  	s10 =	sld [smem:$0x3FB2];
	_ =	sdelay $0x3  }
0x33: {  	p0 =	seq.s32 s10, $0x1;
	s10 =	sld [smem:$0x3FB4];
	_ =	sdelay $0x3  }
0x34: {  	[smem:$0x3FB4] =	sst s10  }
0x35: {  	s10 =	sld [smem:$0x3FB3];
	_ =	sdelay $0x3  }
0x36: {  	p1 =	seq.s32 s10, $0x1;
	s10 =	sld [smem:$0x3FB4];
	_ =	sdelay $0x3  }
0x37: {  	[smem:$0x3FB4] =	sst s10  }
0x38: {  	s10 =	sld [smem:$0x3FB5]  }
0x39: {  	_ = 	snop;
	(pc) =	sbr.ind lr, $3  }
0x3a: {  	_ = 	snop  }
0x3b: {  	_ = 	snop  }
0x3c: {  	p2 =	seq.s32 s10, $0x1;
	s10 =	sld [smem:$0x3FB4]  }
0x3d: {  	_ =	shalt  }
0x3e: {  	_ =	shalt  }
0x3f: {  	_ =	shalt  }
0x40: {  	_ =	shalt  }
0x41: {  	_ =	shalt  }
0x42: {  	_ =	shalt  }
0x43: {  	_ =	shalt  }
0x44: {  	_ =	shalt  }
0x45: {  	_ =	shalt  }
0x46: {  	_ =	shalt  }
0x47: {  	_ =	shalt  }
0x48: {  	_ =	shalt  }
0x49: {  	_ =	shalt  }
0x4a: {  	_ =	shalt  }
0x4b: {  	_ =	shalt  }
0x4c: {  	_ =	shalt  }
0x4d: {  	_ =	shalt  }
0x4e: {  	_ =	shalt  }
0x4f: {  	_ =	shalt  }
0x50: {  	_ =	shalt  }
0x51: {  	_ =	shalt  }
0x52: {  	_ =	shalt  }
0x53: {  	_ =	shalt  }
0x54: {  	_ =	shalt  }
0x55: {  	_ =	shalt  }
0x56: {  	_ =	shalt  }
0x57: {  	_ =	shalt  }
0x58: {  	_ =	shalt  }
0x59: {  	_ =	shalt  }
0x5a: {  	_ =	shalt  }
0x5b: {  	_ =	shalt  }
0x5c: {  	_ =	shalt  }
0x5d: {  	_ =	shalt  }
0x5e: {  	_ =	shalt  }
0x5f: {  	_ =	shalt  }
0x60: {  	_ =	shalt  }
0x61: {  	_ =	shalt  }
0x62: {  	_ =	shalt  }
0x63: {  	_ =	shalt  }
0x64: {  	_ =	shalt  }
0x65: {  	_ =	shalt  }
0x66: {  	_ =	shalt  }
0x67: {  	_ =	shalt  }
0x68: {  	_ =	shalt  }
0x69: {  	_ =	shalt  }
0x6a: {  	_ =	shalt  }
0x6b: {  	_ =	shalt  }
0x6c: {  	_ =	shalt  }
0x6d: {  	_ =	shalt  }
0x6e: {  	_ =	shalt  }
0x6f: {  	_ =	shalt  }
0x70: {  	_ =	shalt  }
0x71: {  	_ =	shalt  }
0x72: {  	_ =	shalt  }
0x73: {  	_ =	shalt  }
0x74: {  	_ =	shalt  }
0x75: {  	_ =	shalt  }
0x76: {  	_ =	shalt  }
0x77: {  	_ =	shalt  }
0x78: {  	_ =	shalt  }
0x79: {  	_ =	shalt  }
0x7a: {  	_ =	shalt  }
0x7b: {  	_ =	shalt  }
0x7c: {  	_ =	shalt  }
0x7d: {  	_ =	shalt  }
0x7e: {  	_ =	shalt  }
0x7f: {  	_ =	shalt  }
0x80: {  	_ =	shalt  }
0x81: {  	_ =	shalt  }
0x82: {  	_ =	shalt  }
0x83: {  	_ =	shalt  }
0x84: {  	_ =	shalt  }
0x85: {  	_ =	shalt  }
0x86: {  	_ =	shalt  }
0x87: {  	_ =	shalt  }
.Lfunc_end0:
.L_simem_size_0:
called_computation_lowered:
.L_overlay_start_0:
0x88: {  	s2 =	sld [smem:$0x3FD9]  }
0x89: {  	s3 =	sld [smem:$0x3FFE];
	_ =	sdelay $0x1  }
0x8a: {  	s1 =	srdreg.scid  }
0x8b: {  	s0 =	sand.u32 $0x1, s1  }
0x8c: {  	s17 =	sshll.u32 s0, $0xA;
	s2 =	sadd.s32 s3, s2  }
0x8d: {  	s2 =	sadd.s32 s2, s17  }
0x8e: {  	[smem:$0x3FC0] =	sst s2  }
0x8f: {  	_ = 	snop  }
0x90: {  	s2 =	sld [smem:$0x3FD0];
	(tm) =	ssettm $0x1  }
0x91: {  	s18 =	sld [smem:$0x3FFB];
	_ =	sdelay $0x3  }
0x92: {  	_ =	strace s18  }
0x93: {  	s3 =	sld [smem:$0x3FFC];
	_ =	sdelay $0x3  }
0x94: {  	_ =	strace s3  }
0x95: {  	s3 =	sld [smem:$0x3FFD];
	_ =	sdelay $0x3  }
0x96: {  	_ =	strace s3  }
0x97: {  	_ =	strace $0x8FFFFFFF  }
0x98: {  	s19 =	sld [smem:$0x3FDB];
	_ =	sdelay $0x1  }
0x99: {  	s4 =	simm.s32 $_scs_section_size  }
0x9a: {  	s5 =	simm.s32 $_size__tile_overlayer_lowered;
	s6 =	simm.s32 $_tile_overlayer_lowered  }
0x9b: {  	s22 =	simm.s32 $0x1BFF;
	s21 =	sshll.u32 s6, $0x1;
	s3 =	sadd.s32 s4, s19  }
0x9c: {  	s7 =	simm.s32 $0x0;
	s20 =	sshll.u32 s5, $0x1;
	s5 =	sadd.s32 s21, s3  }
0x9d: {  	[timem:s7], [sflag:s22] =	dma.local [hbm:s5], s20  }
0x9e: {  	_ =	swait.ge [sflag:s22], s20  }
0x9f: {  	s4 =	ssub.s32 $0x0, s20;
	[sflag:s22] =	ssyncset.done $0x0  }
0xa0: {  	[sflag:s22] =	ssyncadd.s32 s4;
	_ =	sdelay $0x1  }
0xa1: {  	s23 =	simm.s32 $0x1B8B  }
0xa2: {  	_ =	swait.ge [sflag:s23], $0x1  }
0xa3: {  	[sflag:s23] =	ssyncset.done $0x0  }
0xa4: {  	s25 =	simm.s32 $0x1B8E;
	s24 =	sld [smem:$0x3FFE];
	[sflag:s23] =	ssyncadd.s32 $0xFFFFFFFF  }
0xa5: {  	s26 =	simm.s32 $execute0_lowered;
	[smem:$0x3FD2] =	sst s25  }
0xa6: {  	s5 =	sshll.u32 s26, $0x1;
	_ =	strace $0x80000046;
	[dreg:$0x1] =	wrdreg $0xFFFFFFFF  }
0xa7: {  	s28 =	simm.s32 $_size_execute0_lowered;
	s3 =	sadd.s32 s3, s5;
	[dreg:$0x0] =	wrdreg $0x0  }
0xa8: {  	s5 =	sshll.u32 s28, $0x1;
	[dreg:$0x2] =	wrdreg s3  }
0xa9: {  	[dreg:$0x3] =	wrdreg s5  }
0xaa: {  	[dreg:$0x4] =	wrdreg $0xC0  }
0xab: {  	_ =	task [dreg:s7], $0x5FFFF  }
0xac: {  	[dreg:$0x1] =	wrdreg $0xFFFFFFFF  }
0xad: {  	[dreg:$0x0] =	wrdreg $0x60  }
0xae: {  	[dreg:$0x2] =	wrdreg s24  }
0xaf: {  	[dreg:$0x3] =	wrdreg s2  }
0xb0: {  	[dreg:$0x4] =	wrdreg $0x2B100  }
0xb1: {  	[dreg:$0x5] =	wrdreg $0x9  }
0xb2: {  	_ =	task.clear_ibuf [dreg:s7], $0x6FFFF;
	_ =	strace $0x90000046  }
0xb3: {  	s29 =	simm.s32 $0x9;
	_ =	strace $0x80000048  }
0xb4: {  	_ =	swait.ge [sflag:s29], $0x1  }
0xb5: {  	[sflag:s29] =	ssyncadd.s32 $0xFFFFFFFF  }
0xb6: {  	_ =	strace $0x90000048  }
0xb7: {  	_ =	sfence  }
0xb8: {  	s30 =	sld [smem:$0x0];
	_ =	sdelay $0x2  }
0xb9: {  	s31 =	sshll.u32 s1, $0xD;
	s1 =	sshrl.u32 s1, $0x2  }
0xba: {  	s3 =	sand.u32 $0x4000, s31;
	s1 =	sadd.s32 s1, s30  }
0xbb: {  	s0 =	sor.u32 s3, s0;
	s1 =	sshll.u32 s1, $0x11  }
0xbc: {  	s0 =	sor.u32 s1, s0  }
0xbd: {  	s0 =	sadd.s32 $0x8F2B, s0  }
0xbe: {  	[sflag:s0] =	ssyncadd.remote.s32 $0x1  }
0xbf: {  	_ =	sfence.sel $0xFFFF  }
0xc0: {  	[dreg:$0x0] =	wrdreg $0xFFFFFFFF;
	(pc) =	sbr.abs _section_cstart, $3  }
0xc1: {  	[dreg:$0x1] =	wrdreg $0xFFFFFFFF  }
0xc2: {  	_ =	task.clear_ibuf [dreg:s7], $0x2FFFF;
	_ =	strace $0x9FFFFFFF  }
0xc3: {  	(tm) =	ssettm $0x7FFFFFFF  }
tec
execute0_lowered:
.L_overlay_start_1:
0x0: {  	(tag) =	ssettag $0x1  }
0x1: {  	s6 =	rddreg [dreg:$0x0]  }
0x2: {  	s2 =	rddreg [dreg:$0x1]  }
0x3: {  	s0 =	srdreg.scid;
	s3 =	rddreg [dreg:$0x2]  }
0x4: {  	s1 =	stileid.u32;
	s4 =	simm.s32 $0x0;
	s13 =	simm.s32 $0x80  }
0x5: {  	s14 =	simm.s32 $0x100;
	s15 =	simm.s32 $0x180;
	s16 =	simm.s32 $0x200  }
0x6: {  	s17 =	simm.s32 $0x280;
	s18 =	simm.s32 $0x1;
	s19 =	simm.s32 $0x2  }
0x7: {  	s20 =	simm.s32 $0x3;
	s21 =	simm.s32 $0x4;
	s22 =	simm.s32 $0x5  }
0x8: {  	s23 =	simm.s32 $0x6;
	s24 =	simm.s32 $0x10;
	s25 =	simm.s32 $0x2700  }
0x9: {  	s26 =	simm.s32 $0x0;
	s5 =	sand.u32 $0x1, s0;
	s0 =	rddreg [dreg:$0x3]  }
0xa: {  	s8 =	smul.u32 $0x1400, s1;
	[smem:$0x7FF] =	sst s4;
	s11 =	sshll.u32 s1, $0x6  }
0xb: {  	s7 =	sshll.u32 s5, $0x4;
	s9 =	smul.u32 $0x14000, s5;
	_ =	strace $0x80000047  }
0xc: {  	s10 =	ssub.s32 $0x2, s5;
	s5 =	sadd.s32 $0x16200, s6;
	s11 =	sor.u32 $0x1C07, s11  }
0xd: {  	s7 =	sor.u32 s1, s7;
	s31 =	sshrl.u32 s10, $0x1;
	s12 =	sadd.s32 s8, s3  }
0xe: {  	s7 =	smul.u32 $0x4E2, s7;
	s9 =	sadd.s32 s8, s9;
	s10 =	ssub.s32 s10, s31  }
0xf: {  	s12 =	sshrl.u32 s12, $0x3;
	s9 =	sshrl.u32 s9, $0x3;
	s8 =	smax.u32 s10, $0x1  }
0x10: {  	s10 =	simm.s32 $0x7;
	s7 =	sadd.s32 s7, s6;
	s9 =	sadd.s32 s9, s6  }
0x11: {  	s6 =	sadd.s32 $0x2600, s7;
	s7 =	sadd.s32 $0x16400, s9;
	s9 =	simm.s32 $0x2710  }
.LBB2_1:
0x12: {  	[tilespmem:s9], [sflag:$0x7] =	stream.linear.gather [hbm4b:s5+s4], $0x400, $0x38;
	[tilespmem:$0x3F10] =	vst v63  }
0x13: {  	_ =	swait.ge [sflag:s10], $0x400  }
0x14: {  	[sflag:s10] =	ssyncset.done $0x0  }
0x15: {  	[sflag:s10] =	ssyncadd.s32 $0xFFFFFC00  }
0x16: {  	[spmem:s12], [sflag:s11] =	dma.local [hbm:s2], $0x280  }
0x17: {  	_ =	swait.ge [sflag:s10], $0x280  }
0x18: {  	[sflag:s10] =	ssyncset.done $0x0  }
0x19: {  	[sflag:s10] =	ssyncadd.s32 $0xFFFFFD80  }
0x1a: {  	[tilespmem:s4], [sflag:$0x7] =	stream.linear.gather [hbm4b:s6+s4], $0x2710, $0x38;
	[tilespmem:$0x3F10] =	vst v63  }
0x1b: {  	_ =	swait.ge [sflag:s10], $0x2710  }
0x1c: {  	[sflag:s10] =	ssyncset.done $0x0  }
0x1d: {  	[sflag:s10] =	ssyncadd.s32 $0xFFFFD8F0  }
0x1e: {  	[bflag:$0x0] =	sbarrier.arrive $0xFFFF  }
0x1f: {  	[spmem:s3] =	stream.indirect.scatter.add.f32 [tilespmem:s9], [sflag:$0x1], $0x8, s4, s13, $0xb8;
	[tilespmem:$0x3F10] =	vst v63  }
0x20: {  	_ = 	snop  }
0x21: {  	[spmem:s3] =	stream.indirect.scatter.add.f32 [tilespmem:s9], [sflag:$0x2], $0x8, s13, s13, $0xb8;
	[tilespmem:$0x3F10] =	vst v63  }
0x22: {  	_ = 	snop  }
0x23: {  	[spmem:s3] =	stream.indirect.scatter.add.f32 [tilespmem:s9], [sflag:$0x3], $0x8, s14, s13, $0xb8;
	[tilespmem:$0x3F10] =	vst v63  }
0x24: {  	_ = 	snop  }
0x25: {  	[spmem:s3] =	stream.indirect.scatter.add.f32 [tilespmem:s9], [sflag:$0x4], $0x8, s15, s13, $0xb8;
	[tilespmem:$0x3F10] =	vst v63  }
0x26: {  	_ = 	snop  }
0x27: {  	[spmem:s3] =	stream.indirect.scatter.add.f32 [tilespmem:s9], [sflag:$0x5], $0x8, s16, s13, $0xb8;
	[tilespmem:$0x3F10] =	vst v63  }
0x28: {  	_ = 	snop  }
0x29: {  	[spmem:s3] =	stream.indirect.scatter.add.f32 [tilespmem:s9], [sflag:$0x6], $0x8, s17, s13, $0xb8;
	[tilespmem:$0x3F10] =	vst v63  }
0x2a: {  	_ =	swait.ge [sflag:s18], $0x400  }
0x2b: {  	[sflag:s18] =	ssyncset.done $0x0  }
0x2c: {  	s28 =	simm.s32 $0x300;
	[sflag:s18] =	ssyncadd.s32 $0xFFFFFC00  }
0x2d: {  	[spmem:s3] =	stream.indirect.scatter.add.f32 [tilespmem:s9], [sflag:$0x1], $0x8, s28, s13, $0xb8;
	[tilespmem:$0x3F10] =	vst v63  }
0x2e: {  	_ =	swait.ge [sflag:s19], $0x400  }
0x2f: {  	[sflag:s19] =	ssyncset.done $0x0  }
0x30: {  	s28 =	simm.s32 $0x380;
	[sflag:s19] =	ssyncadd.s32 $0xFFFFFC00  }
0x31: {  	[spmem:s3] =	stream.indirect.scatter.add.f32 [tilespmem:s9], [sflag:$0x2], $0x8, s28, s13, $0xb8;
	[tilespmem:$0x3F10] =	vst v63  }
0x32: {  	_ =	swait.ge [sflag:s20], $0x400  }
0x33: {  	[sflag:s20] =	ssyncset.done $0x0  }
0x34: {  	s28 =	simm.s32 $0x400;
	[sflag:s20] =	ssyncadd.s32 $0xFFFFFC00  }
0x35: {  	[spmem:s3] =	stream.indirect.scatter.add.f32 [tilespmem:s9], [sflag:$0x3], $0x8, s28, s13, $0xb8;
	[tilespmem:$0x3F10] =	vst v63  }
0x36: {  	_ =	swait.ge [sflag:s21], $0x400  }
0x37: {  	[sflag:s21] =	ssyncset.done $0x0  }
0x38: {  	s28 =	simm.s32 $0x480;
	[sflag:s21] =	ssyncadd.s32 $0xFFFFFC00  }
0x39: {  	[spmem:s3] =	stream.indirect.scatter.add.f32 [tilespmem:s9], [sflag:$0x4], $0x8, s28, s13, $0xb8;
	[tilespmem:$0x3F10] =	vst v63  }
0x3a: {  	_ =	swait.ge [sflag:s22], $0x400  }
0x3b: {  	[sflag:s22] =	ssyncset.done $0x0  }
0x3c: {  	s28 =	simm.s32 $0x500;
	[sflag:s22] =	ssyncadd.s32 $0xFFFFFC00  }
0x3d: {  	[spmem:s3] =	stream.indirect.scatter.add.f32 [tilespmem:s9], [sflag:$0x5], $0x8, s28, s13, $0xb8;
	[tilespmem:$0x3F10] =	vst v63  }
0x3e: {  	_ =	swait.ge [sflag:s23], $0x400  }
0x3f: {  	[sflag:s23] =	ssyncset.done $0x0  }
0x40: {  	s29 =	simm.s32 $0x580;
	s28 =	simm.s32 $0xC00;
	[sflag:s23] =	ssyncadd.s32 $0xFFFFFC00  }
.LBB2_2:
0x41: {  	[spmem:s3] =	stream.indirect.scatter.add.f32 [tilespmem:s9], [sflag:$0x6], $0x8, s29, s13, $0xb8;
	[tilespmem:$0x3F10] =	vst v63  }
0x42: {  	s29 =	smov.u32 s28  }
0x43: {  	p0 =	sne.s32 s28, $0x8400;
	s28 =	sadd.s32 $0xC00, s28;
	_ =	swait.ge [sflag:s18], $0x400  }
0x44: {  	s29 =	sshra.s32 s29, $0x2;
	[sflag:s18] =	ssyncset.done $0x0  }
0x45: {  	s30 =	sadd.s32 $0x300, s29;
	[sflag:s18] =	ssyncadd.s32 $0xFFFFFC00  }
0x46: {  	[spmem:s3] =	stream.indirect.scatter.add.f32 [tilespmem:s9], [sflag:$0x1], $0x8, s30, s13, $0xb8;
	[tilespmem:$0x3F10] =	vst v63  }
0x47: {  	_ =	swait.ge [sflag:s19], $0x400  }
0x48: {  	[sflag:s19] =	ssyncset.done $0x0  }
0x49: {  	s30 =	sadd.s32 $0x380, s29;
	[sflag:s19] =	ssyncadd.s32 $0xFFFFFC00  }
0x4a: {  	[spmem:s3] =	stream.indirect.scatter.add.f32 [tilespmem:s9], [sflag:$0x2], $0x8, s30, s13, $0xb8;
	[tilespmem:$0x3F10] =	vst v63  }
0x4b: {  	_ =	swait.ge [sflag:s20], $0x400  }
0x4c: {  	[sflag:s20] =	ssyncset.done $0x0  }
0x4d: {  	s30 =	sadd.s32 $0x400, s29;
	[sflag:s20] =	ssyncadd.s32 $0xFFFFFC00  }
0x4e: {  	[spmem:s3] =	stream.indirect.scatter.add.f32 [tilespmem:s9], [sflag:$0x3], $0x8, s30, s13, $0xb8;
	[tilespmem:$0x3F10] =	vst v63  }
0x4f: {  	_ =	swait.ge [sflag:s21], $0x400  }
0x50: {  	[sflag:s21] =	ssyncset.done $0x0  }
0x51: {  	s30 =	sadd.s32 $0x480, s29;
	[sflag:s21] =	ssyncadd.s32 $0xFFFFFC00  }
0x52: {  	[spmem:s3] =	stream.indirect.scatter.add.f32 [tilespmem:s9], [sflag:$0x4], $0x8, s30, s13, $0xb8;
	[tilespmem:$0x3F10] =	vst v63  }
0x53: {  	_ =	swait.ge [sflag:s22], $0x400  }
0x54: {  	[sflag:s22] =	ssyncset.done $0x0  }
.Ltmp0:
0x55: {  	s30 =	sadd.s32 $0x500, s29;
	[sflag:s22] =	ssyncadd.s32 $0xFFFFFC00;
	(pc) =	sbr.rel @p0 .LBB2_2-.Ltmp0, $4  }
0x56: {  	[spmem:s3] =	stream.indirect.scatter.add.f32 [tilespmem:s9], [sflag:$0x5], $0x8, s30, s13, $0xb8;
	[tilespmem:$0x3F10] =	vst v63  }
0x57: {  	_ =	swait.ge [sflag:s23], $0x400  }
0x58: {  	[sflag:s23] =	ssyncset.done $0x0  }
0x59: {  	s29 =	sadd.s32 $0x580, s29;
	[sflag:s23] =	ssyncadd.s32 $0xFFFFFC00  }
0x5a: {  	[spmem:s3] =	stream.indirect.scatter.add.f32 [tilespmem:s9], [sflag:$0x6], $0x8, s29, s13, $0xb8;
	[tilespmem:$0x3F10] =	vst v63  }
0x5b: {  	_ = 	snop  }
0x5c: {  	[spmem:s3] =	stream.indirect.scatter.add.f32 [tilespmem:s9], [sflag:$0x7], $0x8, s25, s24, $0xb8;
	[tilespmem:$0x3F10] =	vst v63  }
0x5d: {  	_ =	swait.ge [sflag:s10], $0x80  }
0x5e: {  	[sflag:s10] =	ssyncset.done $0x0  }
0x5f: {  	[sflag:s10] =	ssyncadd.s32 $0xFFFFFF80  }
0x60: {  	_ =	swait.ge [sflag:s18], $0x400  }
0x61: {  	[sflag:s18] =	ssyncset.done $0x0  }
0x62: {  	[sflag:s18] =	ssyncadd.s32 $0xFFFFFC00  }
0x63: {  	_ =	swait.ge [sflag:s19], $0x400  }
0x64: {  	[sflag:s19] =	ssyncset.done $0x0  }
0x65: {  	[sflag:s19] =	ssyncadd.s32 $0xFFFFFC00  }
0x66: {  	_ =	swait.ge [sflag:s20], $0x400  }
0x67: {  	[sflag:s20] =	ssyncset.done $0x0  }
0x68: {  	[sflag:s20] =	ssyncadd.s32 $0xFFFFFC00  }
0x69: {  	_ =	swait.ge [sflag:s21], $0x400  }
0x6a: {  	[sflag:s21] =	ssyncset.done $0x0  }
0x6b: {  	[sflag:s21] =	ssyncadd.s32 $0xFFFFFC00  }
0x6c: {  	_ =	swait.ge [sflag:s22], $0x400  }
0x6d: {  	[sflag:s22] =	ssyncset.done $0x0  }
0x6e: {  	[sflag:s22] =	ssyncadd.s32 $0xFFFFFC00  }
0x6f: {  	_ =	swait.ge [sflag:s23], $0x400  }
0x70: {  	s26 =	sadd.s32 $0x1, s26;
	[sflag:s23] =	ssyncset.done $0x0  }
0x71: {  	p0 =	sne.s32 s26, s8;
	[sflag:s23] =	ssyncadd.s32 $0xFFFFFC00  }
.Ltmp1:
0x72: {  	[bflag:$0x0] =	sbarrier.arrive $0xFFFF;
	(pc) =	sbr.rel @p0 .LBB2_1-.Ltmp1, $4  }
0x73: {  	[hbm:s7], [sflag:s11] =	dma.local [spmem:s12], $0x280  }
0x74: {  	_ =	swait.ge [sflag:s10], $0x280  }
0x75: {  	[sflag:s10] =	ssyncset.done $0x0  }
0x76: {  	[sflag:s10] =	ssyncadd.s32 $0xFFFFFD80  }
0x77: {  	_ =	sfence.sel $0x180000  }
0x78: {  	[bflag:$0x0] =	sbarrier.arrive $0xFFFF  }
0x79: {  	p0 =	sne.s32 s1, $0x0;
	_ =	strace $0x90000047  }
0x7a: {  	s0 =	sadd.s32 @!p0 $0x100000, s0;
	[bflag:$0x2] =	sbarrier.arrive $0xFFFF  }
0x7b: {  	[sflag:s0] =	ssyncadd.tile.s32 @!p0 $0x1;
	_ =	shalt  }
.Lfunc_end2:
_tile_overlayer_lowered:
.L_overlay_start_2:
0x7c: {  	(tag) =	ssettag $0x2  }
0x7d: {  	s0 =	rddreg [dreg:$0x0];
	s2 =	stileid.u32  }
0x7e: {  	s1 =	rddreg [dreg:$0x1];
	p0 =	sne.s32 s2, $0x0  }
0x7f: {  	s3 =	rddreg [dreg:$0x2];
	[bflag:$0x3] =	sbarrier.arrive $0xFFFF;
	s2 =	simm.s32 @!p0 $0x1C07  }
0x80: {  	[timem:s3], [sflag:s2] =	dma.local @!p0 [hbm:s0], s1  }
0x81: {  	s0 =	simm.s32 @!p0 $0x7  }
0x82: {  	_ =	swait.ge @!p0 [sflag:s0], s1  }
0x83: {  	s1 =	ssub.s32 @!p0 $0x0, s1;
	[sflag:s0] =	ssyncset.done @!p0 $0x0  }
0x84: {  	[sflag:s0] =	ssyncadd.s32 @!p0 s1  }
0x85: {  	[bflag:$0x3] =	sbarrier.arrive $0xFFFF  }
0x86: {  	_ =	shalt  }

</sc_bundles>
